<compile_context>
chip_gen: v7x
topology: tpu7x:2x2x1
jax: 0.10.2.dev20260603
libtpu: 0.0.44.dev20260713+nightly
codegen_flags: <defaults>
</compile_context>

<pallas_src>
import functools

import jax
import jax.numpy as jnp
from jax import lax
from jax.experimental import pallas as pl
from jax.experimental.pallas import tpu as pltpu
from jax.experimental.pallas import tpu_sc as plsc

_NUM_ITEM = 1000000
_FEAT_DIM = 32
_BATCH = 16384

_info = plsc.get_sparse_core_info()
_NC = _info.num_cores
_NS = _info.num_subcores
_NW = _NC * _NS
_B_PER_W = _BATCH // _NW
_G = 4
_LANES = 128

_mesh = plsc.VectorSubcoreMesh(core_axis_name="c", subcore_axis_name="s")


@functools.partial(
    pl.kernel,
    mesh=_mesh,
    out_type=(
        jax.ShapeDtypeStruct((_FEAT_DIM, _BATCH), jnp.float32),
        jax.ShapeDtypeStruct((_FEAT_DIM, _BATCH), jnp.float32),
    ),
    scratch_types=[
        pltpu.VMEM((_B_PER_W,), jnp.int32),
        pltpu.VMEM((2 * _G, _FEAT_DIM, _LANES), jnp.float32),
        pltpu.VMEM((2 * _G, _FEAT_DIM, _LANES), jnp.float32),
        pltpu.VMEM((_FEAT_DIM, _B_PER_W), jnp.float32),
        pltpu.VMEM((_FEAT_DIM, _B_PER_W), jnp.float32),
        pltpu.SemaphoreType.DMA,
        pltpu.SemaphoreType.DMA,
    ],
    compiler_params=pltpu.CompilerParams(disable_bounds_checks=True,
                                         needs_layout_passes=False),
)
def _gather2(idx_hbm, mu_hbm, lv_hbm, mu_out, lv_out,
             idx_v, mu_b, lv_b, mu_st, lv_st, sem_mu, sem_lv):
    wid = lax.axis_index("s") * _NC + lax.axis_index("c")
    base = wid * _B_PER_W
    pltpu.sync_copy(idx_hbm.at[pl.ds(base, _B_PER_W)], idx_v)
    iota = lax.iota(jnp.int32, 16)
    iota_hi = iota + 16

    def issue(v, q, bank):
        copies = []
        for j in range(_G):
            c = v[q * _G + j]
            col = pl.multiple_of(lax.bitwise_and(c, jnp.int32(-_LANES)),
                                 _LANES)
            slot = bank * _G + j
            copies.append(pltpu.async_copy(
                mu_hbm.at[:, pl.ds(col, _LANES)], mu_b.at[slot], sem_mu))
            copies.append(pltpu.async_copy(
                lv_hbm.at[:, pl.ds(col, _LANES)], lv_b.at[slot], sem_lv))
        return copies

    def extract(v, q, bank, k):
        for j in range(_G):
            c = v[q * _G + j]
            lane = jnp.full((16,), lax.bitwise_and(c, jnp.int32(_LANES - 1)),
                            jnp.int32)
            cpos = jnp.full((16,), k * 16 + q * _G + j, jnp.int32)
            slot = bank * _G + j
            for st, bufs in ((mu_st, mu_b), (lv_st, lv_b)):
                r0 = plsc.load_gather(bufs.at[slot], [iota, lane])
                r1 = plsc.load_gather(bufs.at[slot], [iota_hi, lane])
                plsc.store_scatter(st, [iota, cpos], r0)
                plsc.store_scatter(st, [iota_hi, cpos], r1)

    def body(k, _):
        v = idx_v[pl.ds(k * 16, 16)]
        cps = [issue(v, 0, 0), issue(v, 1, 1)]
        for q in range(4):
            for cp in cps[q]:
                cp.wait()
            extract(v, q, q % 2, k)
            if q + 2 < 4:
                cps.append(issue(v, q + 2, q % 2))
        return 0

    lax.fori_loop(0, _B_PER_W // 16, body, 0)
    pltpu.sync_copy(mu_st, mu_out.at[:, pl.ds(base, _B_PER_W)])
    pltpu.sync_copy(lv_st, lv_out.at[:, pl.ds(base, _B_PER_W)])


def kernel(item_index, mu_table, logvar_table):
    idx = jnp.squeeze(item_index, axis=1)
    mu_t, lv_t = _gather2(idx, mu_table.T, logvar_table.T)
    return (mu_t.T, lv_t.T)

# --- scband reference (transcript-rebuilt; emitter-appended) ---
"""Pipeline reference for scband-item-inference-network-44659069944382 (READ-ONLY COPY).

The authoritative reference and input builder live on the scoring server;
editing this copy changes nothing except your own understanding.
"""

import jax, jax.numpy as jnp
import numpy as np

NUM_ITEM = 1000000
FEAT_DIM = 32
BATCH = 16384

def setup_inputs(seed: int = 0) -> dict:
    key = jax.random.key(seed)
    k1, k2, k3 = jax.random.split(key, 3)
    item_index = jax.random.randint(k1, (BATCH, 1), 0, NUM_ITEM, dtype=jnp.int32)
    mu_table = jax.random.normal(k2, (NUM_ITEM, FEAT_DIM), dtype=jnp.float32)
    logvar_table = jax.random.normal(k3, (NUM_ITEM, FEAT_DIM), dtype=jnp.float32)
    return {"item_index": item_index, "mu_table": mu_table, "logvar_table": logvar_table}

def reference(item_index, mu_table, logvar_table):
    idx = jnp.squeeze(item_index, axis=1)
    mu = jnp.take(mu_table, idx, axis=0)
    logvar = jnp.take(logvar_table, idx, axis=0)
    return (mu, logvar)

if __name__ == "__main__":
    import jax
    _d = setup_inputs()
    print(jax.jit(kernel)(*tuple(_d.values())))

</pallas_src>

<mosaic_0001>
#map = affine_map<(d0, d1) -> (0)>
#map1 = affine_map<(d0, d1) -> (0, 0)>
module attributes {stable_mosaic.version = 14 : i64} {
  func.func @_gather2(%arg0: i32, %arg1: i32, %arg2: memref<16384xi32, #tpu.memory_space<hbm>>, %arg3: memref<32x1000000xf32, #tpu.memory_space<hbm>>, %arg4: memref<32x1000000xf32, #tpu.memory_space<hbm>>, %arg5: memref<32x16384xf32, #tpu.memory_space<hbm>>, %arg6: memref<32x16384xf32, #tpu.memory_space<hbm>>, %arg7: memref<512xi32, #tpu.memory_space<vmem>>, %arg8: memref<8x32x128xf32, #tpu.memory_space<vmem>>, %arg9: memref<8x32x128xf32, #tpu.memory_space<vmem>>, %arg10: memref<32x512xf32, #tpu.memory_space<vmem>>, %arg11: memref<32x512xf32, #tpu.memory_space<vmem>>, %arg12: memref<!tpu.dma_semaphore, #tpu.memory_space<semaphore_mem>>, %arg13: memref<!tpu.dma_semaphore, #tpu.memory_space<semaphore_mem>>) attributes {dimension_semantics = [#tpu.dimension_semantics<core_parallel>, #tpu.dimension_semantics<subcore_parallel>], iteration_bounds = array<i64: 2, 16>, scalar_prefetch = 0 : i64, scratch_operands = 7 : i64, tpu.core_type = #tpu.core_type<sc_vector_subcore>, window_params = [{transform_indices = #map}, {transform_indices = #map1}, {transform_indices = #map1}, {transform_indices = #map1}, {transform_indices = #map1}]} {
    %mul3A = arith.constant 2 : i32
    %mul3A_0 = arith.muli %arg1, %mul3A : i32
    %add3A = arith.addi %mul3A_0, %arg0 : i32
    %mul3A_1 = arith.constant 512 : i32
    %mul3A_2 = arith.muli %add3A, %mul3A_1 : i32
    "tpu.region"() ({
      %run_scoped3A = tpu.sem_alloc : memref<!tpu.dma_semaphore, #tpu.memory_space<semaphore_mem>>
      %dma_start3A = tpu.memref_slice %arg2[%mul3A_2] : memref<16384xi32, #tpu.memory_space<hbm>> -> memref<512xi32, #tpu.memory_space<hbm>>
      %dma_start3A_12 = tpu.memref_slice %arg2[%mul3A_2] : memref<16384xi32, #tpu.memory_space<hbm>> -> memref<512xi32, #tpu.memory_space<hbm>>
      tpu.enqueue_dma source(%dma_start3A_12 : memref<512xi32, #tpu.memory_space<hbm>>) target(%arg7 : memref<512xi32, #tpu.memory_space<vmem>>) target_semaphore(%run_scoped3A : memref<!tpu.dma_semaphore, #tpu.memory_space<semaphore_mem>>)
      %dma_wait3A = tpu.memref_slice %arg2[%mul3A_2] : memref<16384xi32, #tpu.memory_space<hbm>> -> memref<512xi32, #tpu.memory_space<hbm>>
      %dma_wait3A_13 = tpu.memref_slice %arg2[%mul3A_2] : memref<16384xi32, #tpu.memory_space<hbm>> -> memref<512xi32, #tpu.memory_space<hbm>>
      tpu.wait_dma2 semaphore(%run_scoped3A : memref<!tpu.dma_semaphore, #tpu.memory_space<semaphore_mem>>) src(%dma_wait3A_13 : memref<512xi32, #tpu.memory_space<hbm>>) dst(%arg7 : memref<512xi32, #tpu.memory_space<vmem>>)
      tpu.yield
    }) : () -> ()
    %iota3A = tpu.iota {dimensions = array<i32: 0>} : vector<16xi32>
    %add3A_3 = arith.constant 16 : i32
    %add3A_4 = vector.broadcast %add3A_3 : i32 to vector<16xi32>
    %add3A_5 = arith.addi %iota3A, %add3A_4 : vector<16xi32>
    %scan3A = arith.constant 0 : i32
    %scan3A_6 = arith.constant 0 : i32
    %scan3A_7 = arith.constant 32 : i32
    %scan3A_8 = arith.addi %scan3A_6, %scan3A_7 : i32
    %scan3A_9 = arith.constant 1 : i32
    %scan3A_10 = scf.for %scan3A_12 = %scan3A_6 to %scan3A_8 step %scan3A_9 iter_args(%scan3A_13 = %scan3A) -> (i32)  : i32 {
      %mul3A_14 = arith.constant 16 : i32
      %mul3A_15 = arith.muli %scan3A_12, %mul3A_14 : i32
      %get3A = arith.index_cast %mul3A_15 : i32 to index
      %get3A_16 = tpu.vector_load %arg7[%get3A] {strides = array<i32>} : memref<512xi32, #tpu.memory_space<vmem>>, vector<16xi32>,
      %slice3A = vector.extract_strided_slice %get3A_16 {offsets = [0], sizes = [1], strides = [1]} : vector<16xi32> to vector<1xi32>
      %squeeze3A = vector.extract %slice3A[0] : i32 from vector<1xi32>
      %and3A = arith.constant -128 : i32
      %and3A_17 = arith.andi %squeeze3A, %and3A : i32
      %multiple_of3A = tpu.assume_multiple %and3A_17, 128 : i32
      %dma_start3A = arith.constant 0 : i32
      %dma_start3A_18 = arith.constant 0 : i32
      %dma_start3A_19 = arith.constant 0 : i32
      %dma_start3A_20 = tpu.memref_slice %arg8[%dma_start3A, %dma_start3A_18, %dma_start3A_19] : memref<8x32x128xf32, #tpu.memory_space<vmem>> -> memref<1x32x128xf32, #tpu.memory_space<vmem>>
      %dma_start3A_21 = tpu.memref_squeeze %dma_start3A_20 : memref<1x32x128xf32, #tpu.memory_space<vmem>> -> memref<32x128xf32, #tpu.memory_space<vmem>>
      %dma_start3A_22 = arith.constant 0 : i32
      %dma_start3A_23 = tpu.memref_slice %arg3[%dma_start3A_22, %multiple_of3A] : memref<32x1000000xf32, #tpu.memory_space<hbm>> -> memref<32x128xf32, #tpu.memory_space<hbm>>
      %dma_start3A_24 = arith.constant 0 : i32
      %dma_start3A_25 = arith.constant 0 : i32
      %dma_start3A_26 = tpu.memref_slice %arg8[%dma_start3A, %dma_start3A_24, %dma_start3A_25] : memref<8x32x128xf32, #tpu.memory_space<vmem>> -> memref<1x32x128xf32, #tpu.memory_space<vmem>>
      %dma_start3A_27 = tpu.memref_squeeze %dma_start3A_26 : memref<1x32x128xf32, #tpu.memory_space<vmem>> -> memref<32x128xf32, #tpu.memory_space<vmem>>
      %dma_start3A_28 = arith.constant 0 : i32
      %dma_start3A_29 = tpu.memref_slice %arg3[%dma_start3A_28, %multiple_of3A] : memref<32x1000000xf32, #tpu.memory_space<hbm>> -> memref<32x128xf32, #tpu.memory_space<hbm>>
      tpu.enqueue_dma source(%dma_start3A_29 : memref<32x128xf32, #tpu.memory_space<hbm>>) target(%dma_start3A_27 : memref<32x128xf32, #tpu.memory_space<vmem>>) target_semaphore(%arg12 : memref<!tpu.dma_semaphore, #tpu.memory_space<semaphore_mem>>)
      %dma_start3A_30 = arith.constant 0 : i32
      %dma_start3A_31 = arith.constant 0 : i32
      %dma_start3A_32 = arith.constant 0 : i32
      %dma_start3A_33 = tpu.memref_slice %arg9[%dma_start3A_30, %dma_start3A_31, %dma_start3A_32] : memref<8x32x128xf32, #tpu.memory_space<vmem>> -> memref<1x32x128xf32, #tpu.memory_space<vmem>>
      %dma_start3A_34 = tpu.memref_squeeze %dma_start3A_33 : memref<1x32x128xf32, #tpu.memory_space<vmem>> -> memref<32x128xf32, #tpu.memory_space<vmem>>
      %dma_start3A_35 = arith.constant 0 : i32
      %dma_start3A_36 = tpu.memref_slice %arg4[%dma_start3A_35, %multiple_of3A] : memref<32x1000000xf32, #tpu.memory_space<hbm>> -> memref<32x128xf32, #tpu.memory_space<hbm>>
      %dma_start3A_37 = arith.constant 0 : i32
      %dma_start3A_38 = arith.constant 0 : i32
      %dma_start3A_39 = tpu.memref_slice %arg9[%dma_start3A_30, %dma_start3A_37, %dma_start3A_38] : memref<8x32x128xf32, #tpu.memory_space<vmem>> -> memref<1x32x128xf32, #tpu.memory_space<vmem>>
      %dma_start3A_40 = tpu.memref_squeeze %dma_start3A_39 : memref<1x32x128xf32, #tpu.memory_space<vmem>> -> memref<32x128xf32, #tpu.memory_space<vmem>>
      %dma_start3A_41 = arith.constant 0 : i32
      %dma_start3A_42 = tpu.memref_slice %arg4[%dma_start3A_41, %multiple_of3A] : memref<32x1000000xf32, #tpu.memory_space<hbm>> -> memref<32x128xf32, #tpu.memory_space<hbm>>
      tpu.enqueue_dma source(%dma_start3A_42 : memref<32x128xf32, #tpu.memory_space<hbm>>) target(%dma_start3A_40 : memref<32x128xf32, #tpu.memory_space<vmem>>) target_semaphore(%arg13 : memref<!tpu.dma_semaphore, #tpu.memory_space<semaphore_mem>>)
      %slice3A_43 = vector.extract_strided_slice %get3A_16 {offsets = [1], sizes = [1], strides = [1]} : vector<16xi32> to vector<1xi32>
      %squeeze3A_44 = vector.extract %slice3A_43[0] : i32 from vector<1xi32>
      %and3A_45 = arith.constant -128 : i32
      %and3A_46 = arith.andi %squeeze3A_44, %and3A_45 : i32
      %multiple_of3A_47 = tpu.assume_multiple %and3A_46, 128 : i32
      %dma_start3A_48 = arith.constant 1 : i32
      %dma_start3A_49 = arith.constant 0 : i32
      %dma_start3A_50 = arith.constant 0 : i32
      %dma_start3A_51 = tpu.memref_slice %arg8[%dma_start3A_48, %dma_start3A_49, %dma_start3A_50] : memref<8x32x128xf32, #tpu.memory_space<vmem>> -> memref<1x32x128xf32, #tpu.memory_space<vmem>>
      %dma_start3A_52 = tpu.memref_squeeze %dma_start3A_51 : memref<1x32x128xf32, #tpu.memory_space<vmem>> -> memref<32x128xf32, #tpu.memory_space<vmem>>
      %dma_start3A_53 = arith.constant 0 : i32
      %dma_start3A_54 = tpu.memref_slice %arg3[%dma_start3A_53, %multiple_of3A_47] : memref<32x1000000xf32, #tpu.memory_space<hbm>> -> memref<32x128xf32, #tpu.memory_space<hbm>>
      %dma_start3A_55 = arith.constant 0 : i32
      %dma_start3A_56 = arith.constant 0 : i32
      %dma_start3A_57 = tpu.memref_slice %arg8[%dma_start3A_48, %dma_start3A_55, %dma_start3A_56] : memref<8x32x128xf32, #tpu.memory_space<vmem>> -> memref<1x32x128xf32, #tpu.memory_space<vmem>>
      %dma_start3A_58 = tpu.memref_squeeze %dma_start3A_57 : memref<1x32x128xf32, #tpu.memory_space<vmem>> -> memref<32x128xf32, #tpu.memory_space<vmem>>
      %dma_start3A_59 = arith.constant 0 : i32
      %dma_start3A_60 = tpu.memref_slice %arg3[%dma_start3A_59, %multiple_of3A_47] : memref<32x1000000xf32, #tpu.memory_space<hbm>> -> memref<32x128xf32, #tpu.memory_space<hbm>>
      tpu.enqueue_dma source(%dma_start3A_60 : memref<32x128xf32, #tpu.memory_space<hbm>>) target(%dma_start3A_58 : memref<32x128xf32, #tpu.memory_space<vmem>>) target_semaphore(%arg12 : memref<!tpu.dma_semaphore, #tpu.memory_space<semaphore_mem>>)
      %dma_start3A_61 = arith.constant 1 : i32
      %dma_start3A_62 = arith.constant 0 : i32
      %dma_start3A_63 = arith.constant 0 : i32
      %dma_start3A_64 = tpu.memref_slice %arg9[%dma_start3A_61, %dma_start3A_62, %dma_start3A_63] : memref<8x32x128xf32, #tpu.memory_space<vmem>> -> memref<1x32x128xf32, #tpu.memory_space<vmem>>
      %dma_start3A_65 = tpu.memref_squeeze %dma_start3A_64 : memref<1x32x128xf32, #tpu.memory_space<vmem>> -> memref<32x128xf32, #tpu.memory_space<vmem>>
      %dma_start3A_66 = arith.constant 0 : i32
      %dma_start3A_67 = tpu.memref_slice %arg4[%dma_start3A_66, %multiple_of3A_47] : memref<32x1000000xf32, #tpu.memory_space<hbm>> -> memref<32x128xf32, #tpu.memory_space<hbm>>
      %dma_start3A_68 = arith.constant 0 : i32
      %dma_start3A_69 = arith.constant 0 : i32
      %dma_start3A_70 = tpu.memref_slice %arg9[%dma_start3A_61, %dma_start3A_68, %dma_start3A_69] : memref<8x32x128xf32, #tpu.memory_space<vmem>> -> memref<1x32x128xf32, #tpu.memory_space<vmem>>
      %dma_start3A_71 = tpu.memref_squeeze %dma_start3A_70 : memref<1x32x128xf32, #tpu.memory_space<vmem>> -> memref<32x128xf32, #tpu.memory_space<vmem>>
      %dma_start3A_72 = arith.constant 0 : i32
      %dma_start3A_73 = tpu.memref_slice %arg4[%dma_start3A_72, %multiple_of3A_47] : memref<32x1000000xf32, #tpu.memory_space<hbm>> -> memref<32x128xf32, #tpu.memory_space<hbm>>
      tpu.enqueue_dma source(%dma_start3A_73 : memref<32x128xf32, #tpu.memory_space<hbm>>) target(%dma_start3A_71 : memref<32x128xf32, #tpu.memory_space<vmem>>) target_semaphore(%arg13 : memref<!tpu.dma_semaphore, #tpu.memory_space<semaphore_mem>>)
      %slice3A_74 = vector.extract_strided_slice %get3A_16 {offsets = [2], sizes = [1], strides = [1]} : vector<16xi32> to vector<1xi32>
      %squeeze3A_75 = vector.extract %slice3A_74[0] : i32 from vector<1xi32>
      %and3A_76 = arith.constant -128 : i32
      %and3A_77 = arith.andi %squeeze3A_75, %and3A_76 : i32
      %multiple_of3A_78 = tpu.assume_multiple %and3A_77, 128 : i32
      %dma_start3A_79 = arith.constant 2 : i32
      %dma_start3A_80 = arith.constant 0 : i32
      %dma_start3A_81 = arith.constant 0 : i32
      %dma_start3A_82 = tpu.memref_slice %arg8[%dma_start3A_79, %dma_start3A_80, %dma_start3A_81] : memref<8x32x128xf32, #tpu.memory_space<vmem>> -> memref<1x32x128xf32, #tpu.memory_space<vmem>>
      %dma_start3A_83 = tpu.memref_squeeze %dma_start3A_82 : memref<1x32x128xf32, #tpu.memory_space<vmem>> -> memref<32x128xf32, #tpu.memory_space<vmem>>
      %dma_start3A_84 = arith.constant 0 : i32
      %dma_start3A_85 = tpu.memref_slice %arg3[%dma_start3A_84, %multiple_of3A_78] : memref<32x1000000xf32, #tpu.memory_space<hbm>> -> memref<32x128xf32, #tpu.memory_space<hbm>>
      %dma_start3A_86 = arith.constant 0 : i32
      %dma_start3A_87 = arith.constant 0 : i32
      %dma_start3A_88 = tpu.memref_slice %arg8[%dma_start3A_79, %dma_start3A_86, %dma_start3A_87] : memref<8x32x128xf32, #tpu.memory_space<vmem>> -> memref<1x32x128xf32, #tpu.memory_space<vmem>>
      %dma_start3A_89 = tpu.memref_squeeze %dma_start3A_88 : memref<1x32x128xf32, #tpu.memory_space<vmem>> -> memref<32x128xf32, #tpu.memory_space<vmem>>
      %dma_start3A_90 = arith.constant 0 : i32
      %dma_start3A_91 = tpu.memref_slice %arg3[%dma_start3A_90, %multiple_of3A_78] : memref<32x1000000xf32, #tpu.memory_space<hbm>> -> memref<32x128xf32, #tpu.memory_space<hbm>>
      tpu.enqueue_dma source(%dma_start3A_91 : memref<32x128xf32, #tpu.memory_space<hbm>>) target(%dma_start3A_89 : memref<32x128xf32, #tpu.memory_space<vmem>>) target_semaphore(%arg12 : memref<!tpu.dma_semaphore, #tpu.memory_space<semaphore_mem>>)
      %dma_start3A_92 = arith.constant 2 : i32
      %dma_start3A_93 = arith.constant 0 : i32
      %dma_start3A_94 = arith.constant 0 : i32
      %dma_start3A_95 = tpu.memref_slice %arg9[%dma_start3A_92, %dma_start3A_93, %dma_start3A_94] : memref<8x32x128xf32, #tpu.memory_space<vmem>> -> memref<1x32x128xf32, #tpu.memory_space<vmem>>
      %dma_start3A_96 = tpu.memref_squeeze %dma_start3A_95 : memref<1x32x128xf32, #tpu.memory_space<vmem>> -> memref<32x128xf32, #tpu.memory_space<vmem>>
      %dma_start3A_97 = arith.constant 0 : i32
      %dma_start3A_98 = tpu.memref_slice %arg4[%dma_start3A_97, %multiple_of3A_78] : memref<32x1000000xf32, #tpu.memory_space<hbm>> -> memref<32x128xf32, #tpu.memory_space<hbm>>
      %dma_start3A_99 = arith.constant 0 : i32
      %dma_start3A_100 = arith.constant 0 : i32
      %dma_start3A_101 = tpu.memref_slice %arg9[%dma_start3A_92, %dma_start3A_99, %dma_start3A_100] : memref<8x32x128xf32, #tpu.memory_space<vmem>> -> memref<1x32x128xf32, #tpu.memory_space<vmem>>
      %dma_start3A_102 = tpu.memref_squeeze %dma_start3A_101 : memref<1x32x128xf32, #tpu.memory_space<vmem>> -> memref<32x128xf32, #tpu.memory_space<vmem>>
      %dma_start3A_103 = arith.constant 0 : i32
      %dma_start3A_104 = tpu.memref_slice %arg4[%dma_start3A_103, %multiple_of3A_78] : memref<32x1000000xf32, #tpu.memory_space<hbm>> -> memref<32x128xf32, #tpu.memory_space<hbm>>
      tpu.enqueue_dma source(%dma_start3A_104 : memref<32x128xf32, #tpu.memory_space<hbm>>) target(%dma_start3A_102 : memref<32x128xf32, #tpu.memory_space<vmem>>) target_semaphore(%arg13 : memref<!tpu.dma_semaphore, #tpu.memory_space<semaphore_mem>>)
      %slice3A_105 = vector.extract_strided_slice %get3A_16 {offsets = [3], sizes = [1], strides = [1]} : vector<16xi32> to vector<1xi32>
      %squeeze3A_106 = vector.extract %slice3A_105[0] : i32 from vector<1xi32>
      %and3A_107 = arith.constant -128 : i32
      %and3A_108 = arith.andi %squeeze3A_106, %and3A_107 : i32
      %multiple_of3A_109 = tpu.assume_multiple %and3A_108, 128 : i32
      %dma_start3A_110 = arith.constant 3 : i32
      %dma_start3A_111 = arith.constant 0 : i32
      %dma_start3A_112 = arith.constant 0 : i32
      %dma_start3A_113 = tpu.memref_slice %arg8[%dma_start3A_110, %dma_start3A_111, %dma_start3A_112] : memref<8x32x128xf32, #tpu.memory_space<vmem>> -> memref<1x32x128xf32, #tpu.memory_space<vmem>>
      %dma_start3A_114 = tpu.memref_squeeze %dma_start3A_113 : memref<1x32x128xf32, #tpu.memory_space<vmem>> -> memref<32x128xf32, #tpu.memory_space<vmem>>
      %dma_start3A_115 = arith.constant 0 : i32
      %dma_start3A_116 = tpu.memref_slice %arg3[%dma_start3A_115, %multiple_of3A_109] : memref<32x1000000xf32, #tpu.memory_space<hbm>> -> memref<32x128xf32, #tpu.memory_space<hbm>>
      %dma_start3A_117 = arith.constant 0 : i32
      %dma_start3A_118 = arith.constant 0 : i32
      %dma_start3A_119 = tpu.memref_slice %arg8[%dma_start3A_110, %dma_start3A_117, %dma_start3A_118] : memref<8x32x128xf32, #tpu.memory_space<vmem>> -> memref<1x32x128xf32, #tpu.memory_space<vmem>>
      %dma_start3A_120 = tpu.memref_squeeze %dma_start3A_119 : memref<1x32x128xf32, #tpu.memory_space<vmem>> -> memref<32x128xf32, #tpu.memory_space<vmem>>
      %dma_start3A_121 = arith.constant 0 : i32
      %dma_start3A_122 = tpu.memref_slice %arg3[%dma_start3A_121, %multiple_of3A_109] : memref<32x1000000xf32, #tpu.memory_space<hbm>> -> memref<32x128xf32, #tpu.memory_space<hbm>>
      tpu.enqueue_dma source(%dma_start3A_122 : memref<32x128xf32, #tpu.memory_space<hbm>>) target(%dma_start3A_120 : memref<32x128xf32, #tpu.memory_space<vmem>>) target_semaphore(%arg12 : memref<!tpu.dma_semaphore, #tpu.memory_space<semaphore_mem>>)
      %dma_start3A_123 = arith.constant 3 : i32
      %dma_start3A_124 = arith.constant 0 : i32
      %dma_start3A_125 = arith.constant 0 : i32
      %dma_start3A_126 = tpu.memref_slice %arg9[%dma_start3A_123, %dma_start3A_124, %dma_start3A_125] : memref<8x32x128xf32, #tpu.memory_space<vmem>> -> memref<1x32x128xf32, #tpu.memory_space<vmem>>
      %dma_start3A_127 = tpu.memref_squeeze %dma_start3A_126 : memref<1x32x128xf32, #tpu.memory_space<vmem>> -> memref<32x128xf32, #tpu.memory_space<vmem>>
      %dma_start3A_128 = arith.constant 0 : i32
      %dma_start3A_129 = tpu.memref_slice %arg4[%dma_start3A_128, %multiple_of3A_109] : memref<32x1000000xf32, #tpu.memory_space<hbm>> -> memref<32x128xf32, #tpu.memory_space<hbm>>
      %dma_start3A_130 = arith.constant 0 : i32
      %dma_start3A_131 = arith.constant 0 : i32
      %dma_start3A_132 = tpu.memref_slice %arg9[%dma_start3A_123, %dma_start3A_130, %dma_start3A_131] : memref<8x32x128xf32, #tpu.memory_space<vmem>> -> memref<1x32x128xf32, #tpu.memory_space<vmem>>
      %dma_start3A_133 = tpu.memref_squeeze %dma_start3A_132 : memref<1x32x128xf32, #tpu.memory_space<vmem>> -> memref<32x128xf32, #tpu.memory_space<vmem>>
      %dma_start3A_134 = arith.constant 0 : i32
      %dma_start3A_135 = tpu.memref_slice %arg4[%dma_start3A_134, %multiple_of3A_109] : memref<32x1000000xf32, #tpu.memory_space<hbm>> -> memref<32x128xf32, #tpu.memory_space<hbm>>
      tpu.enqueue_dma source(%dma_start3A_135 : memref<32x128xf32, #tpu.memory_space<hbm>>) target(%dma_start3A_133 : memref<32x128xf32, #tpu.memory_space<vmem>>) target_semaphore(%arg13 : memref<!tpu.dma_semaphore, #tpu.memory_space<semaphore_mem>>)
      %slice3A_136 = vector.extract_strided_slice %get3A_16 {offsets = [4], sizes = [1], strides = [1]} : vector<16xi32> to vector<1xi32>
      %squeeze3A_137 = vector.extract %slice3A_136[0] : i32 from vector<1xi32>
      %and3A_138 = arith.constant -128 : i32
      %and3A_139 = arith.andi %squeeze3A_137, %and3A_138 : i32
      %multiple_of3A_140 = tpu.assume_multiple %and3A_139, 128 : i32
      %dma_start3A_141 = arith.constant 4 : i32
      %dma_start3A_142 = arith.constant 0 : i32
      %dma_start3A_143 = arith.constant 0 : i32
      %dma_start3A_144 = tpu.memref_slice %arg8[%dma_start3A_141, %dma_start3A_142, %dma_start3A_143] : memref<8x32x128xf32, #tpu.memory_space<vmem>> -> memref<1x32x128xf32, #tpu.memory_space<vmem>>
      %dma_start3A_145 = tpu.memref_squeeze %dma_start3A_144 : memref<1x32x128xf32, #tpu.memory_space<vmem>> -> memref<32x128xf32, #tpu.memory_space<vmem>>
      %dma_start3A_146 = arith.constant 0 : i32
      %dma_start3A_147 = tpu.memref_slice %arg3[%dma_start3A_146, %multiple_of3A_140] : memref<32x1000000xf32, #tpu.memory_space<hbm>> -> memref<32x128xf32, #tpu.memory_space<hbm>>
      %dma_start3A_148 = arith.constant 0 : i32
      %dma_start3A_149 = arith.constant 0 : i32
      %dma_start3A_150 = tpu.memref_slice %arg8[%dma_start3A_141, %dma_start3A_148, %dma_start3A_149] : memref<8x32x128xf32, #tpu.memory_space<vmem>> -> memref<1x32x128xf32, #tpu.memory_space<vmem>>
      %dma_start3A_151 = tpu.memref_squeeze %dma_start3A_150 : memref<1x32x128xf32, #tpu.memory_space<vmem>> -> memref<32x128xf32, #tpu.memory_space<vmem>>
      %dma_start3A_152 = arith.constant 0 : i32
      %dma_start3A_153 = tpu.memref_slice %arg3[%dma_start3A_152, %multiple_of3A_140] : memref<32x1000000xf32, #tpu.memory_space<hbm>> -> memref<32x128xf32, #tpu.memory_space<hbm>>
      tpu.enqueue_dma source(%dma_start3A_153 : memref<32x128xf32, #tpu.memory_space<hbm>>) target(%dma_start3A_151 : memref<32x128xf32, #tpu.memory_space<vmem>>) target_semaphore(%arg12 : memref<!tpu.dma_semaphore, #tpu.memory_space<semaphore_mem>>)
      %dma_start3A_154 = arith.constant 4 : i32
      %dma_start3A_155 = arith.constant 0 : i32
      %dma_start3A_156 = arith.constant 0 : i32
      %dma_start3A_157 = tpu.memref_slice %arg9[%dma_start3A_154, %dma_start3A_155, %dma_start3A_156] : memref<8x32x128xf32, #tpu.memory_space<vmem>> -> memref<1x32x128xf32, #tpu.memory_space<vmem>>
      %dma_start3A_158 = tpu.memref_squeeze %dma_start3A_157 : memref<1x32x128xf32, #tpu.memory_space<vmem>> -> memref<32x128xf32, #tpu.memory_space<vmem>>
      %dma_start3A_159 = arith.constant 0 : i32
      %dma_start3A_160 = tpu.memref_slice %arg4[%dma_start3A_159, %multiple_of3A_140] : memref<32x1000000xf32, #tpu.memory_space<hbm>> -> memref<32x128xf32, #tpu.memory_space<hbm>>
      %dma_start3A_161 = arith.constant 0 : i32
      %dma_start3A_162 = arith.constant 0 : i32
      %dma_start3A_163 = tpu.memref_slice %arg9[%dma_start3A_154, %dma_start3A_161, %dma_start3A_162] : memref<8x32x128xf32, #tpu.memory_space<vmem>> -> memref<1x32x128xf32, #tpu.memory_space<vmem>>
      %dma_start3A_164 = tpu.memref_squeeze %dma_start3A_163 : memref<1x32x128xf32, #tpu.memory_space<vmem>> -> memref<32x128xf32, #tpu.memory_space<vmem>>
      %dma_start3A_165 = arith.constant 0 : i32
      %dma_start3A_166 = tpu.memref_slice %arg4[%dma_start3A_165, %multiple_of3A_140] : memref<32x1000000xf32, #tpu.memory_space<hbm>> -> memref<32x128xf32, #tpu.memory_space<hbm>>
      tpu.enqueue_dma source(%dma_start3A_166 : memref<32x128xf32, #tpu.memory_space<hbm>>) target(%dma_start3A_164 : memref<32x128xf32, #tpu.memory_space<vmem>>) target_semaphore(%arg13 : memref<!tpu.dma_semaphore, #tpu.memory_space<semaphore_mem>>)
      %slice3A_167 = vector.extract_strided_slice %get3A_16 {offsets = [5], sizes = [1], strides = [1]} : vector<16xi32> to vector<1xi32>
      %squeeze3A_168 = vector.extract %slice3A_167[0] : i32 from vector<1xi32>
      %and3A_169 = arith.constant -128 : i32
      %and3A_170 = arith.andi %squeeze3A_168, %and3A_169 : i32
      %multiple_of3A_171 = tpu.assume_multiple %and3A_170, 128 : i32
      %dma_start3A_172 = arith.constant 5 : i32
      %dma_start3A_173 = arith.constant 0 : i32
      %dma_start3A_174 = arith.constant 0 : i32
      %dma_start3A_175 = tpu.memref_slice %arg8[%dma_start3A_172, %dma_start3A_173, %dma_start3A_174] : memref<8x32x128xf32, #tpu.memory_space<vmem>> -> memref<1x32x128xf32, #tpu.memory_space<vmem>>
      %dma_start3A_176 = tpu.memref_squeeze %dma_start3A_175 : memref<1x32x128xf32, #tpu.memory_space<vmem>> -> memref<32x128xf32, #tpu.memory_space<vmem>>
      %dma_start3A_177 = arith.constant 0 : i32
      %dma_start3A_178 = tpu.memref_slice %arg3[%dma_start3A_177, %multiple_of3A_171] : memref<32x1000000xf32, #tpu.memory_space<hbm>> -> memref<32x128xf32, #tpu.memory_space<hbm>>
      %dma_start3A_179 = arith.constant 0 : i32
      %dma_start3A_180 = arith.constant 0 : i32
      %dma_start3A_181 = tpu.memref_slice %arg8[%dma_start3A_172, %dma_start3A_179, %dma_start3A_180] : memref<8x32x128xf32, #tpu.memory_space<vmem>> -> memref<1x32x128xf32, #tpu.memory_space<vmem>>
      %dma_start3A_182 = tpu.memref_squeeze %dma_start3A_181 : memref<1x32x128xf32, #tpu.memory_space<vmem>> -> memref<32x128xf32, #tpu.memory_space<vmem>>
      %dma_start3A_183 = arith.constant 0 : i32
      %dma_start3A_184 = tpu.memref_slice %arg3[%dma_start3A_183, %multiple_of3A_171] : memref<32x1000000xf32, #tpu.memory_space<hbm>> -> memref<32x128xf32, #tpu.memory_space<hbm>>
      tpu.enqueue_dma source(%dma_start3A_184 : memref<32x128xf32, #tpu.memory_space<hbm>>) target(%dma_start3A_182 : memref<32x128xf32, #tpu.memory_space<vmem>>) target_semaphore(%arg12 : memref<!tpu.dma_semaphore, #tpu.memory_space<semaphore_mem>>)
      %dma_start3A_185 = arith.constant 5 : i32
      %dma_start3A_186 = arith.constant 0 : i32
      %dma_start3A_187 = arith.constant 0 : i32
      %dma_start3A_188 = tpu.memref_slice %arg9[%dma_start3A_185, %dma_start3A_186, %dma_start3A_187] : memref<8x32x128xf32, #tpu.memory_space<vmem>> -> memref<1x32x128xf32, #tpu.memory_space<vmem>>
      %dma_start3A_189 = tpu.memref_squeeze %dma_start3A_188 : memref<1x32x128xf32, #tpu.memory_space<vmem>> -> memref<32x128xf32, #tpu.memory_space<vmem>>
      %dma_start3A_190 = arith.constant 0 : i32
      %dma_start3A_191 = tpu.memref_slice %arg4[%dma_start3A_190, %multiple_of3A_171] : memref<32x1000000xf32, #tpu.memory_space<hbm>> -> memref<32x128xf32, #tpu.memory_space<hbm>>
      %dma_start3A_192 = arith.constant 0 : i32
      %dma_start3A_193 = arith.constant 0 : i32
      %dma_start3A_194 = tpu.memref_slice %arg9[%dma_start3A_185, %dma_start3A_192, %dma_start3A_193] : memref<8x32x128xf32, #tpu.memory_space<vmem>> -> memref<1x32x128xf32, #tpu.memory_space<vmem>>
      %dma_start3A_195 = tpu.memref_squeeze %dma_start3A_194 : memref<1x32x128xf32, #tpu.memory_space<vmem>> -> memref<32x128xf32, #tpu.memory_space<vmem>>
      %dma_start3A_196 = arith.constant 0 : i32
      %dma_start3A_197 = tpu.memref_slice %arg4[%dma_start3A_196, %multiple_of3A_171] : memref<32x1000000xf32, #tpu.memory_space<hbm>> -> memref<32x128xf32, #tpu.memory_space<hbm>>
      tpu.enqueue_dma source(%dma_start3A_197 : memref<32x128xf32, #tpu.memory_space<hbm>>) target(%dma_start3A_195 : memref<32x128xf32, #tpu.memory_space<vmem>>) target_semaphore(%arg13 : memref<!tpu.dma_semaphore, #tpu.memory_space<semaphore_mem>>)
      %slice3A_198 = vector.extract_strided_slice %get3A_16 {offsets = [6], sizes = [1], strides = [1]} : vector<16xi32> to vector<1xi32>
      %squeeze3A_199 = vector.extract %slice3A_198[0] : i32 from vector<1xi32>
      %and3A_200 = arith.constant -128 : i32
      %and3A_201 = arith.andi %squeeze3A_199, %and3A_200 : i32
      %multiple_of3A_202 = tpu.assume_multiple %and3A_201, 128 : i32
      %dma_start3A_203 = arith.constant 6 : i32
      %dma_start3A_204 = arith.constant 0 : i32
      %dma_start3A_205 = arith.constant 0 : i32
      %dma_start3A_206 = tpu.memref_slice %arg8[%dma_start3A_203, %dma_start3A_204, %dma_start3A_205] : memref<8x32x128xf32, #tpu.memory_space<vmem>> -> memref<1x32x128xf32, #tpu.memory_space<vmem>>
      %dma_start3A_207 = tpu.memref_squeeze %dma_start3A_206 : memref<1x32x128xf32, #tpu.memory_space<vmem>> -> memref<32x128xf32, #tpu.memory_space<vmem>>
      %dma_start3A_208 = arith.constant 0 : i32
      %dma_start3A_209 = tpu.memref_slice %arg3[%dma_start3A_208, %multiple_of3A_202] : memref<32x1000000xf32, #tpu.memory_space<hbm>> -> memref<32x128xf32, #tpu.memory_space<hbm>>
      %dma_start3A_210 = arith.constant 0 : i32
      %dma_start3A_211 = arith.constant 0 : i32
      %dma_start3A_212 = tpu.memref_slice %arg8[%dma_start3A_203, %dma_start3A_210, %dma_start3A_211] : memref<8x32x128xf32, #tpu.memory_space<vmem>> -> memref<1x32x128xf32, #tpu.memory_space<vmem>>
      %dma_start3A_213 = tpu.memref_squeeze %dma_start3A_212 : memref<1x32x128xf32, #tpu.memory_space<vmem>> -> memref<32x128xf32, #tpu.memory_space<vmem>>
      %dma_start3A_214 = arith.constant 0 : i32
      %dma_start3A_215 = tpu.memref_slice %arg3[%dma_start3A_214, %multiple_of3A_202] : memref<32x1000000xf32, #tpu.memory_space<hbm>> -> memref<32x128xf32, #tpu.memory_space<hbm>>
      tpu.enqueue_dma source(%dma_start3A_215 : memref<32x128xf32, #tpu.memory_space<hbm>>) target(%dma_start3A_213 : memref<32x128xf32, #tpu.memory_space<vmem>>) target_semaphore(%arg12 : memref<!tpu.dma_semaphore, #tpu.memory_space<semaphore_mem>>)
      %dma_start3A_216 = arith.constant 6 : i32
      %dma_start3A_217 = arith.constant 0 : i32
      %dma_start3A_218 = arith.constant 0 : i32
      %dma_start3A_219 = tpu.memref_slice %arg9[%dma_start3A_216, %dma_start3A_217, %dma_start3A_218] : memref<8x32x128xf32, #tpu.memory_space<vmem>> -> memref<1x32x128xf32, #tpu.memory_space<vmem>>
      %dma_start3A_220 = tpu.memref_squeeze %dma_start3A_219 : memref<1x32x128xf32, #tpu.memory_space<vmem>> -> memref<32x128xf32, #tpu.memory_space<vmem>>
      %dma_start3A_221 = arith.constant 0 : i32
      %dma_start3A_222 = tpu.memref_slice %arg4[%dma_start3A_221, %multiple_of3A_202] : memref<32x1000000xf32, #tpu.memory_space<hbm>> -> memref<32x128xf32, #tpu.memory_space<hbm>>
      %dma_start3A_223 = arith.constant 0 : i32
      %dma_start3A_224 = arith.constant 0 : i32
      %dma_start3A_225 = tpu.memref_slice %arg9[%dma_start3A_216, %dma_start3A_223, %dma_start3A_224] : memref<8x32x128xf32, #tpu.memory_space<vmem>> -> memref<1x32x128xf32, #tpu.memory_space<vmem>>
      %dma_start3A_226 = tpu.memref_squeeze %dma_start3A_225 : memref<1x32x128xf32, #tpu.memory_space<vmem>> -> memref<32x128xf32, #tpu.memory_space<vmem>>
      %dma_start3A_227 = arith.constant 0 : i32
      %dma_start3A_228 = tpu.memref_slice %arg4[%dma_start3A_227, %multiple_of3A_202] : memref<32x1000000xf32, #tpu.memory_space<hbm>> -> memref<32x128xf32, #tpu.memory_space<hbm>>
      tpu.enqueue_dma source(%dma_start3A_228 : memref<32x128xf32, #tpu.memory_space<hbm>>) target(%dma_start3A_226 : memref<32x128xf32, #tpu.memory_space<vmem>>) target_semaphore(%arg13 : memref<!tpu.dma_semaphore, #tpu.memory_space<semaphore_mem>>)
      %slice3A_229 = vector.extract_strided_slice %get3A_16 {offsets = [7], sizes = [1], strides = [1]} : vector<16xi32> to vector<1xi32>
      %squeeze3A_230 = vector.extract %slice3A_229[0] : i32 from vector<1xi32>
      %and3A_231 = arith.constant -128 : i32
      %and3A_232 = arith.andi %squeeze3A_230, %and3A_231 : i32
      %multiple_of3A_233 = tpu.assume_multiple %and3A_232, 128 : i32
      %dma_start3A_234 = arith.constant 7 : i32
      %dma_start3A_235 = arith.constant 0 : i32
      %dma_start3A_236 = arith.constant 0 : i32
      %dma_start3A_237 = tpu.memref_slice %arg8[%dma_start3A_234, %dma_start3A_235, %dma_start3A_236] : memref<8x32x128xf32, #tpu.memory_space<vmem>> -> memref<1x32x128xf32, #tpu.memory_space<vmem>>
      %dma_start3A_238 = tpu.memref_squeeze %dma_start3A_237 : memref<1x32x128xf32, #tpu.memory_space<vmem>> -> memref<32x128xf32, #tpu.memory_space<vmem>>
      %dma_start3A_239 = arith.constant 0 : i32
      %dma_start3A_240 = tpu.memref_slice %arg3[%dma_start3A_239, %multiple_of3A_233] : memref<32x1000000xf32, #tpu.memory_space<hbm>> -> memref<32x128xf32, #tpu.memory_space<hbm>>
      %dma_start3A_241 = arith.constant 0 : i32
      %dma_start3A_242 = arith.constant 0 : i32
      %dma_start3A_243 = tpu.memref_slice %arg8[%dma_start3A_234, %dma_start3A_241, %dma_start3A_242] : memref<8x32x128xf32, #tpu.memory_space<vmem>> -> memref<1x32x128xf32, #tpu.memory_space<vmem>>
      %dma_start3A_244 = tpu.memref_squeeze %dma_start3A_243 : memref<1x32x128xf32, #tpu.memory_space<vmem>> -> memref<32x128xf32, #tpu.memory_space<vmem>>
      %dma_start3A_245 = arith.constant 0 : i32
      %dma_start3A_246 = tpu.memref_slice %arg3[%dma_start3A_245, %multiple_of3A_233] : memref<32x1000000xf32, #tpu.memory_space<hbm>> -> memref<32x128xf32, #tpu.memory_space<hbm>>
      tpu.enqueue_dma source(%dma_start3A_246 : memref<32x128xf32, #tpu.memory_space<hbm>>) target(%dma_start3A_244 : memref<32x128xf32, #tpu.memory_space<vmem>>) target_semaphore(%arg12 : memref<!tpu.dma_semaphore, #tpu.memory_space<semaphore_mem>>)
      %dma_start3A_247 = arith.constant 7 : i32
      %dma_start3A_248 = arith.constant 0 : i32
      %dma_start3A_249 = arith.constant 0 : i32
      %dma_start3A_250 = tpu.memref_slice %arg9[%dma_start3A_247, %dma_start3A_248, %dma_start3A_249] : memref<8x32x128xf32, #tpu.memory_space<vmem>> -> memref<1x32x128xf32, #tpu.memory_space<vmem>>
      %dma_start3A_251 = tpu.memref_squeeze %dma_start3A_250 : memref<1x32x128xf32, #tpu.memory_space<vmem>> -> memref<32x128xf32, #tpu.memory_space<vmem>>
      %dma_start3A_252 = arith.constant 0 : i32
      %dma_start3A_253 = tpu.memref_slice %arg4[%dma_start3A_252, %multiple_of3A_233] : memref<32x1000000xf32, #tpu.memory_space<hbm>> -> memref<32x128xf32, #tpu.memory_space<hbm>>
      %dma_start3A_254 = arith.constant 0 : i32
      %dma_start3A_255 = arith.constant 0 : i32
      %dma_start3A_256 = tpu.memref_slice %arg9[%dma_start3A_247, %dma_start3A_254, %dma_start3A_255] : memref<8x32x128xf32, #tpu.memory_space<vmem>> -> memref<1x32x128xf32, #tpu.memory_space<vmem>>
      %dma_start3A_257 = tpu.memref_squeeze %dma_start3A_256 : memref<1x32x128xf32, #tpu.memory_space<vmem>> -> memref<32x128xf32, #tpu.memory_space<vmem>>
      %dma_start3A_258 = arith.constant 0 : i32
      %dma_start3A_259 = tpu.memref_slice %arg4[%dma_start3A_258, %multiple_of3A_233] : memref<32x1000000xf32, #tpu.memory_space<hbm>> -> memref<32x128xf32, #tpu.memory_space<hbm>>
      tpu.enqueue_dma source(%dma_start3A_259 : memref<32x128xf32, #tpu.memory_space<hbm>>) target(%dma_start3A_257 : memref<32x128xf32, #tpu.memory_space<vmem>>) target_semaphore(%arg13 : memref<!tpu.dma_semaphore, #tpu.memory_space<semaphore_mem>>)
      %dma_wait3A = arith.constant 0 : i32
      %dma_wait3A_260 = arith.constant 0 : i32
      %dma_wait3A_261 = arith.constant 0 : i32
      %dma_wait3A_262 = tpu.memref_slice %arg8[%dma_wait3A, %dma_wait3A_260, %dma_wait3A_261] : memref<8x32x128xf32, #tpu.memory_space<vmem>> -> memref<1x32x128xf32, #tpu.memory_space<vmem>>
      %dma_wait3A_263 = tpu.memref_squeeze %dma_wait3A_262 : memref<1x32x128xf32, #tpu.memory_space<vmem>> -> memref<32x128xf32, #tpu.memory_space<vmem>>
      %dma_wait3A_264 = arith.constant 0 : i32
      %dma_wait3A_265 = tpu.memref_slice %arg3[%dma_wait3A_264, %multiple_of3A] : memref<32x1000000xf32, #tpu.memory_space<hbm>> -> memref<32x128xf32, #tpu.memory_space<hbm>>
      %dma_wait3A_266 = arith.constant 0 : i32
      %dma_wait3A_267 = arith.constant 0 : i32
      %dma_wait3A_268 = tpu.memref_slice %arg8[%dma_wait3A, %dma_wait3A_266, %dma_wait3A_267] : memref<8x32x128xf32, #tpu.memory_space<vmem>> -> memref<1x32x128xf32, #tpu.memory_space<vmem>>
      %dma_wait3A_269 = tpu.memref_squeeze %dma_wait3A_268 : memref<1x32x128xf32, #tpu.memory_space<vmem>> -> memref<32x128xf32, #tpu.memory_space<vmem>>
      %dma_wait3A_270 = arith.constant 0 : i32
      %dma_wait3A_271 = tpu.memref_slice %arg3[%dma_wait3A_270, %multiple_of3A] : memref<32x1000000xf32, #tpu.memory_space<hbm>> -> memref<32x128xf32, #tpu.memory_space<hbm>>
      tpu.wait_dma2 semaphore(%arg12 : memref<!tpu.dma_semaphore, #tpu.memory_space<semaphore_mem>>) src(%dma_wait3A_271 : memref<32x128xf32, #tpu.memory_space<hbm>>) dst(%dma_wait3A_269 : memref<32x128xf32, #tpu.memory_space<vmem>>)
      %dma_wait3A_272 = arith.constant 0 : i32
      %dma_wait3A_273 = arith.constant 0 : i32
      %dma_wait3A_274 = arith.constant 0 : i32
      %dma_wait3A_275 = tpu.memref_slice %arg9[%dma_wait3A_272, %dma_wait3A_273, %dma_wait3A_274] : memref<8x32x128xf32, #tpu.memory_space<vmem>> -> memref<1x32x128xf32, #tpu.memory_space<vmem>>
      %dma_wait3A_276 = tpu.memref_squeeze %dma_wait3A_275 : memref<1x32x128xf32, #tpu.memory_space<vmem>> -> memref<32x128xf32, #tpu.memory_space<vmem>>
      %dma_wait3A_277 = arith.constant 0 : i32
      %dma_wait3A_278 = tpu.memref_slice %arg4[%dma_wait3A_277, %multiple_of3A] : memref<32x1000000xf32, #tpu.memory_space<hbm>> -> memref<32x128xf32, #tpu.memory_space<hbm>>
      %dma_wait3A_279 = arith.constant 0 : i32
      %dma_wait3A_280 = arith.constant 0 : i32
      %dma_wait3A_281 = tpu.memref_slice %arg9[%dma_wait3A_272, %dma_wait3A_279, %dma_wait3A_280] : memref<8x32x128xf32, #tpu.memory_space<vmem>> -> memref<1x32x128xf32, #tpu.memory_space<vmem>>
      %dma_wait3A_282 = tpu.memref_squeeze %dma_wait3A_281 : memref<1x32x128xf32, #tpu.memory_space<vmem>> -> memref<32x128xf32, #tpu.memory_space<vmem>>
      %dma_wait3A_283 = arith.constant 0 : i32
      %dma_wait3A_284 = tpu.memref_slice %arg4[%dma_wait3A_283, %multiple_of3A] : memref<32x1000000xf32, #tpu.memory_space<hbm>> -> memref<32x128xf32, #tpu.memory_space<hbm>>
      tpu.wait_dma2 semaphore(%arg13 : memref<!tpu.dma_semaphore, #tpu.memory_space<semaphore_mem>>) src(%dma_wait3A_284 : memref<32x128xf32, #tpu.memory_space<hbm>>) dst(%dma_wait3A_282 : memref<32x128xf32, #tpu.memory_space<vmem>>)
      %dma_wait3A_285 = arith.constant 1 : i32
      %dma_wait3A_286 = arith.constant 0 : i32
      %dma_wait3A_287 = arith.constant 0 : i32
      %dma_wait3A_288 = tpu.memref_slice %arg8[%dma_wait3A_285, %dma_wait3A_286, %dma_wait3A_287] : memref<8x32x128xf32, #tpu.memory_space<vmem>> -> memref<1x32x128xf32, #tpu.memory_space<vmem>>
      %dma_wait3A_289 = tpu.memref_squeeze %dma_wait3A_288 : memref<1x32x128xf32, #tpu.memory_space<vmem>> -> memref<32x128xf32, #tpu.memory_space<vmem>>
      %dma_wait3A_290 = arith.constant 0 : i32
      %dma_wait3A_291 = tpu.memref_slice %arg3[%dma_wait3A_290, %multiple_of3A_47] : memref<32x1000000xf32, #tpu.memory_space<hbm>> -> memref<32x128xf32, #tpu.memory_space<hbm>>
      %dma_wait3A_292 = arith.constant 0 : i32
      %dma_wait3A_293 = arith.constant 0 : i32
      %dma_wait3A_294 = tpu.memref_slice %arg8[%dma_wait3A_285, %dma_wait3A_292, %dma_wait3A_293] : memref<8x32x128xf32, #tpu.memory_space<vmem>> -> memref<1x32x128xf32, #tpu.memory_space<vmem>>
      %dma_wait3A_295 = tpu.memref_squeeze %dma_wait3A_294 : memref<1x32x128xf32, #tpu.memory_space<vmem>> -> memref<32x128xf32, #tpu.memory_space<vmem>>
      %dma_wait3A_296 = arith.constant 0 : i32
      %dma_wait3A_297 = tpu.memref_slice %arg3[%dma_wait3A_296, %multiple_of3A_47] : memref<32x1000000xf32, #tpu.memory_space<hbm>> -> memref<32x128xf32, #tpu.memory_space<hbm>>
      tpu.wait_dma2 semaphore(%arg12 : memref<!tpu.dma_semaphore, #tpu.memory_space<semaphore_mem>>) src(%dma_wait3A_297 : memref<32x128xf32, #tpu.memory_space<hbm>>) dst(%dma_wait3A_295 : memref<32x128xf32, #tpu.memory_space<vmem>>)
      %dma_wait3A_298 = arith.constant 1 : i32
      %dma_wait3A_299 = arith.constant 0 : i32
      %dma_wait3A_300 = arith.constant 0 : i32
      %dma_wait3A_301 = tpu.memref_slice %arg9[%dma_wait3A_298, %dma_wait3A_299, %dma_wait3A_300] : memref<8x32x128xf32, #tpu.memory_space<vmem>> -> memref<1x32x128xf32, #tpu.memory_space<vmem>>
      %dma_wait3A_302 = tpu.memref_squeeze %dma_wait3A_301 : memref<1x32x128xf32, #tpu.memory_space<vmem>> -> memref<32x128xf32, #tpu.memory_space<vmem>>
      %dma_wait3A_303 = arith.constant 0 : i32
      %dma_wait3A_304 = tpu.memref_slice %arg4[%dma_wait3A_303, %multiple_of3A_47] : memref<32x1000000xf32, #tpu.memory_space<hbm>> -> memref<32x128xf32, #tpu.memory_space<hbm>>
      %dma_wait3A_305 = arith.constant 0 : i32
      %dma_wait3A_306 = arith.constant 0 : i32
      %dma_wait3A_307 = tpu.memref_slice %arg9[%dma_wait3A_298, %dma_wait3A_305, %dma_wait3A_306] : memref<8x32x128xf32, #tpu.memory_space<vmem>> -> memref<1x32x128xf32, #tpu.memory_space<vmem>>
      %dma_wait3A_308 = tpu.memref_squeeze %dma_wait3A_307 : memref<1x32x128xf32, #tpu.memory_space<vmem>> -> memref<32x128xf32, #tpu.memory_space<vmem>>
      %dma_wait3A_309 = arith.constant 0 : i32
      %dma_wait3A_310 = tpu.memref_slice %arg4[%dma_wait3A_309, %multiple_of3A_47] : memref<32x1000000xf32, #tpu.memory_space<hbm>> -> memref<32x128xf32, #tpu.memory_space<hbm>>
      tpu.wait_dma2 semaphore(%arg13 : memref<!tpu.dma_semaphore, #tpu.memory_space<semaphore_mem>>) src(%dma_wait3A_310 : memref<32x128xf32, #tpu.memory_space<hbm>>) dst(%dma_wait3A_308 : memref<32x128xf32, #tpu.memory_space<vmem>>)
      %dma_wait3A_311 = arith.constant 2 : i32
      %dma_wait3A_312 = arith.constant 0 : i32
      %dma_wait3A_313 = arith.constant 0 : i32
      %dma_wait3A_314 = tpu.memref_slice %arg8[%dma_wait3A_311, %dma_wait3A_312, %dma_wait3A_313] : memref<8x32x128xf32, #tpu.memory_space<vmem>> -> memref<1x32x128xf32, #tpu.memory_space<vmem>>
      %dma_wait3A_315 = tpu.memref_squeeze %dma_wait3A_314 : memref<1x32x128xf32, #tpu.memory_space<vmem>> -> memref<32x128xf32, #tpu.memory_space<vmem>>
      %dma_wait3A_316 = arith.constant 0 : i32
      %dma_wait3A_317 = tpu.memref_slice %arg3[%dma_wait3A_316, %multiple_of3A_78] : memref<32x1000000xf32, #tpu.memory_space<hbm>> -> memref<32x128xf32, #tpu.memory_space<hbm>>
      %dma_wait3A_318 = arith.constant 0 : i32
      %dma_wait3A_319 = arith.constant 0 : i32
      %dma_wait3A_320 = tpu.memref_slice %arg8[%dma_wait3A_311, %dma_wait3A_318, %dma_wait3A_319] : memref<8x32x128xf32, #tpu.memory_space<vmem>> -> memref<1x32x128xf32, #tpu.memory_space<vmem>>
      %dma_wait3A_321 = tpu.memref_squeeze %dma_wait3A_320 : memref<1x32x128xf32, #tpu.memory_space<vmem>> -> memref<32x128xf32, #tpu.memory_space<vmem>>
      %dma_wait3A_322 = arith.constant 0 : i32
      %dma_wait3A_323 = tpu.memref_slice %arg3[%dma_wait3A_322, %multiple_of3A_78] : memref<32x1000000xf32, #tpu.memory_space<hbm>> -> memref<32x128xf32, #tpu.memory_space<hbm>>
      tpu.wait_dma2 semaphore(%arg12 : memref<!tpu.dma_semaphore, #tpu.memory_space<semaphore_mem>>) src(%dma_wait3A_323 : memref<32x128xf32, #tpu.memory_space<hbm>>) dst(%dma_wait3A_321 : memref<32x128xf32, #tpu.memory_space<vmem>>)
      %dma_wait3A_324 = arith.constant 2 : i32
      %dma_wait3A_325 = arith.constant 0 : i32
      %dma_wait3A_326 = arith.constant 0 : i32
      %dma_wait3A_327 = tpu.memref_slice %arg9[%dma_wait3A_324, %dma_wait3A_325, %dma_wait3A_326] : memref<8x32x128xf32, #tpu.memory_space<vmem>> -> memref<1x32x128xf32, #tpu.memory_space<vmem>>
      %dma_wait3A_328 = tpu.memref_squeeze %dma_wait3A_327 : memref<1x32x128xf32, #tpu.memory_space<vmem>> -> memref<32x128xf32, #tpu.memory_space<vmem>>
      %dma_wait3A_329 = arith.constant 0 : i32
      %dma_wait3A_330 = tpu.memref_slice %arg4[%dma_wait3A_329, %multiple_of3A_78] : memref<32x1000000xf32, #tpu.memory_space<hbm>> -> memref<32x128xf32, #tpu.memory_space<hbm>>
      %dma_wait3A_331 = arith.constant 0 : i32
      %dma_wait3A_332 = arith.constant 0 : i32
      %dma_wait3A_333 = tpu.memref_slice %arg9[%dma_wait3A_324, %dma_wait3A_331, %dma_wait3A_332] : memref<8x32x128xf32, #tpu.memory_space<vmem>> -> memref<1x32x128xf32, #tpu.memory_space<vmem>>
      %dma_wait3A_334 = tpu.memref_squeeze %dma_wait3A_333 : memref<1x32x128xf32, #tpu.memory_space<vmem>> -> memref<32x128xf32, #tpu.memory_space<vmem>>
      %dma_wait3A_335 = arith.constant 0 : i32
      %dma_wait3A_336 = tpu.memref_slice %arg4[%dma_wait3A_335, %multiple_of3A_78] : memref<32x1000000xf32, #tpu.memory_space<hbm>> -> memref<32x128xf32, #tpu.memory_space<hbm>>
      tpu.wait_dma2 semaphore(%arg13 : memref<!tpu.dma_semaphore, #tpu.memory_space<semaphore_mem>>) src(%dma_wait3A_336 : memref<32x128xf32, #tpu.memory_space<hbm>>) dst(%dma_wait3A_334 : memref<32x128xf32, #tpu.memory_space<vmem>>)
      %dma_wait3A_337 = arith.constant 3 : i32
      %dma_wait3A_338 = arith.constant 0 : i32
      %dma_wait3A_339 = arith.constant 0 : i32
      %dma_wait3A_340 = tpu.memref_slice %arg8[%dma_wait3A_337, %dma_wait3A_338, %dma_wait3A_339] : memref<8x32x128xf32, #tpu.memory_space<vmem>> -> memref<1x32x128xf32, #tpu.memory_space<vmem>>
      %dma_wait3A_341 = tpu.memref_squeeze %dma_wait3A_340 : memref<1x32x128xf32, #tpu.memory_space<vmem>> -> memref<32x128xf32, #tpu.memory_space<vmem>>
      %dma_wait3A_342 = arith.constant 0 : i32
      %dma_wait3A_343 = tpu.memref_slice %arg3[%dma_wait3A_342, %multiple_of3A_109] : memref<32x1000000xf32, #tpu.memory_space<hbm>> -> memref<32x128xf32, #tpu.memory_space<hbm>>
      %dma_wait3A_344 = arith.constant 0 : i32
      %dma_wait3A_345 = arith.constant 0 : i32
      %dma_wait3A_346 = tpu.memref_slice %arg8[%dma_wait3A_337, %dma_wait3A_344, %dma_wait3A_345] : memref<8x32x128xf32, #tpu.memory_space<vmem>> -> memref<1x32x128xf32, #tpu.memory_space<vmem>>
      %dma_wait3A_347 = tpu.memref_squeeze %dma_wait3A_346 : memref<1x32x128xf32, #tpu.memory_space<vmem>> -> memref<32x128xf32, #tpu.memory_space<vmem>>
      %dma_wait3A_348 = arith.constant 0 : i32
      %dma_wait3A_349 = tpu.memref_slice %arg3[%dma_wait3A_348, %multiple_of3A_109] : memref<32x1000000xf32, #tpu.memory_space<hbm>> -> memref<32x128xf32, #tpu.memory_space<hbm>>
      tpu.wait_dma2 semaphore(%arg12 : memref<!tpu.dma_semaphore, #tpu.memory_space<semaphore_mem>>) src(%dma_wait3A_349 : memref<32x128xf32, #tpu.memory_space<hbm>>) dst(%dma_wait3A_347 : memref<32x128xf32, #tpu.memory_space<vmem>>)
      %dma_wait3A_350 = arith.constant 3 : i32
      %dma_wait3A_351 = arith.constant 0 : i32
      %dma_wait3A_352 = arith.constant 0 : i32
      %dma_wait3A_353 = tpu.memref_slice %arg9[%dma_wait3A_350, %dma_wait3A_351, %dma_wait3A_352] : memref<8x32x128xf32, #tpu.memory_space<vmem>> -> memref<1x32x128xf32, #tpu.memory_space<vmem>>
      %dma_wait3A_354 = tpu.memref_squeeze %dma_wait3A_353 : memref<1x32x128xf32, #tpu.memory_space<vmem>> -> memref<32x128xf32, #tpu.memory_space<vmem>>
      %dma_wait3A_355 = arith.constant 0 : i32
      %dma_wait3A_356 = tpu.memref_slice %arg4[%dma_wait3A_355, %multiple_of3A_109] : memref<32x1000000xf32, #tpu.memory_space<hbm>> -> memref<32x128xf32, #tpu.memory_space<hbm>>
      %dma_wait3A_357 = arith.constant 0 : i32
      %dma_wait3A_358 = arith.constant 0 : i32
      %dma_wait3A_359 = tpu.memref_slice %arg9[%dma_wait3A_350, %dma_wait3A_357, %dma_wait3A_358] : memref<8x32x128xf32, #tpu.memory_space<vmem>> -> memref<1x32x128xf32, #tpu.memory_space<vmem>>
      %dma_wait3A_360 = tpu.memref_squeeze %dma_wait3A_359 : memref<1x32x128xf32, #tpu.memory_space<vmem>> -> memref<32x128xf32, #tpu.memory_space<vmem>>
      %dma_wait3A_361 = arith.constant 0 : i32
      %dma_wait3A_362 = tpu.memref_slice %arg4[%dma_wait3A_361, %multiple_of3A_109] : memref<32x1000000xf32, #tpu.memory_space<hbm>> -> memref<32x128xf32, #tpu.memory_space<hbm>>
      tpu.wait_dma2 semaphore(%arg13 : memref<!tpu.dma_semaphore, #tpu.memory_space<semaphore_mem>>) src(%dma_wait3A_362 : memref<32x128xf32, #tpu.memory_space<hbm>>) dst(%dma_wait3A_360 : memref<32x128xf32, #tpu.memory_space<vmem>>)
      %slice3A_363 = vector.extract_strided_slice %get3A_16 {offsets = [0], sizes = [1], strides = [1]} : vector<16xi32> to vector<1xi32>
      %squeeze3A_364 = vector.extract %slice3A_363[0] : i32 from vector<1xi32>
      %and3A_365 = arith.constant 127 : i32
      %and3A_366 = arith.andi %squeeze3A_364, %and3A_365 : i32
      %broadcast_in_dim3A = vector.broadcast %and3A_366 : i32 to vector<16xi32>
      %mul3A_367 = arith.constant 16 : i32
      %mul3A_368 = arith.muli %scan3A_12, %mul3A_367 : i32
      %add3A_369 = arith.constant 0 : i32
      %add3A_370 = arith.addi %mul3A_368, %add3A_369 : i32
      %add3A_371 = arith.constant 0 : i32
      %add3A_372 = arith.addi %add3A_370, %add3A_371 : i32
      %broadcast_in_dim3A_373 = vector.broadcast %add3A_372 : i32 to vector<16xi32>
      %gather3A = arith.constant 0 : i32
      %gather3A_374 = arith.constant 0 : i32
      %gather3A_375 = arith.constant 0 : i32
      %gather3A_376 = tpu.memref_slice %arg8[%gather3A, %gather3A_374, %gather3A_375] : memref<8x32x128xf32, #tpu.memory_space<vmem>> -> memref<1x32x128xf32, #tpu.memory_space<vmem>>
      %gather3A_377 = tpu.memref_squeeze %gather3A_376 : memref<1x32x128xf32, #tpu.memory_space<vmem>> -> memref<32x128xf32, #tpu.memory_space<vmem>>
      %gather3A_378 = tpu.vector_load_idx %gather3A_377[%iota3A, %broadcast_in_dim3A] : memref<32x128xf32, #tpu.memory_space<vmem>>[vector<16xi32>, vector<16xi32>], vector<16xf32>,
      %gather3A_379 = arith.constant 0 : i32
      %gather3A_380 = arith.constant 0 : i32
      %gather3A_381 = arith.constant 0 : i32
      %gather3A_382 = tpu.memref_slice %arg8[%gather3A_379, %gather3A_380, %gather3A_381] : memref<8x32x128xf32, #tpu.memory_space<vmem>> -> memref<1x32x128xf32, #tpu.memory_space<vmem>>
      %gather3A_383 = tpu.memref_squeeze %gather3A_382 : memref<1x32x128xf32, #tpu.memory_space<vmem>> -> memref<32x128xf32, #tpu.memory_space<vmem>>
      %gather3A_384 = tpu.vector_load_idx %gather3A_383[%add3A_5, %broadcast_in_dim3A] : memref<32x128xf32, #tpu.memory_space<vmem>>[vector<16xi32>, vector<16xi32>], vector<16xf32>,
      tpu.vector_store_idx %arg10[%iota3A, %broadcast_in_dim3A_373], %gather3A_378 : memref<32x512xf32, #tpu.memory_space<vmem>>[vector<16xi32>, vector<16xi32>], vector<16xf32>,
      tpu.vector_store_idx %arg10[%add3A_5, %broadcast_in_dim3A_373], %gather3A_384 : memref<32x512xf32, #tpu.memory_space<vmem>>[vector<16xi32>, vector<16xi32>], vector<16xf32>,
      %gather3A_385 = arith.constant 0 : i32
      %gather3A_386 = arith.constant 0 : i32
      %gather3A_387 = arith.constant 0 : i32
      %gather3A_388 = tpu.memref_slice %arg9[%gather3A_385, %gather3A_386, %gather3A_387] : memref<8x32x128xf32, #tpu.memory_space<vmem>> -> memref<1x32x128xf32, #tpu.memory_space<vmem>>
      %gather3A_389 = tpu.memref_squeeze %gather3A_388 : memref<1x32x128xf32, #tpu.memory_space<vmem>> -> memref<32x128xf32, #tpu.memory_space<vmem>>
      %gather3A_390 = tpu.vector_load_idx %gather3A_389[%iota3A, %broadcast_in_dim3A] : memref<32x128xf32, #tpu.memory_space<vmem>>[vector<16xi32>, vector<16xi32>], vector<16xf32>,
      %gather3A_391 = arith.constant 0 : i32
      %gather3A_392 = arith.constant 0 : i32
      %gather3A_393 = arith.constant 0 : i32
      %gather3A_394 = tpu.memref_slice %arg9[%gather3A_391, %gather3A_392, %gather3A_393] : memref<8x32x128xf32, #tpu.memory_space<vmem>> -> memref<1x32x128xf32, #tpu.memory_space<vmem>>
      %gather3A_395 = tpu.memref_squeeze %gather3A_394 : memref<1x32x128xf32, #tpu.memory_space<vmem>> -> memref<32x128xf32, #tpu.memory_space<vmem>>
      %gather3A_396 = tpu.vector_load_idx %gather3A_395[%add3A_5, %broadcast_in_dim3A] : memref<32x128xf32, #tpu.memory_space<vmem>>[vector<16xi32>, vector<16xi32>], vector<16xf32>,
      tpu.vector_store_idx %arg11[%iota3A, %broadcast_in_dim3A_373], %gather3A_390 : memref<32x512xf32, #tpu.memory_space<vmem>>[vector<16xi32>, vector<16xi32>], vector<16xf32>,
      tpu.vector_store_idx %arg11[%add3A_5, %broadcast_in_dim3A_373], %gather3A_396 : memref<32x512xf32, #tpu.memory_space<vmem>>[vector<16xi32>, vector<16xi32>], vector<16xf32>,
      %slice3A_397 = vector.extract_strided_slice %get3A_16 {offsets = [1], sizes = [1], strides = [1]} : vector<16xi32> to vector<1xi32>
      %squeeze3A_398 = vector.extract %slice3A_397[0] : i32 from vector<1xi32>
      %and3A_399 = arith.constant 127 : i32
      %and3A_400 = arith.andi %squeeze3A_398, %and3A_399 : i32
      %broadcast_in_dim3A_401 = vector.broadcast %and3A_400 : i32 to vector<16xi32>
      %mul3A_402 = arith.constant 16 : i32
      %mul3A_403 = arith.muli %scan3A_12, %mul3A_402 : i32
      %add3A_404 = arith.constant 0 : i32
      %add3A_405 = arith.addi %mul3A_403, %add3A_404 : i32
      %add3A_406 = arith.constant 1 : i32
      %add3A_407 = arith.addi %add3A_405, %add3A_406 : i32
      %broadcast_in_dim3A_408 = vector.broadcast %add3A_407 : i32 to vector<16xi32>
      %gather3A_409 = arith.constant 1 : i32
      %gather3A_410 = arith.constant 0 : i32
      %gather3A_411 = arith.constant 0 : i32
      %gather3A_412 = tpu.memref_slice %arg8[%gather3A_409, %gather3A_410, %gather3A_411] : memref<8x32x128xf32, #tpu.memory_space<vmem>> -> memref<1x32x128xf32, #tpu.memory_space<vmem>>
      %gather3A_413 = tpu.memref_squeeze %gather3A_412 : memref<1x32x128xf32, #tpu.memory_space<vmem>> -> memref<32x128xf32, #tpu.memory_space<vmem>>
      %gather3A_414 = tpu.vector_load_idx %gather3A_413[%iota3A, %broadcast_in_dim3A_401] : memref<32x128xf32, #tpu.memory_space<vmem>>[vector<16xi32>, vector<16xi32>], vector<16xf32>,
      %gather3A_415 = arith.constant 1 : i32
      %gather3A_416 = arith.constant 0 : i32
      %gather3A_417 = arith.constant 0 : i32
      %gather3A_418 = tpu.memref_slice %arg8[%gather3A_415, %gather3A_416, %gather3A_417] : memref<8x32x128xf32, #tpu.memory_space<vmem>> -> memref<1x32x128xf32, #tpu.memory_space<vmem>>
      %gather3A_419 = tpu.memref_squeeze %gather3A_418 : memref<1x32x128xf32, #tpu.memory_space<vmem>> -> memref<32x128xf32, #tpu.memory_space<vmem>>
      %gather3A_420 = tpu.vector_load_idx %gather3A_419[%add3A_5, %broadcast_in_dim3A_401] : memref<32x128xf32, #tpu.memory_space<vmem>>[vector<16xi32>, vector<16xi32>], vector<16xf32>,
      tpu.vector_store_idx %arg10[%iota3A, %broadcast_in_dim3A_408], %gather3A_414 : memref<32x512xf32, #tpu.memory_space<vmem>>[vector<16xi32>, vector<16xi32>], vector<16xf32>,
      tpu.vector_store_idx %arg10[%add3A_5, %broadcast_in_dim3A_408], %gather3A_420 : memref<32x512xf32, #tpu.memory_space<vmem>>[vector<16xi32>, vector<16xi32>], vector<16xf32>,
      %gather3A_421 = arith.constant 1 : i32
      %gather3A_422 = arith.constant 0 : i32
      %gather3A_423 = arith.constant 0 : i32
      %gather3A_424 = tpu.memref_slice %arg9[%gather3A_421, %gather3A_422, %gather3A_423] : memref<8x32x128xf32, #tpu.memory_space<vmem>> -> memref<1x32x128xf32, #tpu.memory_space<vmem>>
      %gather3A_425 = tpu.memref_squeeze %gather3A_424 : memref<1x32x128xf32, #tpu.memory_space<vmem>> -> memref<32x128xf32, #tpu.memory_space<vmem>>
      %gather3A_426 = tpu.vector_load_idx %gather3A_425[%iota3A, %broadcast_in_dim3A_401] : memref<32x128xf32, #tpu.memory_space<vmem>>[vector<16xi32>, vector<16xi32>], vector<16xf32>,
      %gather3A_427 = arith.constant 1 : i32
      %gather3A_428 = arith.constant 0 : i32
      %gather3A_429 = arith.constant 0 : i32
      %gather3A_430 = tpu.memref_slice %arg9[%gather3A_427, %gather3A_428, %gather3A_429] : memref<8x32x128xf32, #tpu.memory_space<vmem>> -> memref<1x32x128xf32, #tpu.memory_space<vmem>>
      %gather3A_431 = tpu.memref_squeeze %gather3A_430 : memref<1x32x128xf32, #tpu.memory_space<vmem>> -> memref<32x128xf32, #tpu.memory_space<vmem>>
      %gather3A_432 = tpu.vector_load_idx %gather3A_431[%add3A_5, %broadcast_in_dim3A_401] : memref<32x128xf32, #tpu.memory_space<vmem>>[vector<16xi32>, vector<16xi32>], vector<16xf32>,
      tpu.vector_store_idx %arg11[%iota3A, %broadcast_in_dim3A_408], %gather3A_426 : memref<32x512xf32, #tpu.memory_space<vmem>>[vector<16xi32>, vector<16xi32>], vector<16xf32>,
      tpu.vector_store_idx %arg11[%add3A_5, %broadcast_in_dim3A_408], %gather3A_432 : memref<32x512xf32, #tpu.memory_space<vmem>>[vector<16xi32>, vector<16xi32>], vector<16xf32>,
      %slice3A_433 = vector.extract_strided_slice %get3A_16 {offsets = [2], sizes = [1], strides = [1]} : vector<16xi32> to vector<1xi32>
      %squeeze3A_434 = vector.extract %slice3A_433[0] : i32 from vector<1xi32>
      %and3A_435 = arith.constant 127 : i32
      %and3A_436 = arith.andi %squeeze3A_434, %and3A_435 : i32
      %broadcast_in_dim3A_437 = vector.broadcast %and3A_436 : i32 to vector<16xi32>
      %mul3A_438 = arith.constant 16 : i32
      %mul3A_439 = arith.muli %scan3A_12, %mul3A_438 : i32
      %add3A_440 = arith.constant 0 : i32
      %add3A_441 = arith.addi %mul3A_439, %add3A_440 : i32
      %add3A_442 = arith.constant 2 : i32
      %add3A_443 = arith.addi %add3A_441, %add3A_442 : i32
      %broadcast_in_dim3A_444 = vector.broadcast %add3A_443 : i32 to vector<16xi32>
      %gather3A_445 = arith.constant 2 : i32
      %gather3A_446 = arith.constant 0 : i32
      %gather3A_447 = arith.constant 0 : i32
      %gather3A_448 = tpu.memref_slice %arg8[%gather3A_445, %gather3A_446, %gather3A_447] : memref<8x32x128xf32, #tpu.memory_space<vmem>> -> memref<1x32x128xf32, #tpu.memory_space<vmem>>
      %gather3A_449 = tpu.memref_squeeze %gather3A_448 : memref<1x32x128xf32, #tpu.memory_space<vmem>> -> memref<32x128xf32, #tpu.memory_space<vmem>>
      %gather3A_450 = tpu.vector_load_idx %gather3A_449[%iota3A, %broadcast_in_dim3A_437] : memref<32x128xf32, #tpu.memory_space<vmem>>[vector<16xi32>, vector<16xi32>], vector<16xf32>,
      %gather3A_451 = arith.constant 2 : i32
      %gather3A_452 = arith.constant 0 : i32
      %gather3A_453 = arith.constant 0 : i32
      %gather3A_454 = tpu.memref_slice %arg8[%gather3A_451, %gather3A_452, %gather3A_453] : memref<8x32x128xf32, #tpu.memory_space<vmem>> -> memref<1x32x128xf32, #tpu.memory_space<vmem>>
      %gather3A_455 = tpu.memref_squeeze %gather3A_454 : memref<1x32x128xf32, #tpu.memory_space<vmem>> -> memref<32x128xf32, #tpu.memory_space<vmem>>
      %gather3A_456 = tpu.vector_load_idx %gather3A_455[%add3A_5, %broadcast_in_dim3A_437] : memref<32x128xf32, #tpu.memory_space<vmem>>[vector<16xi32>, vector<16xi32>], vector<16xf32>,
      tpu.vector_store_idx %arg10[%iota3A, %broadcast_in_dim3A_444], %gather3A_450 : memref<32x512xf32, #tpu.memory_space<vmem>>[vector<16xi32>, vector<16xi32>], vector<16xf32>,
      tpu.vector_store_idx %arg10[%add3A_5, %broadcast_in_dim3A_444], %gather3A_456 : memref<32x512xf32, #tpu.memory_space<vmem>>[vector<16xi32>, vector<16xi32>], vector<16xf32>,
      %gather3A_457 = arith.constant 2 : i32
      %gather3A_458 = arith.constant 0 : i32
      %gather3A_459 = arith.constant 0 : i32
      %gather3A_460 = tpu.memref_slice %arg9[%gather3A_457, %gather3A_458, %gather3A_459] : memref<8x32x128xf32, #tpu.memory_space<vmem>> -> memref<1x32x128xf32, #tpu.memory_space<vmem>>
      %gather3A_461 = tpu.memref_squeeze %gather3A_460 : memref<1x32x128xf32, #tpu.memory_space<vmem>> -> memref<32x128xf32, #tpu.memory_space<vmem>>
      %gather3A_462 = tpu.vector_load_idx %gather3A_461[%iota3A, %broadcast_in_dim3A_437] : memref<32x128xf32, #tpu.memory_space<vmem>>[vector<16xi32>, vector<16xi32>], vector<16xf32>,
      %gather3A_463 = arith.constant 2 : i32
      %gather3A_464 = arith.constant 0 : i32
      %gather3A_465 = arith.constant 0 : i32
      %gather3A_466 = tpu.memref_slice %arg9[%gather3A_463, %gather3A_464, %gather3A_465] : memref<8x32x128xf32, #tpu.memory_space<vmem>> -> memref<1x32x128xf32, #tpu.memory_space<vmem>>
      %gather3A_467 = tpu.memref_squeeze %gather3A_466 : memref<1x32x128xf32, #tpu.memory_space<vmem>> -> memref<32x128xf32, #tpu.memory_space<vmem>>
      %gather3A_468 = tpu.vector_load_idx %gather3A_467[%add3A_5, %broadcast_in_dim3A_437] : memref<32x128xf32, #tpu.memory_space<vmem>>[vector<16xi32>, vector<16xi32>], vector<16xf32>,
      tpu.vector_store_idx %arg11[%iota3A, %broadcast_in_dim3A_444], %gather3A_462 : memref<32x512xf32, #tpu.memory_space<vmem>>[vector<16xi32>, vector<16xi32>], vector<16xf32>,
      tpu.vector_store_idx %arg11[%add3A_5, %broadcast_in_dim3A_444], %gather3A_468 : memref<32x512xf32, #tpu.memory_space<vmem>>[vector<16xi32>, vector<16xi32>], vector<16xf32>,
      %slice3A_469 = vector.extract_strided_slice %get3A_16 {offsets = [3], sizes = [1], strides = [1]} : vector<16xi32> to vector<1xi32>
      %squeeze3A_470 = vector.extract %slice3A_469[0] : i32 from vector<1xi32>
      %and3A_471 = arith.constant 127 : i32
      %and3A_472 = arith.andi %squeeze3A_470, %and3A_471 : i32
      %broadcast_in_dim3A_473 = vector.broadcast %and3A_472 : i32 to vector<16xi32>
      %mul3A_474 = arith.constant 16 : i32
      %mul3A_475 = arith.muli %scan3A_12, %mul3A_474 : i32
      %add3A_476 = arith.constant 0 : i32
      %add3A_477 = arith.addi %mul3A_475, %add3A_476 : i32
      %add3A_478 = arith.constant 3 : i32
      %add3A_479 = arith.addi %add3A_477, %add3A_478 : i32
      %broadcast_in_dim3A_480 = vector.broadcast %add3A_479 : i32 to vector<16xi32>
      %gather3A_481 = arith.constant 3 : i32
      %gather3A_482 = arith.constant 0 : i32
      %gather3A_483 = arith.constant 0 : i32
      %gather3A_484 = tpu.memref_slice %arg8[%gather3A_481, %gather3A_482, %gather3A_483] : memref<8x32x128xf32, #tpu.memory_space<vmem>> -> memref<1x32x128xf32, #tpu.memory_space<vmem>>
      %gather3A_485 = tpu.memref_squeeze %gather3A_484 : memref<1x32x128xf32, #tpu.memory_space<vmem>> -> memref<32x128xf32, #tpu.memory_space<vmem>>
      %gather3A_486 = tpu.vector_load_idx %gather3A_485[%iota3A, %broadcast_in_dim3A_473] : memref<32x128xf32, #tpu.memory_space<vmem>>[vector<16xi32>, vector<16xi32>], vector<16xf32>,
      %gather3A_487 = arith.constant 3 : i32
      %gather3A_488 = arith.constant 0 : i32
      %gather3A_489 = arith.constant 0 : i32
      %gather3A_490 = tpu.memref_slice %arg8[%gather3A_487, %gather3A_488, %gather3A_489] : memref<8x32x128xf32, #tpu.memory_space<vmem>> -> memref<1x32x128xf32, #tpu.memory_space<vmem>>
      %gather3A_491 = tpu.memref_squeeze %gather3A_490 : memref<1x32x128xf32, #tpu.memory_space<vmem>> -> memref<32x128xf32, #tpu.memory_space<vmem>>
      %gather3A_492 = tpu.vector_load_idx %gather3A_491[%add3A_5, %broadcast_in_dim3A_473] : memref<32x128xf32, #tpu.memory_space<vmem>>[vector<16xi32>, vector<16xi32>], vector<16xf32>,
      tpu.vector_store_idx %arg10[%iota3A, %broadcast_in_dim3A_480], %gather3A_486 : memref<32x512xf32, #tpu.memory_space<vmem>>[vector<16xi32>, vector<16xi32>], vector<16xf32>,
      tpu.vector_store_idx %arg10[%add3A_5, %broadcast_in_dim3A_480], %gather3A_492 : memref<32x512xf32, #tpu.memory_space<vmem>>[vector<16xi32>, vector<16xi32>], vector<16xf32>,
      %gather3A_493 = arith.constant 3 : i32
      %gather3A_494 = arith.constant 0 : i32
      %gather3A_495 = arith.constant 0 : i32
      %gather3A_496 = tpu.memref_slice %arg9[%gather3A_493, %gather3A_494, %gather3A_495] : memref<8x32x128xf32, #tpu.memory_space<vmem>> -> memref<1x32x128xf32, #tpu.memory_space<vmem>>
      %gather3A_497 = tpu.memref_squeeze %gather3A_496 : memref<1x32x128xf32, #tpu.memory_space<vmem>> -> memref<32x128xf32, #tpu.memory_space<vmem>>
      %gather3A_498 = tpu.vector_load_idx %gather3A_497[%iota3A, %broadcast_in_dim3A_473] : memref<32x128xf32, #tpu.memory_space<vmem>>[vector<16xi32>, vector<16xi32>], vector<16xf32>,
      %gather3A_499 = arith.constant 3 : i32
      %gather3A_500 = arith.constant 0 : i32
      %gather3A_501 = arith.constant 0 : i32
      %gather3A_502 = tpu.memref_slice %arg9[%gather3A_499, %gather3A_500, %gather3A_501] : memref<8x32x128xf32, #tpu.memory_space<vmem>> -> memref<1x32x128xf32, #tpu.memory_space<vmem>>
      %gather3A_503 = tpu.memref_squeeze %gather3A_502 : memref<1x32x128xf32, #tpu.memory_space<vmem>> -> memref<32x128xf32, #tpu.memory_space<vmem>>
      %gather3A_504 = tpu.vector_load_idx %gather3A_503[%add3A_5, %broadcast_in_dim3A_473] : memref<32x128xf32, #tpu.memory_space<vmem>>[vector<16xi32>, vector<16xi32>], vector<16xf32>,
      tpu.vector_store_idx %arg11[%iota3A, %broadcast_in_dim3A_480], %gather3A_498 : memref<32x512xf32, #tpu.memory_space<vmem>>[vector<16xi32>, vector<16xi32>], vector<16xf32>,
      tpu.vector_store_idx %arg11[%add3A_5, %broadcast_in_dim3A_480], %gather3A_504 : memref<32x512xf32, #tpu.memory_space<vmem>>[vector<16xi32>, vector<16xi32>], vector<16xf32>,
      %slice3A_505 = vector.extract_strided_slice %get3A_16 {offsets = [8], sizes = [1], strides = [1]} : vector<16xi32> to vector<1xi32>
      %squeeze3A_506 = vector.extract %slice3A_505[0] : i32 from vector<1xi32>
      %and3A_507 = arith.constant -128 : i32
      %and3A_508 = arith.andi %squeeze3A_506, %and3A_507 : i32
      %multiple_of3A_509 = tpu.assume_multiple %and3A_508, 128 : i32
      %dma_start3A_510 = arith.constant 0 : i32
      %dma_start3A_511 = arith.constant 0 : i32
      %dma_start3A_512 = arith.constant 0 : i32
      %dma_start3A_513 = tpu.memref_slice %arg8[%dma_start3A_510, %dma_start3A_511, %dma_start3A_512] : memref<8x32x128xf32, #tpu.memory_space<vmem>> -> memref<1x32x128xf32, #tpu.memory_space<vmem>>
      %dma_start3A_514 = tpu.memref_squeeze %dma_start3A_513 : memref<1x32x128xf32, #tpu.memory_space<vmem>> -> memref<32x128xf32, #tpu.memory_space<vmem>>
      %dma_start3A_515 = arith.constant 0 : i32
      %dma_start3A_516 = tpu.memref_slice %arg3[%dma_start3A_515, %multiple_of3A_509] : memref<32x1000000xf32, #tpu.memory_space<hbm>> -> memref<32x128xf32, #tpu.memory_space<hbm>>
      %dma_start3A_517 = arith.constant 0 : i32
      %dma_start3A_518 = arith.constant 0 : i32
      %dma_start3A_519 = tpu.memref_slice %arg8[%dma_start3A_510, %dma_start3A_517, %dma_start3A_518] : memref<8x32x128xf32, #tpu.memory_space<vmem>> -> memref<1x32x128xf32, #tpu.memory_space<vmem>>
      %dma_start3A_520 = tpu.memref_squeeze %dma_start3A_519 : memref<1x32x128xf32, #tpu.memory_space<vmem>> -> memref<32x128xf32, #tpu.memory_space<vmem>>
      %dma_start3A_521 = arith.constant 0 : i32
      %dma_start3A_522 = tpu.memref_slice %arg3[%dma_start3A_521, %multiple_of3A_509] : memref<32x1000000xf32, #tpu.memory_space<hbm>> -> memref<32x128xf32, #tpu.memory_space<hbm>>
      tpu.enqueue_dma source(%dma_start3A_522 : memref<32x128xf32, #tpu.memory_space<hbm>>) target(%dma_start3A_520 : memref<32x128xf32, #tpu.memory_space<vmem>>) target_semaphore(%arg12 : memref<!tpu.dma_semaphore, #tpu.memory_space<semaphore_mem>>)
      %dma_start3A_523 = arith.constant 0 : i32
      %dma_start3A_524 = arith.constant 0 : i32
      %dma_start3A_525 = arith.constant 0 : i32
      %dma_start3A_526 = tpu.memref_slice %arg9[%dma_start3A_523, %dma_start3A_524, %dma_start3A_525] : memref<8x32x128xf32, #tpu.memory_space<vmem>> -> memref<1x32x128xf32, #tpu.memory_space<vmem>>
      %dma_start3A_527 = tpu.memref_squeeze %dma_start3A_526 : memref<1x32x128xf32, #tpu.memory_space<vmem>> -> memref<32x128xf32, #tpu.memory_space<vmem>>
      %dma_start3A_528 = arith.constant 0 : i32
      %dma_start3A_529 = tpu.memref_slice %arg4[%dma_start3A_528, %multiple_of3A_509] : memref<32x1000000xf32, #tpu.memory_space<hbm>> -> memref<32x128xf32, #tpu.memory_space<hbm>>
      %dma_start3A_530 = arith.constant 0 : i32
      %dma_start3A_531 = arith.constant 0 : i32
      %dma_start3A_532 = tpu.memref_slice %arg9[%dma_start3A_523, %dma_start3A_530, %dma_start3A_531] : memref<8x32x128xf32, #tpu.memory_space<vmem>> -> memref<1x32x128xf32, #tpu.memory_space<vmem>>
      %dma_start3A_533 = tpu.memref_squeeze %dma_start3A_532 : memref<1x32x128xf32, #tpu.memory_space<vmem>> -> memref<32x128xf32, #tpu.memory_space<vmem>>
      %dma_start3A_534 = arith.constant 0 : i32
      %dma_start3A_535 = tpu.memref_slice %arg4[%dma_start3A_534, %multiple_of3A_509] : memref<32x1000000xf32, #tpu.memory_space<hbm>> -> memref<32x128xf32, #tpu.memory_space<hbm>>
      tpu.enqueue_dma source(%dma_start3A_535 : memref<32x128xf32, #tpu.memory_space<hbm>>) target(%dma_start3A_533 : memref<32x128xf32, #tpu.memory_space<vmem>>) target_semaphore(%arg13 : memref<!tpu.dma_semaphore, #tpu.memory_space<semaphore_mem>>)
      %slice3A_536 = vector.extract_strided_slice %get3A_16 {offsets = [9], sizes = [1], strides = [1]} : vector<16xi32> to vector<1xi32>
      %squeeze3A_537 = vector.extract %slice3A_536[0] : i32 from vector<1xi32>
      %and3A_538 = arith.constant -128 : i32
      %and3A_539 = arith.andi %squeeze3A_537, %and3A_538 : i32
      %multiple_of3A_540 = tpu.assume_multiple %and3A_539, 128 : i32
      %dma_start3A_541 = arith.constant 1 : i32
      %dma_start3A_542 = arith.constant 0 : i32
      %dma_start3A_543 = arith.constant 0 : i32
      %dma_start3A_544 = tpu.memref_slice %arg8[%dma_start3A_541, %dma_start3A_542, %dma_start3A_543] : memref<8x32x128xf32, #tpu.memory_space<vmem>> -> memref<1x32x128xf32, #tpu.memory_space<vmem>>
      %dma_start3A_545 = tpu.memref_squeeze %dma_start3A_544 : memref<1x32x128xf32, #tpu.memory_space<vmem>> -> memref<32x128xf32, #tpu.memory_space<vmem>>
      %dma_start3A_546 = arith.constant 0 : i32
      %dma_start3A_547 = tpu.memref_slice %arg3[%dma_start3A_546, %multiple_of3A_540] : memref<32x1000000xf32, #tpu.memory_space<hbm>> -> memref<32x128xf32, #tpu.memory_space<hbm>>
      %dma_start3A_548 = arith.constant 0 : i32
      %dma_start3A_549 = arith.constant 0 : i32
      %dma_start3A_550 = tpu.memref_slice %arg8[%dma_start3A_541, %dma_start3A_548, %dma_start3A_549] : memref<8x32x128xf32, #tpu.memory_space<vmem>> -> memref<1x32x128xf32, #tpu.memory_space<vmem>>
      %dma_start3A_551 = tpu.memref_squeeze %dma_start3A_550 : memref<1x32x128xf32, #tpu.memory_space<vmem>> -> memref<32x128xf32, #tpu.memory_space<vmem>>
      %dma_start3A_552 = arith.constant 0 : i32
      %dma_start3A_553 = tpu.memref_slice %arg3[%dma_start3A_552, %multiple_of3A_540] : memref<32x1000000xf32, #tpu.memory_space<hbm>> -> memref<32x128xf32, #tpu.memory_space<hbm>>
      tpu.enqueue_dma source(%dma_start3A_553 : memref<32x128xf32, #tpu.memory_space<hbm>>) target(%dma_start3A_551 : memref<32x128xf32, #tpu.memory_space<vmem>>) target_semaphore(%arg12 : memref<!tpu.dma_semaphore, #tpu.memory_space<semaphore_mem>>)
      %dma_start3A_554 = arith.constant 1 : i32
      %dma_start3A_555 = arith.constant 0 : i32
      %dma_start3A_556 = arith.constant 0 : i32
      %dma_start3A_557 = tpu.memref_slice %arg9[%dma_start3A_554, %dma_start3A_555, %dma_start3A_556] : memref<8x32x128xf32, #tpu.memory_space<vmem>> -> memref<1x32x128xf32, #tpu.memory_space<vmem>>
      %dma_start3A_558 = tpu.memref_squeeze %dma_start3A_557 : memref<1x32x128xf32, #tpu.memory_space<vmem>> -> memref<32x128xf32, #tpu.memory_space<vmem>>
      %dma_start3A_559 = arith.constant 0 : i32
      %dma_start3A_560 = tpu.memref_slice %arg4[%dma_start3A_559, %multiple_of3A_540] : memref<32x1000000xf32, #tpu.memory_space<hbm>> -> memref<32x128xf32, #tpu.memory_space<hbm>>
      %dma_start3A_561 = arith.constant 0 : i32
      %dma_start3A_562 = arith.constant 0 : i32
      %dma_start3A_563 = tpu.memref_slice %arg9[%dma_start3A_554, %dma_start3A_561, %dma_start3A_562] : memref<8x32x128xf32, #tpu.memory_space<vmem>> -> memref<1x32x128xf32, #tpu.memory_space<vmem>>
      %dma_start3A_564 = tpu.memref_squeeze %dma_start3A_563 : memref<1x32x128xf32, #tpu.memory_space<vmem>> -> memref<32x128xf32, #tpu.memory_space<vmem>>
      %dma_start3A_565 = arith.constant 0 : i32
      %dma_start3A_566 = tpu.memref_slice %arg4[%dma_start3A_565, %multiple_of3A_540] : memref<32x1000000xf32, #tpu.memory_space<hbm>> -> memref<32x128xf32, #tpu.memory_space<hbm>>
      tpu.enqueue_dma source(%dma_start3A_566 : memref<32x128xf32, #tpu.memory_space<hbm>>) target(%dma_start3A_564 : memref<32x128xf32, #tpu.memory_space<vmem>>) target_semaphore(%arg13 : memref<!tpu.dma_semaphore, #tpu.memory_space<semaphore_mem>>)
      %slice3A_567 = vector.extract_strided_slice %get3A_16 {offsets = [10], sizes = [1], strides = [1]} : vector<16xi32> to vector<1xi32>
      %squeeze3A_568 = vector.extract %slice3A_567[0] : i32 from vector<1xi32>
      %and3A_569 = arith.constant -128 : i32
      %and3A_570 = arith.andi %squeeze3A_568, %and3A_569 : i32
      %multiple_of3A_571 = tpu.assume_multiple %and3A_570, 128 : i32
      %dma_start3A_572 = arith.constant 2 : i32
      %dma_start3A_573 = arith.constant 0 : i32
      %dma_start3A_574 = arith.constant 0 : i32
      %dma_start3A_575 = tpu.memref_slice %arg8[%dma_start3A_572, %dma_start3A_573, %dma_start3A_574] : memref<8x32x128xf32, #tpu.memory_space<vmem>> -> memref<1x32x128xf32, #tpu.memory_space<vmem>>
      %dma_start3A_576 = tpu.memref_squeeze %dma_start3A_575 : memref<1x32x128xf32, #tpu.memory_space<vmem>> -> memref<32x128xf32, #tpu.memory_space<vmem>>
      %dma_start3A_577 = arith.constant 0 : i32
      %dma_start3A_578 = tpu.memref_slice %arg3[%dma_start3A_577, %multiple_of3A_571] : memref<32x1000000xf32, #tpu.memory_space<hbm>> -> memref<32x128xf32, #tpu.memory_space<hbm>>
      %dma_start3A_579 = arith.constant 0 : i32
      %dma_start3A_580 = arith.constant 0 : i32
      %dma_start3A_581 = tpu.memref_slice %arg8[%dma_start3A_572, %dma_start3A_579, %dma_start3A_580] : memref<8x32x128xf32, #tpu.memory_space<vmem>> -> memref<1x32x128xf32, #tpu.memory_space<vmem>>
      %dma_start3A_582 = tpu.memref_squeeze %dma_start3A_581 : memref<1x32x128xf32, #tpu.memory_space<vmem>> -> memref<32x128xf32, #tpu.memory_space<vmem>>
      %dma_start3A_583 = arith.constant 0 : i32
      %dma_start3A_584 = tpu.memref_slice %arg3[%dma_start3A_583, %multiple_of3A_571] : memref<32x1000000xf32, #tpu.memory_space<hbm>> -> memref<32x128xf32, #tpu.memory_space<hbm>>
      tpu.enqueue_dma source(%dma_start3A_584 : memref<32x128xf32, #tpu.memory_space<hbm>>) target(%dma_start3A_582 : memref<32x128xf32, #tpu.memory_space<vmem>>) target_semaphore(%arg12 : memref<!tpu.dma_semaphore, #tpu.memory_space<semaphore_mem>>)
      %dma_start3A_585 = arith.constant 2 : i32
      %dma_start3A_586 = arith.constant 0 : i32
      %dma_start3A_587 = arith.constant 0 : i32
      %dma_start3A_588 = tpu.memref_slice %arg9[%dma_start3A_585, %dma_start3A_586, %dma_start3A_587] : memref<8x32x128xf32, #tpu.memory_space<vmem>> -> memref<1x32x128xf32, #tpu.memory_space<vmem>>
      %dma_start3A_589 = tpu.memref_squeeze %dma_start3A_588 : memref<1x32x128xf32, #tpu.memory_space<vmem>> -> memref<32x128xf32, #tpu.memory_space<vmem>>
      %dma_start3A_590 = arith.constant 0 : i32
      %dma_start3A_591 = tpu.memref_slice %arg4[%dma_start3A_590, %multiple_of3A_571] : memref<32x1000000xf32, #tpu.memory_space<hbm>> -> memref<32x128xf32, #tpu.memory_space<hbm>>
      %dma_start3A_592 = arith.constant 0 : i32
      %dma_start3A_593 = arith.constant 0 : i32
      %dma_start3A_594 = tpu.memref_slice %arg9[%dma_start3A_585, %dma_start3A_592, %dma_start3A_593] : memref<8x32x128xf32, #tpu.memory_space<vmem>> -> memref<1x32x128xf32, #tpu.memory_space<vmem>>
      %dma_start3A_595 = tpu.memref_squeeze %dma_start3A_594 : memref<1x32x128xf32, #tpu.memory_space<vmem>> -> memref<32x128xf32, #tpu.memory_space<vmem>>
      %dma_start3A_596 = arith.constant 0 : i32
      %dma_start3A_597 = tpu.memref_slice %arg4[%dma_start3A_596, %multiple_of3A_571] : memref<32x1000000xf32, #tpu.memory_space<hbm>> -> memref<32x128xf32, #tpu.memory_space<hbm>>
      tpu.enqueue_dma source(%dma_start3A_597 : memref<32x128xf32, #tpu.memory_space<hbm>>) target(%dma_start3A_595 : memref<32x128xf32, #tpu.memory_space<vmem>>) target_semaphore(%arg13 : memref<!tpu.dma_semaphore, #tpu.memory_space<semaphore_mem>>)
      %slice3A_598 = vector.extract_strided_slice %get3A_16 {offsets = [11], sizes = [1], strides = [1]} : vector<16xi32> to vector<1xi32>
      %squeeze3A_599 = vector.extract %slice3A_598[0] : i32 from vector<1xi32>
      %and3A_600 = arith.constant -128 : i32
      %and3A_601 = arith.andi %squeeze3A_599, %and3A_600 : i32
      %multiple_of3A_602 = tpu.assume_multiple %and3A_601, 128 : i32
      %dma_start3A_603 = arith.constant 3 : i32
      %dma_start3A_604 = arith.constant 0 : i32
      %dma_start3A_605 = arith.constant 0 : i32
      %dma_start3A_606 = tpu.memref_slice %arg8[%dma_start3A_603, %dma_start3A_604, %dma_start3A_605] : memref<8x32x128xf32, #tpu.memory_space<vmem>> -> memref<1x32x128xf32, #tpu.memory_space<vmem>>
      %dma_start3A_607 = tpu.memref_squeeze %dma_start3A_606 : memref<1x32x128xf32, #tpu.memory_space<vmem>> -> memref<32x128xf32, #tpu.memory_space<vmem>>
      %dma_start3A_608 = arith.constant 0 : i32
      %dma_start3A_609 = tpu.memref_slice %arg3[%dma_start3A_608, %multiple_of3A_602] : memref<32x1000000xf32, #tpu.memory_space<hbm>> -> memref<32x128xf32, #tpu.memory_space<hbm>>
      %dma_start3A_610 = arith.constant 0 : i32
      %dma_start3A_611 = arith.constant 0 : i32
      %dma_start3A_612 = tpu.memref_slice %arg8[%dma_start3A_603, %dma_start3A_610, %dma_start3A_611] : memref<8x32x128xf32, #tpu.memory_space<vmem>> -> memref<1x32x128xf32, #tpu.memory_space<vmem>>
      %dma_start3A_613 = tpu.memref_squeeze %dma_start3A_612 : memref<1x32x128xf32, #tpu.memory_space<vmem>> -> memref<32x128xf32, #tpu.memory_space<vmem>>
      %dma_start3A_614 = arith.constant 0 : i32
      %dma_start3A_615 = tpu.memref_slice %arg3[%dma_start3A_614, %multiple_of3A_602] : memref<32x1000000xf32, #tpu.memory_space<hbm>> -> memref<32x128xf32, #tpu.memory_space<hbm>>
      tpu.enqueue_dma source(%dma_start3A_615 : memref<32x128xf32, #tpu.memory_space<hbm>>) target(%dma_start3A_613 : memref<32x128xf32, #tpu.memory_space<vmem>>) target_semaphore(%arg12 : memref<!tpu.dma_semaphore, #tpu.memory_space<semaphore_mem>>)
      %dma_start3A_616 = arith.constant 3 : i32
      %dma_start3A_617 = arith.constant 0 : i32
      %dma_start3A_618 = arith.constant 0 : i32
      %dma_start3A_619 = tpu.memref_slice %arg9[%dma_start3A_616, %dma_start3A_617, %dma_start3A_618] : memref<8x32x128xf32, #tpu.memory_space<vmem>> -> memref<1x32x128xf32, #tpu.memory_space<vmem>>
      %dma_start3A_620 = tpu.memref_squeeze %dma_start3A_619 : memref<1x32x128xf32, #tpu.memory_space<vmem>> -> memref<32x128xf32, #tpu.memory_space<vmem>>
      %dma_start3A_621 = arith.constant 0 : i32
      %dma_start3A_622 = tpu.memref_slice %arg4[%dma_start3A_621, %multiple_of3A_602] : memref<32x1000000xf32, #tpu.memory_space<hbm>> -> memref<32x128xf32, #tpu.memory_space<hbm>>
      %dma_start3A_623 = arith.constant 0 : i32
      %dma_start3A_624 = arith.constant 0 : i32
      %dma_start3A_625 = tpu.memref_slice %arg9[%dma_start3A_616, %dma_start3A_623, %dma_start3A_624] : memref<8x32x128xf32, #tpu.memory_space<vmem>> -> memref<1x32x128xf32, #tpu.memory_space<vmem>>
      %dma_start3A_626 = tpu.memref_squeeze %dma_start3A_625 : memref<1x32x128xf32, #tpu.memory_space<vmem>> -> memref<32x128xf32, #tpu.memory_space<vmem>>
      %dma_start3A_627 = arith.constant 0 : i32
      %dma_start3A_628 = tpu.memref_slice %arg4[%dma_start3A_627, %multiple_of3A_602] : memref<32x1000000xf32, #tpu.memory_space<hbm>> -> memref<32x128xf32, #tpu.memory_space<hbm>>
      tpu.enqueue_dma source(%dma_start3A_628 : memref<32x128xf32, #tpu.memory_space<hbm>>) target(%dma_start3A_626 : memref<32x128xf32, #tpu.memory_space<vmem>>) target_semaphore(%arg13 : memref<!tpu.dma_semaphore, #tpu.memory_space<semaphore_mem>>)
      %dma_wait3A_629 = arith.constant 4 : i32
      %dma_wait3A_630 = arith.constant 0 : i32
      %dma_wait3A_631 = arith.constant 0 : i32
      %dma_wait3A_632 = tpu.memref_slice %arg8[%dma_wait3A_629, %dma_wait3A_630, %dma_wait3A_631] : memref<8x32x128xf32, #tpu.memory_space<vmem>> -> memref<1x32x128xf32, #tpu.memory_space<vmem>>
      %dma_wait3A_633 = tpu.memref_squeeze %dma_wait3A_632 : memref<1x32x128xf32, #tpu.memory_space<vmem>> -> memref<32x128xf32, #tpu.memory_space<vmem>>
      %dma_wait3A_634 = arith.constant 0 : i32
      %dma_wait3A_635 = tpu.memref_slice %arg3[%dma_wait3A_634, %multiple_of3A_140] : memref<32x1000000xf32, #tpu.memory_space<hbm>> -> memref<32x128xf32, #tpu.memory_space<hbm>>
      %dma_wait3A_636 = arith.constant 0 : i32
      %dma_wait3A_637 = arith.constant 0 : i32
      %dma_wait3A_638 = tpu.memref_slice %arg8[%dma_wait3A_629, %dma_wait3A_636, %dma_wait3A_637] : memref<8x32x128xf32, #tpu.memory_space<vmem>> -> memref<1x32x128xf32, #tpu.memory_space<vmem>>
      %dma_wait3A_639 = tpu.memref_squeeze %dma_wait3A_638 : memref<1x32x128xf32, #tpu.memory_space<vmem>> -> memref<32x128xf32, #tpu.memory_space<vmem>>
      %dma_wait3A_640 = arith.constant 0 : i32
      %dma_wait3A_641 = tpu.memref_slice %arg3[%dma_wait3A_640, %multiple_of3A_140] : memref<32x1000000xf32, #tpu.memory_space<hbm>> -> memref<32x128xf32, #tpu.memory_space<hbm>>
      tpu.wait_dma2 semaphore(%arg12 : memref<!tpu.dma_semaphore, #tpu.memory_space<semaphore_mem>>) src(%dma_wait3A_641 : memref<32x128xf32, #tpu.memory_space<hbm>>) dst(%dma_wait3A_639 : memref<32x128xf32, #tpu.memory_space<vmem>>)
      %dma_wait3A_642 = arith.constant 4 : i32
      %dma_wait3A_643 = arith.constant 0 : i32
      %dma_wait3A_644 = arith.constant 0 : i32
      %dma_wait3A_645 = tpu.memref_slice %arg9[%dma_wait3A_642, %dma_wait3A_643, %dma_wait3A_644] : memref<8x32x128xf32, #tpu.memory_space<vmem>> -> memref<1x32x128xf32, #tpu.memory_space<vmem>>
      %dma_wait3A_646 = tpu.memref_squeeze %dma_wait3A_645 : memref<1x32x128xf32, #tpu.memory_space<vmem>> -> memref<32x128xf32, #tpu.memory_space<vmem>>
      %dma_wait3A_647 = arith.constant 0 : i32
      %dma_wait3A_648 = tpu.memref_slice %arg4[%dma_wait3A_647, %multiple_of3A_140] : memref<32x1000000xf32, #tpu.memory_space<hbm>> -> memref<32x128xf32, #tpu.memory_space<hbm>>
      %dma_wait3A_649 = arith.constant 0 : i32
      %dma_wait3A_650 = arith.constant 0 : i32
      %dma_wait3A_651 = tpu.memref_slice %arg9[%dma_wait3A_642, %dma_wait3A_649, %dma_wait3A_650] : memref<8x32x128xf32, #tpu.memory_space<vmem>> -> memref<1x32x128xf32, #tpu.memory_space<vmem>>
      %dma_wait3A_652 = tpu.memref_squeeze %dma_wait3A_651 : memref<1x32x128xf32, #tpu.memory_space<vmem>> -> memref<32x128xf32, #tpu.memory_space<vmem>>
      %dma_wait3A_653 = arith.constant 0 : i32
      %dma_wait3A_654 = tpu.memref_slice %arg4[%dma_wait3A_653, %multiple_of3A_140] : memref<32x1000000xf32, #tpu.memory_space<hbm>> -> memref<32x128xf32, #tpu.memory_space<hbm>>
      tpu.wait_dma2 semaphore(%arg13 : memref<!tpu.dma_semaphore, #tpu.memory_space<semaphore_mem>>) src(%dma_wait3A_654 : memref<32x128xf32, #tpu.memory_space<hbm>>) dst(%dma_wait3A_652 : memref<32x128xf32, #tpu.memory_space<vmem>>)
      %dma_wait3A_655 = arith.constant 5 : i32
      %dma_wait3A_656 = arith.constant 0 : i32
      %dma_wait3A_657 = arith.constant 0 : i32
      %dma_wait3A_658 = tpu.memref_slice %arg8[%dma_wait3A_655, %dma_wait3A_656, %dma_wait3A_657] : memref<8x32x128xf32, #tpu.memory_space<vmem>> -> memref<1x32x128xf32, #tpu.memory_space<vmem>>
      %dma_wait3A_659 = tpu.memref_squeeze %dma_wait3A_658 : memref<1x32x128xf32, #tpu.memory_space<vmem>> -> memref<32x128xf32, #tpu.memory_space<vmem>>
      %dma_wait3A_660 = arith.constant 0 : i32
      %dma_wait3A_661 = tpu.memref_slice %arg3[%dma_wait3A_660, %multiple_of3A_171] : memref<32x1000000xf32, #tpu.memory_space<hbm>> -> memref<32x128xf32, #tpu.memory_space<hbm>>
      %dma_wait3A_662 = arith.constant 0 : i32
      %dma_wait3A_663 = arith.constant 0 : i32
      %dma_wait3A_664 = tpu.memref_slice %arg8[%dma_wait3A_655, %dma_wait3A_662, %dma_wait3A_663] : memref<8x32x128xf32, #tpu.memory_space<vmem>> -> memref<1x32x128xf32, #tpu.memory_space<vmem>>
      %dma_wait3A_665 = tpu.memref_squeeze %dma_wait3A_664 : memref<1x32x128xf32, #tpu.memory_space<vmem>> -> memref<32x128xf32, #tpu.memory_space<vmem>>
      %dma_wait3A_666 = arith.constant 0 : i32
      %dma_wait3A_667 = tpu.memref_slice %arg3[%dma_wait3A_666, %multiple_of3A_171] : memref<32x1000000xf32, #tpu.memory_space<hbm>> -> memref<32x128xf32, #tpu.memory_space<hbm>>
      tpu.wait_dma2 semaphore(%arg12 : memref<!tpu.dma_semaphore, #tpu.memory_space<semaphore_mem>>) src(%dma_wait3A_667 : memref<32x128xf32, #tpu.memory_space<hbm>>) dst(%dma_wait3A_665 : memref<32x128xf32, #tpu.memory_space<vmem>>)
      %dma_wait3A_668 = arith.constant 5 : i32
      %dma_wait3A_669 = arith.constant 0 : i32
      %dma_wait3A_670 = arith.constant 0 : i32
      %dma_wait3A_671 = tpu.memref_slice %arg9[%dma_wait3A_668, %dma_wait3A_669, %dma_wait3A_670] : memref<8x32x128xf32, #tpu.memory_space<vmem>> -> memref<1x32x128xf32, #tpu.memory_space<vmem>>
      %dma_wait3A_672 = tpu.memref_squeeze %dma_wait3A_671 : memref<1x32x128xf32, #tpu.memory_space<vmem>> -> memref<32x128xf32, #tpu.memory_space<vmem>>
      %dma_wait3A_673 = arith.constant 0 : i32
      %dma_wait3A_674 = tpu.memref_slice %arg4[%dma_wait3A_673, %multiple_of3A_171] : memref<32x1000000xf32, #tpu.memory_space<hbm>> -> memref<32x128xf32, #tpu.memory_space<hbm>>
      %dma_wait3A_675 = arith.constant 0 : i32
      %dma_wait3A_676 = arith.constant 0 : i32
      %dma_wait3A_677 = tpu.memref_slice %arg9[%dma_wait3A_668, %dma_wait3A_675, %dma_wait3A_676] : memref<8x32x128xf32, #tpu.memory_space<vmem>> -> memref<1x32x128xf32, #tpu.memory_space<vmem>>
      %dma_wait3A_678 = tpu.memref_squeeze %dma_wait3A_677 : memref<1x32x128xf32, #tpu.memory_space<vmem>> -> memref<32x128xf32, #tpu.memory_space<vmem>>
      %dma_wait3A_679 = arith.constant 0 : i32
      %dma_wait3A_680 = tpu.memref_slice %arg4[%dma_wait3A_679, %multiple_of3A_171] : memref<32x1000000xf32, #tpu.memory_space<hbm>> -> memref<32x128xf32, #tpu.memory_space<hbm>>
      tpu.wait_dma2 semaphore(%arg13 : memref<!tpu.dma_semaphore, #tpu.memory_space<semaphore_mem>>) src(%dma_wait3A_680 : memref<32x128xf32, #tpu.memory_space<hbm>>) dst(%dma_wait3A_678 : memref<32x128xf32, #tpu.memory_space<vmem>>)
      %dma_wait3A_681 = arith.constant 6 : i32
      %dma_wait3A_682 = arith.constant 0 : i32
      %dma_wait3A_683 = arith.constant 0 : i32
      %dma_wait3A_684 = tpu.memref_slice %arg8[%dma_wait3A_681, %dma_wait3A_682, %dma_wait3A_683] : memref<8x32x128xf32, #tpu.memory_space<vmem>> -> memref<1x32x128xf32, #tpu.memory_space<vmem>>
      %dma_wait3A_685 = tpu.memref_squeeze %dma_wait3A_684 : memref<1x32x128xf32, #tpu.memory_space<vmem>> -> memref<32x128xf32, #tpu.memory_space<vmem>>
      %dma_wait3A_686 = arith.constant 0 : i32
      %dma_wait3A_687 = tpu.memref_slice %arg3[%dma_wait3A_686, %multiple_of3A_202] : memref<32x1000000xf32, #tpu.memory_space<hbm>> -> memref<32x128xf32, #tpu.memory_space<hbm>>
      %dma_wait3A_688 = arith.constant 0 : i32
      %dma_wait3A_689 = arith.constant 0 : i32
      %dma_wait3A_690 = tpu.memref_slice %arg8[%dma_wait3A_681, %dma_wait3A_688, %dma_wait3A_689] : memref<8x32x128xf32, #tpu.memory_space<vmem>> -> memref<1x32x128xf32, #tpu.memory_space<vmem>>
      %dma_wait3A_691 = tpu.memref_squeeze %dma_wait3A_690 : memref<1x32x128xf32, #tpu.memory_space<vmem>> -> memref<32x128xf32, #tpu.memory_space<vmem>>
      %dma_wait3A_692 = arith.constant 0 : i32
      %dma_wait3A_693 = tpu.memref_slice %arg3[%dma_wait3A_692, %multiple_of3A_202] : memref<32x1000000xf32, #tpu.memory_space<hbm>> -> memref<32x128xf32, #tpu.memory_space<hbm>>
      tpu.wait_dma2 semaphore(%arg12 : memref<!tpu.dma_semaphore, #tpu.memory_space<semaphore_mem>>) src(%dma_wait3A_693 : memref<32x128xf32, #tpu.memory_space<hbm>>) dst(%dma_wait3A_691 : memref<32x128xf32, #tpu.memory_space<vmem>>)
      %dma_wait3A_694 = arith.constant 6 : i32
      %dma_wait3A_695 = arith.constant 0 : i32
      %dma_wait3A_696 = arith.constant 0 : i32
      %dma_wait3A_697 = tpu.memref_slice %arg9[%dma_wait3A_694, %dma_wait3A_695, %dma_wait3A_696] : memref<8x32x128xf32, #tpu.memory_space<vmem>> -> memref<1x32x128xf32, #tpu.memory_space<vmem>>
      %dma_wait3A_698 = tpu.memref_squeeze %dma_wait3A_697 : memref<1x32x128xf32, #tpu.memory_space<vmem>> -> memref<32x128xf32, #tpu.memory_space<vmem>>
      %dma_wait3A_699 = arith.constant 0 : i32
      %dma_wait3A_700 = tpu.memref_slice %arg4[%dma_wait3A_699, %multiple_of3A_202] : memref<32x1000000xf32, #tpu.memory_space<hbm>> -> memref<32x128xf32, #tpu.memory_space<hbm>>
      %dma_wait3A_701 = arith.constant 0 : i32
      %dma_wait3A_702 = arith.constant 0 : i32
      %dma_wait3A_703 = tpu.memref_slice %arg9[%dma_wait3A_694, %dma_wait3A_701, %dma_wait3A_702] : memref<8x32x128xf32, #tpu.memory_space<vmem>> -> memref<1x32x128xf32, #tpu.memory_space<vmem>>
      %dma_wait3A_704 = tpu.memref_squeeze %dma_wait3A_703 : memref<1x32x128xf32, #tpu.memory_space<vmem>> -> memref<32x128xf32, #tpu.memory_space<vmem>>
      %dma_wait3A_705 = arith.constant 0 : i32
      %dma_wait3A_706 = tpu.memref_slice %arg4[%dma_wait3A_705, %multiple_of3A_202] : memref<32x1000000xf32, #tpu.memory_space<hbm>> -> memref<32x128xf32, #tpu.memory_space<hbm>>
      tpu.wait_dma2 semaphore(%arg13 : memref<!tpu.dma_semaphore, #tpu.memory_space<semaphore_mem>>) src(%dma_wait3A_706 : memref<32x128xf32, #tpu.memory_space<hbm>>) dst(%dma_wait3A_704 : memref<32x128xf32, #tpu.memory_space<vmem>>)
      %dma_wait3A_707 = arith.constant 7 : i32
      %dma_wait3A_708 = arith.constant 0 : i32
      %dma_wait3A_709 = arith.constant 0 : i32
      %dma_wait3A_710 = tpu.memref_slice %arg8[%dma_wait3A_707, %dma_wait3A_708, %dma_wait3A_709] : memref<8x32x128xf32, #tpu.memory_space<vmem>> -> memref<1x32x128xf32, #tpu.memory_space<vmem>>
      %dma_wait3A_711 = tpu.memref_squeeze %dma_wait3A_710 : memref<1x32x128xf32, #tpu.memory_space<vmem>> -> memref<32x128xf32, #tpu.memory_space<vmem>>
      %dma_wait3A_712 = arith.constant 0 : i32
      %dma_wait3A_713 = tpu.memref_slice %arg3[%dma_wait3A_712, %multiple_of3A_233] : memref<32x1000000xf32, #tpu.memory_space<hbm>> -> memref<32x128xf32, #tpu.memory_space<hbm>>
      %dma_wait3A_714 = arith.constant 0 : i32
      %dma_wait3A_715 = arith.constant 0 : i32
      %dma_wait3A_716 = tpu.memref_slice %arg8[%dma_wait3A_707, %dma_wait3A_714, %dma_wait3A_715] : memref<8x32x128xf32, #tpu.memory_space<vmem>> -> memref<1x32x128xf32, #tpu.memory_space<vmem>>
      %dma_wait3A_717 = tpu.memref_squeeze %dma_wait3A_716 : memref<1x32x128xf32, #tpu.memory_space<vmem>> -> memref<32x128xf32, #tpu.memory_space<vmem>>
      %dma_wait3A_718 = arith.constant 0 : i32
      %dma_wait3A_719 = tpu.memref_slice %arg3[%dma_wait3A_718, %multiple_of3A_233] : memref<32x1000000xf32, #tpu.memory_space<hbm>> -> memref<32x128xf32, #tpu.memory_space<hbm>>
      tpu.wait_dma2 semaphore(%arg12 : memref<!tpu.dma_semaphore, #tpu.memory_space<semaphore_mem>>) src(%dma_wait3A_719 : memref<32x128xf32, #tpu.memory_space<hbm>>) dst(%dma_wait3A_717 : memref<32x128xf32, #tpu.memory_space<vmem>>)
      %dma_wait3A_720 = arith.constant 7 : i32
      %dma_wait3A_721 = arith.constant 0 : i32
      %dma_wait3A_722 = arith.constant 0 : i32
      %dma_wait3A_723 = tpu.memref_slice %arg9[%dma_wait3A_720, %dma_wait3A_721, %dma_wait3A_722] : memref<8x32x128xf32, #tpu.memory_space<vmem>> -> memref<1x32x128xf32, #tpu.memory_space<vmem>>
      %dma_wait3A_724 = tpu.memref_squeeze %dma_wait3A_723 : memref<1x32x128xf32, #tpu.memory_space<vmem>> -> memref<32x128xf32, #tpu.memory_space<vmem>>
      %dma_wait3A_725 = arith.constant 0 : i32
      %dma_wait3A_726 = tpu.memref_slice %arg4[%dma_wait3A_725, %multiple_of3A_233] : memref<32x1000000xf32, #tpu.memory_space<hbm>> -> memref<32x128xf32, #tpu.memory_space<hbm>>
      %dma_wait3A_727 = arith.constant 0 : i32
      %dma_wait3A_728 = arith.constant 0 : i32
      %dma_wait3A_729 = tpu.memref_slice %arg9[%dma_wait3A_720, %dma_wait3A_727, %dma_wait3A_728] : memref<8x32x128xf32, #tpu.memory_space<vmem>> -> memref<1x32x128xf32, #tpu.memory_space<vmem>>
      %dma_wait3A_730 = tpu.memref_squeeze %dma_wait3A_729 : memref<1x32x128xf32, #tpu.memory_space<vmem>> -> memref<32x128xf32, #tpu.memory_space<vmem>>
      %dma_wait3A_731 = arith.constant 0 : i32
      %dma_wait3A_732 = tpu.memref_slice %arg4[%dma_wait3A_731, %multiple_of3A_233] : memref<32x1000000xf32, #tpu.memory_space<hbm>> -> memref<32x128xf32, #tpu.memory_space<hbm>>
      tpu.wait_dma2 semaphore(%arg13 : memref<!tpu.dma_semaphore, #tpu.memory_space<semaphore_mem>>) src(%dma_wait3A_732 : memref<32x128xf32, #tpu.memory_space<hbm>>) dst(%dma_wait3A_730 : memref<32x128xf32, #tpu.memory_space<vmem>>)
      %slice3A_733 = vector.extract_strided_slice %get3A_16 {offsets = [4], sizes = [1], strides = [1]} : vector<16xi32> to vector<1xi32>
      %squeeze3A_734 = vector.extract %slice3A_733[0] : i32 from vector<1xi32>
      %and3A_735 = arith.constant 127 : i32
      %and3A_736 = arith.andi %squeeze3A_734, %and3A_735 : i32
      %broadcast_in_dim3A_737 = vector.broadcast %and3A_736 : i32 to vector<16xi32>
      %mul3A_738 = arith.constant 16 : i32
      %mul3A_739 = arith.muli %scan3A_12, %mul3A_738 : i32
      %add3A_740 = arith.constant 4 : i32
      %add3A_741 = arith.addi %mul3A_739, %add3A_740 : i32
      %add3A_742 = arith.constant 0 : i32
      %add3A_743 = arith.addi %add3A_741, %add3A_742 : i32
      %broadcast_in_dim3A_744 = vector.broadcast %add3A_743 : i32 to vector<16xi32>
      %gather3A_745 = arith.constant 4 : i32
      %gather3A_746 = arith.constant 0 : i32
      %gather3A_747 = arith.constant 0 : i32
      %gather3A_748 = tpu.memref_slice %arg8[%gather3A_745, %gather3A_746, %gather3A_747] : memref<8x32x128xf32, #tpu.memory_space<vmem>> -> memref<1x32x128xf32, #tpu.memory_space<vmem>>
      %gather3A_749 = tpu.memref_squeeze %gather3A_748 : memref<1x32x128xf32, #tpu.memory_space<vmem>> -> memref<32x128xf32, #tpu.memory_space<vmem>>
      %gather3A_750 = tpu.vector_load_idx %gather3A_749[%iota3A, %broadcast_in_dim3A_737] : memref<32x128xf32, #tpu.memory_space<vmem>>[vector<16xi32>, vector<16xi32>], vector<16xf32>,
      %gather3A_751 = arith.constant 4 : i32
      %gather3A_752 = arith.constant 0 : i32
      %gather3A_753 = arith.constant 0 : i32
      %gather3A_754 = tpu.memref_slice %arg8[%gather3A_751, %gather3A_752, %gather3A_753] : memref<8x32x128xf32, #tpu.memory_space<vmem>> -> memref<1x32x128xf32, #tpu.memory_space<vmem>>
      %gather3A_755 = tpu.memref_squeeze %gather3A_754 : memref<1x32x128xf32, #tpu.memory_space<vmem>> -> memref<32x128xf32, #tpu.memory_space<vmem>>
      %gather3A_756 = tpu.vector_load_idx %gather3A_755[%add3A_5, %broadcast_in_dim3A_737] : memref<32x128xf32, #tpu.memory_space<vmem>>[vector<16xi32>, vector<16xi32>], vector<16xf32>,
      tpu.vector_store_idx %arg10[%iota3A, %broadcast_in_dim3A_744], %gather3A_750 : memref<32x512xf32, #tpu.memory_space<vmem>>[vector<16xi32>, vector<16xi32>], vector<16xf32>,
      tpu.vector_store_idx %arg10[%add3A_5, %broadcast_in_dim3A_744], %gather3A_756 : memref<32x512xf32, #tpu.memory_space<vmem>>[vector<16xi32>, vector<16xi32>], vector<16xf32>,
      %gather3A_757 = arith.constant 4 : i32
      %gather3A_758 = arith.constant 0 : i32
      %gather3A_759 = arith.constant 0 : i32
      %gather3A_760 = tpu.memref_slice %arg9[%gather3A_757, %gather3A_758, %gather3A_759] : memref<8x32x128xf32, #tpu.memory_space<vmem>> -> memref<1x32x128xf32, #tpu.memory_space<vmem>>
      %gather3A_761 = tpu.memref_squeeze %gather3A_760 : memref<1x32x128xf32, #tpu.memory_space<vmem>> -> memref<32x128xf32, #tpu.memory_space<vmem>>
      %gather3A_762 = tpu.vector_load_idx %gather3A_761[%iota3A, %broadcast_in_dim3A_737] : memref<32x128xf32, #tpu.memory_space<vmem>>[vector<16xi32>, vector<16xi32>], vector<16xf32>,
      %gather3A_763 = arith.constant 4 : i32
      %gather3A_764 = arith.constant 0 : i32
      %gather3A_765 = arith.constant 0 : i32
      %gather3A_766 = tpu.memref_slice %arg9[%gather3A_763, %gather3A_764, %gather3A_765] : memref<8x32x128xf32, #tpu.memory_space<vmem>> -> memref<1x32x128xf32, #tpu.memory_space<vmem>>
      %gather3A_767 = tpu.memref_squeeze %gather3A_766 : memref<1x32x128xf32, #tpu.memory_space<vmem>> -> memref<32x128xf32, #tpu.memory_space<vmem>>
      %gather3A_768 = tpu.vector_load_idx %gather3A_767[%add3A_5, %broadcast_in_dim3A_737] : memref<32x128xf32, #tpu.memory_space<vmem>>[vector<16xi32>, vector<16xi32>], vector<16xf32>,
      tpu.vector_store_idx %arg11[%iota3A, %broadcast_in_dim3A_744], %gather3A_762 : memref<32x512xf32, #tpu.memory_space<vmem>>[vector<16xi32>, vector<16xi32>], vector<16xf32>,
      tpu.vector_store_idx %arg11[%add3A_5, %broadcast_in_dim3A_744], %gather3A_768 : memref<32x512xf32, #tpu.memory_space<vmem>>[vector<16xi32>, vector<16xi32>], vector<16xf32>,
      %slice3A_769 = vector.extract_strided_slice %get3A_16 {offsets = [5], sizes = [1], strides = [1]} : vector<16xi32> to vector<1xi32>
      %squeeze3A_770 = vector.extract %slice3A_769[0] : i32 from vector<1xi32>
      %and3A_771 = arith.constant 127 : i32
      %and3A_772 = arith.andi %squeeze3A_770, %and3A_771 : i32
      %broadcast_in_dim3A_773 = vector.broadcast %and3A_772 : i32 to vector<16xi32>
      %mul3A_774 = arith.constant 16 : i32
      %mul3A_775 = arith.muli %scan3A_12, %mul3A_774 : i32
      %add3A_776 = arith.constant 4 : i32
      %add3A_777 = arith.addi %mul3A_775, %add3A_776 : i32
      %add3A_778 = arith.constant 1 : i32
      %add3A_779 = arith.addi %add3A_777, %add3A_778 : i32
      %broadcast_in_dim3A_780 = vector.broadcast %add3A_779 : i32 to vector<16xi32>
      %gather3A_781 = arith.constant 5 : i32
      %gather3A_782 = arith.constant 0 : i32
      %gather3A_783 = arith.constant 0 : i32
      %gather3A_784 = tpu.memref_slice %arg8[%gather3A_781, %gather3A_782, %gather3A_783] : memref<8x32x128xf32, #tpu.memory_space<vmem>> -> memref<1x32x128xf32, #tpu.memory_space<vmem>>
      %gather3A_785 = tpu.memref_squeeze %gather3A_784 : memref<1x32x128xf32, #tpu.memory_space<vmem>> -> memref<32x128xf32, #tpu.memory_space<vmem>>
      %gather3A_786 = tpu.vector_load_idx %gather3A_785[%iota3A, %broadcast_in_dim3A_773] : memref<32x128xf32, #tpu.memory_space<vmem>>[vector<16xi32>, vector<16xi32>], vector<16xf32>,
      %gather3A_787 = arith.constant 5 : i32
      %gather3A_788 = arith.constant 0 : i32
      %gather3A_789 = arith.constant 0 : i32
      %gather3A_790 = tpu.memref_slice %arg8[%gather3A_787, %gather3A_788, %gather3A_789] : memref<8x32x128xf32, #tpu.memory_space<vmem>> -> memref<1x32x128xf32, #tpu.memory_space<vmem>>
      %gather3A_791 = tpu.memref_squeeze %gather3A_790 : memref<1x32x128xf32, #tpu.memory_space<vmem>> -> memref<32x128xf32, #tpu.memory_space<vmem>>
      %gather3A_792 = tpu.vector_load_idx %gather3A_791[%add3A_5, %broadcast_in_dim3A_773] : memref<32x128xf32, #tpu.memory_space<vmem>>[vector<16xi32>, vector<16xi32>], vector<16xf32>,
      tpu.vector_store_idx %arg10[%iota3A, %broadcast_in_dim3A_780], %gather3A_786 : memref<32x512xf32, #tpu.memory_space<vmem>>[vector<16xi32>, vector<16xi32>], vector<16xf32>,
      tpu.vector_store_idx %arg10[%add3A_5, %broadcast_in_dim3A_780], %gather3A_792 : memref<32x512xf32, #tpu.memory_space<vmem>>[vector<16xi32>, vector<16xi32>], vector<16xf32>,
      %gather3A_793 = arith.constant 5 : i32
      %gather3A_794 = arith.constant 0 : i32
      %gather3A_795 = arith.constant 0 : i32
      %gather3A_796 = tpu.memref_slice %arg9[%gather3A_793, %gather3A_794, %gather3A_795] : memref<8x32x128xf32, #tpu.memory_space<vmem>> -> memref<1x32x128xf32, #tpu.memory_space<vmem>>
      %gather3A_797 = tpu.memref_squeeze %gather3A_796 : memref<1x32x128xf32, #tpu.memory_space<vmem>> -> memref<32x128xf32, #tpu.memory_space<vmem>>
      %gather3A_798 = tpu.vector_load_idx %gather3A_797[%iota3A, %broadcast_in_dim3A_773] : memref<32x128xf32, #tpu.memory_space<vmem>>[vector<16xi32>, vector<16xi32>], vector<16xf32>,
      %gather3A_799 = arith.constant 5 : i32
      %gather3A_800 = arith.constant 0 : i32
      %gather3A_801 = arith.constant 0 : i32
      %gather3A_802 = tpu.memref_slice %arg9[%gather3A_799, %gather3A_800, %gather3A_801] : memref<8x32x128xf32, #tpu.memory_space<vmem>> -> memref<1x32x128xf32, #tpu.memory_space<vmem>>
      %gather3A_803 = tpu.memref_squeeze %gather3A_802 : memref<1x32x128xf32, #tpu.memory_space<vmem>> -> memref<32x128xf32, #tpu.memory_space<vmem>>
      %gather3A_804 = tpu.vector_load_idx %gather3A_803[%add3A_5, %broadcast_in_dim3A_773] : memref<32x128xf32, #tpu.memory_space<vmem>>[vector<16xi32>, vector<16xi32>], vector<16xf32>,
      tpu.vector_store_idx %arg11[%iota3A, %broadcast_in_dim3A_780], %gather3A_798 : memref<32x512xf32, #tpu.memory_space<vmem>>[vector<16xi32>, vector<16xi32>], vector<16xf32>,
      tpu.vector_store_idx %arg11[%add3A_5, %broadcast_in_dim3A_780], %gather3A_804 : memref<32x512xf32, #tpu.memory_space<vmem>>[vector<16xi32>, vector<16xi32>], vector<16xf32>,
      %slice3A_805 = vector.extract_strided_slice %get3A_16 {offsets = [6], sizes = [1], strides = [1]} : vector<16xi32> to vector<1xi32>
      %squeeze3A_806 = vector.extract %slice3A_805[0] : i32 from vector<1xi32>
      %and3A_807 = arith.constant 127 : i32
      %and3A_808 = arith.andi %squeeze3A_806, %and3A_807 : i32
      %broadcast_in_dim3A_809 = vector.broadcast %and3A_808 : i32 to vector<16xi32>
      %mul3A_810 = arith.constant 16 : i32
      %mul3A_811 = arith.muli %scan3A_12, %mul3A_810 : i32
      %add3A_812 = arith.constant 4 : i32
      %add3A_813 = arith.addi %mul3A_811, %add3A_812 : i32
      %add3A_814 = arith.constant 2 : i32
      %add3A_815 = arith.addi %add3A_813, %add3A_814 : i32
      %broadcast_in_dim3A_816 = vector.broadcast %add3A_815 : i32 to vector<16xi32>
      %gather3A_817 = arith.constant 6 : i32
      %gather3A_818 = arith.constant 0 : i32
      %gather3A_819 = arith.constant 0 : i32
      %gather3A_820 = tpu.memref_slice %arg8[%gather3A_817, %gather3A_818, %gather3A_819] : memref<8x32x128xf32, #tpu.memory_space<vmem>> -> memref<1x32x128xf32, #tpu.memory_space<vmem>>
      %gather3A_821 = tpu.memref_squeeze %gather3A_820 : memref<1x32x128xf32, #tpu.memory_space<vmem>> -> memref<32x128xf32, #tpu.memory_space<vmem>>
      %gather3A_822 = tpu.vector_load_idx %gather3A_821[%iota3A, %broadcast_in_dim3A_809] : memref<32x128xf32, #tpu.memory_space<vmem>>[vector<16xi32>, vector<16xi32>], vector<16xf32>,
      %gather3A_823 = arith.constant 6 : i32
      %gather3A_824 = arith.constant 0 : i32
      %gather3A_825 = arith.constant 0 : i32
      %gather3A_826 = tpu.memref_slice %arg8[%gather3A_823, %gather3A_824, %gather3A_825] : memref<8x32x128xf32, #tpu.memory_space<vmem>> -> memref<1x32x128xf32, #tpu.memory_space<vmem>>
      %gather3A_827 = tpu.memref_squeeze %gather3A_826 : memref<1x32x128xf32, #tpu.memory_space<vmem>> -> memref<32x128xf32, #tpu.memory_space<vmem>>
      %gather3A_828 = tpu.vector_load_idx %gather3A_827[%add3A_5, %broadcast_in_dim3A_809] : memref<32x128xf32, #tpu.memory_space<vmem>>[vector<16xi32>, vector<16xi32>], vector<16xf32>,
      tpu.vector_store_idx %arg10[%iota3A, %broadcast_in_dim3A_816], %gather3A_822 : memref<32x512xf32, #tpu.memory_space<vmem>>[vector<16xi32>, vector<16xi32>], vector<16xf32>,
      tpu.vector_store_idx %arg10[%add3A_5, %broadcast_in_dim3A_816], %gather3A_828 : memref<32x512xf32, #tpu.memory_space<vmem>>[vector<16xi32>, vector<16xi32>], vector<16xf32>,
      %gather3A_829 = arith.constant 6 : i32
      %gather3A_830 = arith.constant 0 : i32
      %gather3A_831 = arith.constant 0 : i32
      %gather3A_832 = tpu.memref_slice %arg9[%gather3A_829, %gather3A_830, %gather3A_831] : memref<8x32x128xf32, #tpu.memory_space<vmem>> -> memref<1x32x128xf32, #tpu.memory_space<vmem>>
      %gather3A_833 = tpu.memref_squeeze %gather3A_832 : memref<1x32x128xf32, #tpu.memory_space<vmem>> -> memref<32x128xf32, #tpu.memory_space<vmem>>
      %gather3A_834 = tpu.vector_load_idx %gather3A_833[%iota3A, %broadcast_in_dim3A_809] : memref<32x128xf32, #tpu.memory_space<vmem>>[vector<16xi32>, vector<16xi32>], vector<16xf32>,
      %gather3A_835 = arith.constant 6 : i32
      %gather3A_836 = arith.constant 0 : i32
      %gather3A_837 = arith.constant 0 : i32
      %gather3A_838 = tpu.memref_slice %arg9[%gather3A_835, %gather3A_836, %gather3A_837] : memref<8x32x128xf32, #tpu.memory_space<vmem>> -> memref<1x32x128xf32, #tpu.memory_space<vmem>>
      %gather3A_839 = tpu.memref_squeeze %gather3A_838 : memref<1x32x128xf32, #tpu.memory_space<vmem>> -> memref<32x128xf32, #tpu.memory_space<vmem>>
      %gather3A_840 = tpu.vector_load_idx %gather3A_839[%add3A_5, %broadcast_in_dim3A_809] : memref<32x128xf32, #tpu.memory_space<vmem>>[vector<16xi32>, vector<16xi32>], vector<16xf32>,
      tpu.vector_store_idx %arg11[%iota3A, %broadcast_in_dim3A_816], %gather3A_834 : memref<32x512xf32, #tpu.memory_space<vmem>>[vector<16xi32>, vector<16xi32>], vector<16xf32>,
      tpu.vector_store_idx %arg11[%add3A_5, %broadcast_in_dim3A_816], %gather3A_840 : memref<32x512xf32, #tpu.memory_space<vmem>>[vector<16xi32>, vector<16xi32>], vector<16xf32>,
      %slice3A_841 = vector.extract_strided_slice %get3A_16 {offsets = [7], sizes = [1], strides = [1]} : vector<16xi32> to vector<1xi32>
      %squeeze3A_842 = vector.extract %slice3A_841[0] : i32 from vector<1xi32>
      %and3A_843 = arith.constant 127 : i32
      %and3A_844 = arith.andi %squeeze3A_842, %and3A_843 : i32
      %broadcast_in_dim3A_845 = vector.broadcast %and3A_844 : i32 to vector<16xi32>
      %mul3A_846 = arith.constant 16 : i32
      %mul3A_847 = arith.muli %scan3A_12, %mul3A_846 : i32
      %add3A_848 = arith.constant 4 : i32
      %add3A_849 = arith.addi %mul3A_847, %add3A_848 : i32
      %add3A_850 = arith.constant 3 : i32
      %add3A_851 = arith.addi %add3A_849, %add3A_850 : i32
      %broadcast_in_dim3A_852 = vector.broadcast %add3A_851 : i32 to vector<16xi32>
      %gather3A_853 = arith.constant 7 : i32
      %gather3A_854 = arith.constant 0 : i32
      %gather3A_855 = arith.constant 0 : i32
      %gather3A_856 = tpu.memref_slice %arg8[%gather3A_853, %gather3A_854, %gather3A_855] : memref<8x32x128xf32, #tpu.memory_space<vmem>> -> memref<1x32x128xf32, #tpu.memory_space<vmem>>
      %gather3A_857 = tpu.memref_squeeze %gather3A_856 : memref<1x32x128xf32, #tpu.memory_space<vmem>> -> memref<32x128xf32, #tpu.memory_space<vmem>>
      %gather3A_858 = tpu.vector_load_idx %gather3A_857[%iota3A, %broadcast_in_dim3A_845] : memref<32x128xf32, #tpu.memory_space<vmem>>[vector<16xi32>, vector<16xi32>], vector<16xf32>,
      %gather3A_859 = arith.constant 7 : i32
      %gather3A_860 = arith.constant 0 : i32
      %gather3A_861 = arith.constant 0 : i32
      %gather3A_862 = tpu.memref_slice %arg8[%gather3A_859, %gather3A_860, %gather3A_861] : memref<8x32x128xf32, #tpu.memory_space<vmem>> -> memref<1x32x128xf32, #tpu.memory_space<vmem>>
      %gather3A_863 = tpu.memref_squeeze %gather3A_862 : memref<1x32x128xf32, #tpu.memory_space<vmem>> -> memref<32x128xf32, #tpu.memory_space<vmem>>
      %gather3A_864 = tpu.vector_load_idx %gather3A_863[%add3A_5, %broadcast_in_dim3A_845] : memref<32x128xf32, #tpu.memory_space<vmem>>[vector<16xi32>, vector<16xi32>], vector<16xf32>,
      tpu.vector_store_idx %arg10[%iota3A, %broadcast_in_dim3A_852], %gather3A_858 : memref<32x512xf32, #tpu.memory_space<vmem>>[vector<16xi32>, vector<16xi32>], vector<16xf32>,
      tpu.vector_store_idx %arg10[%add3A_5, %broadcast_in_dim3A_852], %gather3A_864 : memref<32x512xf32, #tpu.memory_space<vmem>>[vector<16xi32>, vector<16xi32>], vector<16xf32>,
      %gather3A_865 = arith.constant 7 : i32
      %gather3A_866 = arith.constant 0 : i32
      %gather3A_867 = arith.constant 0 : i32
      %gather3A_868 = tpu.memref_slice %arg9[%gather3A_865, %gather3A_866, %gather3A_867] : memref<8x32x128xf32, #tpu.memory_space<vmem>> -> memref<1x32x128xf32, #tpu.memory_space<vmem>>
      %gather3A_869 = tpu.memref_squeeze %gather3A_868 : memref<1x32x128xf32, #tpu.memory_space<vmem>> -> memref<32x128xf32, #tpu.memory_space<vmem>>
      %gather3A_870 = tpu.vector_load_idx %gather3A_869[%iota3A, %broadcast_in_dim3A_845] : memref<32x128xf32, #tpu.memory_space<vmem>>[vector<16xi32>, vector<16xi32>], vector<16xf32>,
      %gather3A_871 = arith.constant 7 : i32
      %gather3A_872 = arith.constant 0 : i32
      %gather3A_873 = arith.constant 0 : i32
      %gather3A_874 = tpu.memref_slice %arg9[%gather3A_871, %gather3A_872, %gather3A_873] : memref<8x32x128xf32, #tpu.memory_space<vmem>> -> memref<1x32x128xf32, #tpu.memory_space<vmem>>
      %gather3A_875 = tpu.memref_squeeze %gather3A_874 : memref<1x32x128xf32, #tpu.memory_space<vmem>> -> memref<32x128xf32, #tpu.memory_space<vmem>>
      %gather3A_876 = tpu.vector_load_idx %gather3A_875[%add3A_5, %broadcast_in_dim3A_845] : memref<32x128xf32, #tpu.memory_space<vmem>>[vector<16xi32>, vector<16xi32>], vector<16xf32>,
      tpu.vector_store_idx %arg11[%iota3A, %broadcast_in_dim3A_852], %gather3A_870 : memref<32x512xf32, #tpu.memory_space<vmem>>[vector<16xi32>, vector<16xi32>], vector<16xf32>,
      tpu.vector_store_idx %arg11[%add3A_5, %broadcast_in_dim3A_852], %gather3A_876 : memref<32x512xf32, #tpu.memory_space<vmem>>[vector<16xi32>, vector<16xi32>], vector<16xf32>,
      %slice3A_877 = vector.extract_strided_slice %get3A_16 {offsets = [12], sizes = [1], strides = [1]} : vector<16xi32> to vector<1xi32>
      %squeeze3A_878 = vector.extract %slice3A_877[0] : i32 from vector<1xi32>
      %and3A_879 = arith.constant -128 : i32
      %and3A_880 = arith.andi %squeeze3A_878, %and3A_879 : i32
      %multiple_of3A_881 = tpu.assume_multiple %and3A_880, 128 : i32
      %dma_start3A_882 = arith.constant 4 : i32
      %dma_start3A_883 = arith.constant 0 : i32
      %dma_start3A_884 = arith.constant 0 : i32
      %dma_start3A_885 = tpu.memref_slice %arg8[%dma_start3A_882, %dma_start3A_883, %dma_start3A_884] : memref<8x32x128xf32, #tpu.memory_space<vmem>> -> memref<1x32x128xf32, #tpu.memory_space<vmem>>
      %dma_start3A_886 = tpu.memref_squeeze %dma_start3A_885 : memref<1x32x128xf32, #tpu.memory_space<vmem>> -> memref<32x128xf32, #tpu.memory_space<vmem>>
      %dma_start3A_887 = arith.constant 0 : i32
      %dma_start3A_888 = tpu.memref_slice %arg3[%dma_start3A_887, %multiple_of3A_881] : memref<32x1000000xf32, #tpu.memory_space<hbm>> -> memref<32x128xf32, #tpu.memory_space<hbm>>
      %dma_start3A_889 = arith.constant 0 : i32
      %dma_start3A_890 = arith.constant 0 : i32
      %dma_start3A_891 = tpu.memref_slice %arg8[%dma_start3A_882, %dma_start3A_889, %dma_start3A_890] : memref<8x32x128xf32, #tpu.memory_space<vmem>> -> memref<1x32x128xf32, #tpu.memory_space<vmem>>
      %dma_start3A_892 = tpu.memref_squeeze %dma_start3A_891 : memref<1x32x128xf32, #tpu.memory_space<vmem>> -> memref<32x128xf32, #tpu.memory_space<vmem>>
      %dma_start3A_893 = arith.constant 0 : i32
      %dma_start3A_894 = tpu.memref_slice %arg3[%dma_start3A_893, %multiple_of3A_881] : memref<32x1000000xf32, #tpu.memory_space<hbm>> -> memref<32x128xf32, #tpu.memory_space<hbm>>
      tpu.enqueue_dma source(%dma_start3A_894 : memref<32x128xf32, #tpu.memory_space<hbm>>) target(%dma_start3A_892 : memref<32x128xf32, #tpu.memory_space<vmem>>) target_semaphore(%arg12 : memref<!tpu.dma_semaphore, #tpu.memory_space<semaphore_mem>>)
      %dma_start3A_895 = arith.constant 4 : i32
      %dma_start3A_896 = arith.constant 0 : i32
      %dma_start3A_897 = arith.constant 0 : i32
      %dma_start3A_898 = tpu.memref_slice %arg9[%dma_start3A_895, %dma_start3A_896, %dma_start3A_897] : memref<8x32x128xf32, #tpu.memory_space<vmem>> -> memref<1x32x128xf32, #tpu.memory_space<vmem>>
      %dma_start3A_899 = tpu.memref_squeeze %dma_start3A_898 : memref<1x32x128xf32, #tpu.memory_space<vmem>> -> memref<32x128xf32, #tpu.memory_space<vmem>>
      %dma_start3A_900 = arith.constant 0 : i32
      %dma_start3A_901 = tpu.memref_slice %arg4[%dma_start3A_900, %multiple_of3A_881] : memref<32x1000000xf32, #tpu.memory_space<hbm>> -> memref<32x128xf32, #tpu.memory_space<hbm>>
      %dma_start3A_902 = arith.constant 0 : i32
      %dma_start3A_903 = arith.constant 0 : i32
      %dma_start3A_904 = tpu.memref_slice %arg9[%dma_start3A_895, %dma_start3A_902, %dma_start3A_903] : memref<8x32x128xf32, #tpu.memory_space<vmem>> -> memref<1x32x128xf32, #tpu.memory_space<vmem>>
      %dma_start3A_905 = tpu.memref_squeeze %dma_start3A_904 : memref<1x32x128xf32, #tpu.memory_space<vmem>> -> memref<32x128xf32, #tpu.memory_space<vmem>>
      %dma_start3A_906 = arith.constant 0 : i32
      %dma_start3A_907 = tpu.memref_slice %arg4[%dma_start3A_906, %multiple_of3A_881] : memref<32x1000000xf32, #tpu.memory_space<hbm>> -> memref<32x128xf32, #tpu.memory_space<hbm>>
      tpu.enqueue_dma source(%dma_start3A_907 : memref<32x128xf32, #tpu.memory_space<hbm>>) target(%dma_start3A_905 : memref<32x128xf32, #tpu.memory_space<vmem>>) target_semaphore(%arg13 : memref<!tpu.dma_semaphore, #tpu.memory_space<semaphore_mem>>)
      %slice3A_908 = vector.extract_strided_slice %get3A_16 {offsets = [13], sizes = [1], strides = [1]} : vector<16xi32> to vector<1xi32>
      %squeeze3A_909 = vector.extract %slice3A_908[0] : i32 from vector<1xi32>
      %and3A_910 = arith.constant -128 : i32
      %and3A_911 = arith.andi %squeeze3A_909, %and3A_910 : i32
      %multiple_of3A_912 = tpu.assume_multiple %and3A_911, 128 : i32
      %dma_start3A_913 = arith.constant 5 : i32
      %dma_start3A_914 = arith.constant 0 : i32
      %dma_start3A_915 = arith.constant 0 : i32
      %dma_start3A_916 = tpu.memref_slice %arg8[%dma_start3A_913, %dma_start3A_914, %dma_start3A_915] : memref<8x32x128xf32, #tpu.memory_space<vmem>> -> memref<1x32x128xf32, #tpu.memory_space<vmem>>
      %dma_start3A_917 = tpu.memref_squeeze %dma_start3A_916 : memref<1x32x128xf32, #tpu.memory_space<vmem>> -> memref<32x128xf32, #tpu.memory_space<vmem>>
      %dma_start3A_918 = arith.constant 0 : i32
      %dma_start3A_919 = tpu.memref_slice %arg3[%dma_start3A_918, %multiple_of3A_912] : memref<32x1000000xf32, #tpu.memory_space<hbm>> -> memref<32x128xf32, #tpu.memory_space<hbm>>
      %dma_start3A_920 = arith.constant 0 : i32
      %dma_start3A_921 = arith.constant 0 : i32
      %dma_start3A_922 = tpu.memref_slice %arg8[%dma_start3A_913, %dma_start3A_920, %dma_start3A_921] : memref<8x32x128xf32, #tpu.memory_space<vmem>> -> memref<1x32x128xf32, #tpu.memory_space<vmem>>
      %dma_start3A_923 = tpu.memref_squeeze %dma_start3A_922 : memref<1x32x128xf32, #tpu.memory_space<vmem>> -> memref<32x128xf32, #tpu.memory_space<vmem>>
      %dma_start3A_924 = arith.constant 0 : i32
      %dma_start3A_925 = tpu.memref_slice %arg3[%dma_start3A_924, %multiple_of3A_912] : memref<32x1000000xf32, #tpu.memory_space<hbm>> -> memref<32x128xf32, #tpu.memory_space<hbm>>
      tpu.enqueue_dma source(%dma_start3A_925 : memref<32x128xf32, #tpu.memory_space<hbm>>) target(%dma_start3A_923 : memref<32x128xf32, #tpu.memory_space<vmem>>) target_semaphore(%arg12 : memref<!tpu.dma_semaphore, #tpu.memory_space<semaphore_mem>>)
      %dma_start3A_926 = arith.constant 5 : i32
      %dma_start3A_927 = arith.constant 0 : i32
      %dma_start3A_928 = arith.constant 0 : i32
      %dma_start3A_929 = tpu.memref_slice %arg9[%dma_start3A_926, %dma_start3A_927, %dma_start3A_928] : memref<8x32x128xf32, #tpu.memory_space<vmem>> -> memref<1x32x128xf32, #tpu.memory_space<vmem>>
      %dma_start3A_930 = tpu.memref_squeeze %dma_start3A_929 : memref<1x32x128xf32, #tpu.memory_space<vmem>> -> memref<32x128xf32, #tpu.memory_space<vmem>>
      %dma_start3A_931 = arith.constant 0 : i32
      %dma_start3A_932 = tpu.memref_slice %arg4[%dma_start3A_931, %multiple_of3A_912] : memref<32x1000000xf32, #tpu.memory_space<hbm>> -> memref<32x128xf32, #tpu.memory_space<hbm>>
      %dma_start3A_933 = arith.constant 0 : i32
      %dma_start3A_934 = arith.constant 0 : i32
      %dma_start3A_935 = tpu.memref_slice %arg9[%dma_start3A_926, %dma_start3A_933, %dma_start3A_934] : memref<8x32x128xf32, #tpu.memory_space<vmem>> -> memref<1x32x128xf32, #tpu.memory_space<vmem>>
      %dma_start3A_936 = tpu.memref_squeeze %dma_start3A_935 : memref<1x32x128xf32, #tpu.memory_space<vmem>> -> memref<32x128xf32, #tpu.memory_space<vmem>>
      %dma_start3A_937 = arith.constant 0 : i32
      %dma_start3A_938 = tpu.memref_slice %arg4[%dma_start3A_937, %multiple_of3A_912] : memref<32x1000000xf32, #tpu.memory_space<hbm>> -> memref<32x128xf32, #tpu.memory_space<hbm>>
      tpu.enqueue_dma source(%dma_start3A_938 : memref<32x128xf32, #tpu.memory_space<hbm>>) target(%dma_start3A_936 : memref<32x128xf32, #tpu.memory_space<vmem>>) target_semaphore(%arg13 : memref<!tpu.dma_semaphore, #tpu.memory_space<semaphore_mem>>)
      %slice3A_939 = vector.extract_strided_slice %get3A_16 {offsets = [14], sizes = [1], strides = [1]} : vector<16xi32> to vector<1xi32>
      %squeeze3A_940 = vector.extract %slice3A_939[0] : i32 from vector<1xi32>
      %and3A_941 = arith.constant -128 : i32
      %and3A_942 = arith.andi %squeeze3A_940, %and3A_941 : i32
      %multiple_of3A_943 = tpu.assume_multiple %and3A_942, 128 : i32
      %dma_start3A_944 = arith.constant 6 : i32
      %dma_start3A_945 = arith.constant 0 : i32
      %dma_start3A_946 = arith.constant 0 : i32
      %dma_start3A_947 = tpu.memref_slice %arg8[%dma_start3A_944, %dma_start3A_945, %dma_start3A_946] : memref<8x32x128xf32, #tpu.memory_space<vmem>> -> memref<1x32x128xf32, #tpu.memory_space<vmem>>
      %dma_start3A_948 = tpu.memref_squeeze %dma_start3A_947 : memref<1x32x128xf32, #tpu.memory_space<vmem>> -> memref<32x128xf32, #tpu.memory_space<vmem>>
      %dma_start3A_949 = arith.constant 0 : i32
      %dma_start3A_950 = tpu.memref_slice %arg3[%dma_start3A_949, %multiple_of3A_943] : memref<32x1000000xf32, #tpu.memory_space<hbm>> -> memref<32x128xf32, #tpu.memory_space<hbm>>
      %dma_start3A_951 = arith.constant 0 : i32
      %dma_start3A_952 = arith.constant 0 : i32
      %dma_start3A_953 = tpu.memref_slice %arg8[%dma_start3A_944, %dma_start3A_951, %dma_start3A_952] : memref<8x32x128xf32, #tpu.memory_space<vmem>> -> memref<1x32x128xf32, #tpu.memory_space<vmem>>
      %dma_start3A_954 = tpu.memref_squeeze %dma_start3A_953 : memref<1x32x128xf32, #tpu.memory_space<vmem>> -> memref<32x128xf32, #tpu.memory_space<vmem>>
      %dma_start3A_955 = arith.constant 0 : i32
      %dma_start3A_956 = tpu.memref_slice %arg3[%dma_start3A_955, %multiple_of3A_943] : memref<32x1000000xf32, #tpu.memory_space<hbm>> -> memref<32x128xf32, #tpu.memory_space<hbm>>
      tpu.enqueue_dma source(%dma_start3A_956 : memref<32x128xf32, #tpu.memory_space<hbm>>) target(%dma_start3A_954 : memref<32x128xf32, #tpu.memory_space<vmem>>) target_semaphore(%arg12 : memref<!tpu.dma_semaphore, #tpu.memory_space<semaphore_mem>>)
      %dma_start3A_957 = arith.constant 6 : i32
      %dma_start3A_958 = arith.constant 0 : i32
      %dma_start3A_959 = arith.constant 0 : i32
      %dma_start3A_960 = tpu.memref_slice %arg9[%dma_start3A_957, %dma_start3A_958, %dma_start3A_959] : memref<8x32x128xf32, #tpu.memory_space<vmem>> -> memref<1x32x128xf32, #tpu.memory_space<vmem>>
      %dma_start3A_961 = tpu.memref_squeeze %dma_start3A_960 : memref<1x32x128xf32, #tpu.memory_space<vmem>> -> memref<32x128xf32, #tpu.memory_space<vmem>>
      %dma_start3A_962 = arith.constant 0 : i32
      %dma_start3A_963 = tpu.memref_slice %arg4[%dma_start3A_962, %multiple_of3A_943] : memref<32x1000000xf32, #tpu.memory_space<hbm>> -> memref<32x128xf32, #tpu.memory_space<hbm>>
      %dma_start3A_964 = arith.constant 0 : i32
      %dma_start3A_965 = arith.constant 0 : i32
      %dma_start3A_966 = tpu.memref_slice %arg9[%dma_start3A_957, %dma_start3A_964, %dma_start3A_965] : memref<8x32x128xf32, #tpu.memory_space<vmem>> -> memref<1x32x128xf32, #tpu.memory_space<vmem>>
      %dma_start3A_967 = tpu.memref_squeeze %dma_start3A_966 : memref<1x32x128xf32, #tpu.memory_space<vmem>> -> memref<32x128xf32, #tpu.memory_space<vmem>>
      %dma_start3A_968 = arith.constant 0 : i32
      %dma_start3A_969 = tpu.memref_slice %arg4[%dma_start3A_968, %multiple_of3A_943] : memref<32x1000000xf32, #tpu.memory_space<hbm>> -> memref<32x128xf32, #tpu.memory_space<hbm>>
      tpu.enqueue_dma source(%dma_start3A_969 : memref<32x128xf32, #tpu.memory_space<hbm>>) target(%dma_start3A_967 : memref<32x128xf32, #tpu.memory_space<vmem>>) target_semaphore(%arg13 : memref<!tpu.dma_semaphore, #tpu.memory_space<semaphore_mem>>)
      %slice3A_970 = vector.extract_strided_slice %get3A_16 {offsets = [15], sizes = [1], strides = [1]} : vector<16xi32> to vector<1xi32>
      %squeeze3A_971 = vector.extract %slice3A_970[0] : i32 from vector<1xi32>
      %and3A_972 = arith.constant -128 : i32
      %and3A_973 = arith.andi %squeeze3A_971, %and3A_972 : i32
      %multiple_of3A_974 = tpu.assume_multiple %and3A_973, 128 : i32
      %dma_start3A_975 = arith.constant 7 : i32
      %dma_start3A_976 = arith.constant 0 : i32
      %dma_start3A_977 = arith.constant 0 : i32
      %dma_start3A_978 = tpu.memref_slice %arg8[%dma_start3A_975, %dma_start3A_976, %dma_start3A_977] : memref<8x32x128xf32, #tpu.memory_space<vmem>> -> memref<1x32x128xf32, #tpu.memory_space<vmem>>
      %dma_start3A_979 = tpu.memref_squeeze %dma_start3A_978 : memref<1x32x128xf32, #tpu.memory_space<vmem>> -> memref<32x128xf32, #tpu.memory_space<vmem>>
      %dma_start3A_980 = arith.constant 0 : i32
      %dma_start3A_981 = tpu.memref_slice %arg3[%dma_start3A_980, %multiple_of3A_974] : memref<32x1000000xf32, #tpu.memory_space<hbm>> -> memref<32x128xf32, #tpu.memory_space<hbm>>
      %dma_start3A_982 = arith.constant 0 : i32
      %dma_start3A_983 = arith.constant 0 : i32
      %dma_start3A_984 = tpu.memref_slice %arg8[%dma_start3A_975, %dma_start3A_982, %dma_start3A_983] : memref<8x32x128xf32, #tpu.memory_space<vmem>> -> memref<1x32x128xf32, #tpu.memory_space<vmem>>
      %dma_start3A_985 = tpu.memref_squeeze %dma_start3A_984 : memref<1x32x128xf32, #tpu.memory_space<vmem>> -> memref<32x128xf32, #tpu.memory_space<vmem>>
      %dma_start3A_986 = arith.constant 0 : i32
      %dma_start3A_987 = tpu.memref_slice %arg3[%dma_start3A_986, %multiple_of3A_974] : memref<32x1000000xf32, #tpu.memory_space<hbm>> -> memref<32x128xf32, #tpu.memory_space<hbm>>
      tpu.enqueue_dma source(%dma_start3A_987 : memref<32x128xf32, #tpu.memory_space<hbm>>) target(%dma_start3A_985 : memref<32x128xf32, #tpu.memory_space<vmem>>) target_semaphore(%arg12 : memref<!tpu.dma_semaphore, #tpu.memory_space<semaphore_mem>>)
      %dma_start3A_988 = arith.constant 7 : i32
      %dma_start3A_989 = arith.constant 0 : i32
      %dma_start3A_990 = arith.constant 0 : i32
      %dma_start3A_991 = tpu.memref_slice %arg9[%dma_start3A_988, %dma_start3A_989, %dma_start3A_990] : memref<8x32x128xf32, #tpu.memory_space<vmem>> -> memref<1x32x128xf32, #tpu.memory_space<vmem>>
      %dma_start3A_992 = tpu.memref_squeeze %dma_start3A_991 : memref<1x32x128xf32, #tpu.memory_space<vmem>> -> memref<32x128xf32, #tpu.memory_space<vmem>>
      %dma_start3A_993 = arith.constant 0 : i32
      %dma_start3A_994 = tpu.memref_slice %arg4[%dma_start3A_993, %multiple_of3A_974] : memref<32x1000000xf32, #tpu.memory_space<hbm>> -> memref<32x128xf32, #tpu.memory_space<hbm>>
      %dma_start3A_995 = arith.constant 0 : i32
      %dma_start3A_996 = arith.constant 0 : i32
      %dma_start3A_997 = tpu.memref_slice %arg9[%dma_start3A_988, %dma_start3A_995, %dma_start3A_996] : memref<8x32x128xf32, #tpu.memory_space<vmem>> -> memref<1x32x128xf32, #tpu.memory_space<vmem>>
      %dma_start3A_998 = tpu.memref_squeeze %dma_start3A_997 : memref<1x32x128xf32, #tpu.memory_space<vmem>> -> memref<32x128xf32, #tpu.memory_space<vmem>>
      %dma_start3A_999 = arith.constant 0 : i32
      %dma_start3A_1000 = tpu.memref_slice %arg4[%dma_start3A_999, %multiple_of3A_974] : memref<32x1000000xf32, #tpu.memory_space<hbm>> -> memref<32x128xf32, #tpu.memory_space<hbm>>
      tpu.enqueue_dma source(%dma_start3A_1000 : memref<32x128xf32, #tpu.memory_space<hbm>>) target(%dma_start3A_998 : memref<32x128xf32, #tpu.memory_space<vmem>>) target_semaphore(%arg13 : memref<!tpu.dma_semaphore, #tpu.memory_space<semaphore_mem>>)
      %dma_wait3A_1001 = arith.constant 0 : i32
      %dma_wait3A_1002 = arith.constant 0 : i32
      %dma_wait3A_1003 = arith.constant 0 : i32
      %dma_wait3A_1004 = tpu.memref_slice %arg8[%dma_wait3A_1001, %dma_wait3A_1002, %dma_wait3A_1003] : memref<8x32x128xf32, #tpu.memory_space<vmem>> -> memref<1x32x128xf32, #tpu.memory_space<vmem>>
      %dma_wait3A_1005 = tpu.memref_squeeze %dma_wait3A_1004 : memref<1x32x128xf32, #tpu.memory_space<vmem>> -> memref<32x128xf32, #tpu.memory_space<vmem>>
      %dma_wait3A_1006 = arith.constant 0 : i32
      %dma_wait3A_1007 = tpu.memref_slice %arg3[%dma_wait3A_1006, %multiple_of3A_509] : memref<32x1000000xf32, #tpu.memory_space<hbm>> -> memref<32x128xf32, #tpu.memory_space<hbm>>
      %dma_wait3A_1008 = arith.constant 0 : i32
      %dma_wait3A_1009 = arith.constant 0 : i32
      %dma_wait3A_1010 = tpu.memref_slice %arg8[%dma_wait3A_1001, %dma_wait3A_1008, %dma_wait3A_1009] : memref<8x32x128xf32, #tpu.memory_space<vmem>> -> memref<1x32x128xf32, #tpu.memory_space<vmem>>
      %dma_wait3A_1011 = tpu.memref_squeeze %dma_wait3A_1010 : memref<1x32x128xf32, #tpu.memory_space<vmem>> -> memref<32x128xf32, #tpu.memory_space<vmem>>
      %dma_wait3A_1012 = arith.constant 0 : i32
      %dma_wait3A_1013 = tpu.memref_slice %arg3[%dma_wait3A_1012, %multiple_of3A_509] : memref<32x1000000xf32, #tpu.memory_space<hbm>> -> memref<32x128xf32, #tpu.memory_space<hbm>>
      tpu.wait_dma2 semaphore(%arg12 : memref<!tpu.dma_semaphore, #tpu.memory_space<semaphore_mem>>) src(%dma_wait3A_1013 : memref<32x128xf32, #tpu.memory_space<hbm>>) dst(%dma_wait3A_1011 : memref<32x128xf32, #tpu.memory_space<vmem>>)
      %dma_wait3A_1014 = arith.constant 0 : i32
      %dma_wait3A_1015 = arith.constant 0 : i32
      %dma_wait3A_1016 = arith.constant 0 : i32
      %dma_wait3A_1017 = tpu.memref_slice %arg9[%dma_wait3A_1014, %dma_wait3A_1015, %dma_wait3A_1016] : memref<8x32x128xf32, #tpu.memory_space<vmem>> -> memref<1x32x128xf32, #tpu.memory_space<vmem>>
      %dma_wait3A_1018 = tpu.memref_squeeze %dma_wait3A_1017 : memref<1x32x128xf32, #tpu.memory_space<vmem>> -> memref<32x128xf32, #tpu.memory_space<vmem>>
      %dma_wait3A_1019 = arith.constant 0 : i32
      %dma_wait3A_1020 = tpu.memref_slice %arg4[%dma_wait3A_1019, %multiple_of3A_509] : memref<32x1000000xf32, #tpu.memory_space<hbm>> -> memref<32x128xf32, #tpu.memory_space<hbm>>
      %dma_wait3A_1021 = arith.constant 0 : i32
      %dma_wait3A_1022 = arith.constant 0 : i32
      %dma_wait3A_1023 = tpu.memref_slice %arg9[%dma_wait3A_1014, %dma_wait3A_1021, %dma_wait3A_1022] : memref<8x32x128xf32, #tpu.memory_space<vmem>> -> memref<1x32x128xf32, #tpu.memory_space<vmem>>
      %dma_wait3A_1024 = tpu.memref_squeeze %dma_wait3A_1023 : memref<1x32x128xf32, #tpu.memory_space<vmem>> -> memref<32x128xf32, #tpu.memory_space<vmem>>
      %dma_wait3A_1025 = arith.constant 0 : i32
      %dma_wait3A_1026 = tpu.memref_slice %arg4[%dma_wait3A_1025, %multiple_of3A_509] : memref<32x1000000xf32, #tpu.memory_space<hbm>> -> memref<32x128xf32, #tpu.memory_space<hbm>>
      tpu.wait_dma2 semaphore(%arg13 : memref<!tpu.dma_semaphore, #tpu.memory_space<semaphore_mem>>) src(%dma_wait3A_1026 : memref<32x128xf32, #tpu.memory_space<hbm>>) dst(%dma_wait3A_1024 : memref<32x128xf32, #tpu.memory_space<vmem>>)
      %dma_wait3A_1027 = arith.constant 1 : i32
      %dma_wait3A_1028 = arith.constant 0 : i32
      %dma_wait3A_1029 = arith.constant 0 : i32
      %dma_wait3A_1030 = tpu.memref_slice %arg8[%dma_wait3A_1027, %dma_wait3A_1028, %dma_wait3A_1029] : memref<8x32x128xf32, #tpu.memory_space<vmem>> -> memref<1x32x128xf32, #tpu.memory_space<vmem>>
      %dma_wait3A_1031 = tpu.memref_squeeze %dma_wait3A_1030 : memref<1x32x128xf32, #tpu.memory_space<vmem>> -> memref<32x128xf32, #tpu.memory_space<vmem>>
      %dma_wait3A_1032 = arith.constant 0 : i32
      %dma_wait3A_1033 = tpu.memref_slice %arg3[%dma_wait3A_1032, %multiple_of3A_540] : memref<32x1000000xf32, #tpu.memory_space<hbm>> -> memref<32x128xf32, #tpu.memory_space<hbm>>
      %dma_wait3A_1034 = arith.constant 0 : i32
      %dma_wait3A_1035 = arith.constant 0 : i32
      %dma_wait3A_1036 = tpu.memref_slice %arg8[%dma_wait3A_1027, %dma_wait3A_1034, %dma_wait3A_1035] : memref<8x32x128xf32, #tpu.memory_space<vmem>> -> memref<1x32x128xf32, #tpu.memory_space<vmem>>
      %dma_wait3A_1037 = tpu.memref_squeeze %dma_wait3A_1036 : memref<1x32x128xf32, #tpu.memory_space<vmem>> -> memref<32x128xf32, #tpu.memory_space<vmem>>
      %dma_wait3A_1038 = arith.constant 0 : i32
      %dma_wait3A_1039 = tpu.memref_slice %arg3[%dma_wait3A_1038, %multiple_of3A_540] : memref<32x1000000xf32, #tpu.memory_space<hbm>> -> memref<32x128xf32, #tpu.memory_space<hbm>>
      tpu.wait_dma2 semaphore(%arg12 : memref<!tpu.dma_semaphore, #tpu.memory_space<semaphore_mem>>) src(%dma_wait3A_1039 : memref<32x128xf32, #tpu.memory_space<hbm>>) dst(%dma_wait3A_1037 : memref<32x128xf32, #tpu.memory_space<vmem>>)
      %dma_wait3A_1040 = arith.constant 1 : i32
      %dma_wait3A_1041 = arith.constant 0 : i32
      %dma_wait3A_1042 = arith.constant 0 : i32
      %dma_wait3A_1043 = tpu.memref_slice %arg9[%dma_wait3A_1040, %dma_wait3A_1041, %dma_wait3A_1042] : memref<8x32x128xf32, #tpu.memory_space<vmem>> -> memref<1x32x128xf32, #tpu.memory_space<vmem>>
      %dma_wait3A_1044 = tpu.memref_squeeze %dma_wait3A_1043 : memref<1x32x128xf32, #tpu.memory_space<vmem>> -> memref<32x128xf32, #tpu.memory_space<vmem>>
      %dma_wait3A_1045 = arith.constant 0 : i32
      %dma_wait3A_1046 = tpu.memref_slice %arg4[%dma_wait3A_1045, %multiple_of3A_540] : memref<32x1000000xf32, #tpu.memory_space<hbm>> -> memref<32x128xf32, #tpu.memory_space<hbm>>
      %dma_wait3A_1047 = arith.constant 0 : i32
      %dma_wait3A_1048 = arith.constant 0 : i32
      %dma_wait3A_1049 = tpu.memref_slice %arg9[%dma_wait3A_1040, %dma_wait3A_1047, %dma_wait3A_1048] : memref<8x32x128xf32, #tpu.memory_space<vmem>> -> memref<1x32x128xf32, #tpu.memory_space<vmem>>
      %dma_wait3A_1050 = tpu.memref_squeeze %dma_wait3A_1049 : memref<1x32x128xf32, #tpu.memory_space<vmem>> -> memref<32x128xf32, #tpu.memory_space<vmem>>
      %dma_wait3A_1051 = arith.constant 0 : i32
      %dma_wait3A_1052 = tpu.memref_slice %arg4[%dma_wait3A_1051, %multiple_of3A_540] : memref<32x1000000xf32, #tpu.memory_space<hbm>> -> memref<32x128xf32, #tpu.memory_space<hbm>>
      tpu.wait_dma2 semaphore(%arg13 : memref<!tpu.dma_semaphore, #tpu.memory_space<semaphore_mem>>) src(%dma_wait3A_1052 : memref<32x128xf32, #tpu.memory_space<hbm>>) dst(%dma_wait3A_1050 : memref<32x128xf32, #tpu.memory_space<vmem>>)
      %dma_wait3A_1053 = arith.constant 2 : i32
      %dma_wait3A_1054 = arith.constant 0 : i32
      %dma_wait3A_1055 = arith.constant 0 : i32
      %dma_wait3A_1056 = tpu.memref_slice %arg8[%dma_wait3A_1053, %dma_wait3A_1054, %dma_wait3A_1055] : memref<8x32x128xf32, #tpu.memory_space<vmem>> -> memref<1x32x128xf32, #tpu.memory_space<vmem>>
      %dma_wait3A_1057 = tpu.memref_squeeze %dma_wait3A_1056 : memref<1x32x128xf32, #tpu.memory_space<vmem>> -> memref<32x128xf32, #tpu.memory_space<vmem>>
      %dma_wait3A_1058 = arith.constant 0 : i32
      %dma_wait3A_1059 = tpu.memref_slice %arg3[%dma_wait3A_1058, %multiple_of3A_571] : memref<32x1000000xf32, #tpu.memory_space<hbm>> -> memref<32x128xf32, #tpu.memory_space<hbm>>
      %dma_wait3A_1060 = arith.constant 0 : i32
      %dma_wait3A_1061 = arith.constant 0 : i32
      %dma_wait3A_1062 = tpu.memref_slice %arg8[%dma_wait3A_1053, %dma_wait3A_1060, %dma_wait3A_1061] : memref<8x32x128xf32, #tpu.memory_space<vmem>> -> memref<1x32x128xf32, #tpu.memory_space<vmem>>
      %dma_wait3A_1063 = tpu.memref_squeeze %dma_wait3A_1062 : memref<1x32x128xf32, #tpu.memory_space<vmem>> -> memref<32x128xf32, #tpu.memory_space<vmem>>
      %dma_wait3A_1064 = arith.constant 0 : i32
      %dma_wait3A_1065 = tpu.memref_slice %arg3[%dma_wait3A_1064, %multiple_of3A_571] : memref<32x1000000xf32, #tpu.memory_space<hbm>> -> memref<32x128xf32, #tpu.memory_space<hbm>>
      tpu.wait_dma2 semaphore(%arg12 : memref<!tpu.dma_semaphore, #tpu.memory_space<semaphore_mem>>) src(%dma_wait3A_1065 : memref<32x128xf32, #tpu.memory_space<hbm>>) dst(%dma_wait3A_1063 : memref<32x128xf32, #tpu.memory_space<vmem>>)
      %dma_wait3A_1066 = arith.constant 2 : i32
      %dma_wait3A_1067 = arith.constant 0 : i32
      %dma_wait3A_1068 = arith.constant 0 : i32
      %dma_wait3A_1069 = tpu.memref_slice %arg9[%dma_wait3A_1066, %dma_wait3A_1067, %dma_wait3A_1068] : memref<8x32x128xf32, #tpu.memory_space<vmem>> -> memref<1x32x128xf32, #tpu.memory_space<vmem>>
      %dma_wait3A_1070 = tpu.memref_squeeze %dma_wait3A_1069 : memref<1x32x128xf32, #tpu.memory_space<vmem>> -> memref<32x128xf32, #tpu.memory_space<vmem>>
      %dma_wait3A_1071 = arith.constant 0 : i32
      %dma_wait3A_1072 = tpu.memref_slice %arg4[%dma_wait3A_1071, %multiple_of3A_571] : memref<32x1000000xf32, #tpu.memory_space<hbm>> -> memref<32x128xf32, #tpu.memory_space<hbm>>
      %dma_wait3A_1073 = arith.constant 0 : i32
      %dma_wait3A_1074 = arith.constant 0 : i32
      %dma_wait3A_1075 = tpu.memref_slice %arg9[%dma_wait3A_1066, %dma_wait3A_1073, %dma_wait3A_1074] : memref<8x32x128xf32, #tpu.memory_space<vmem>> -> memref<1x32x128xf32, #tpu.memory_space<vmem>>
      %dma_wait3A_1076 = tpu.memref_squeeze %dma_wait3A_1075 : memref<1x32x128xf32, #tpu.memory_space<vmem>> -> memref<32x128xf32, #tpu.memory_space<vmem>>
      %dma_wait3A_1077 = arith.constant 0 : i32
      %dma_wait3A_1078 = tpu.memref_slice %arg4[%dma_wait3A_1077, %multiple_of3A_571] : memref<32x1000000xf32, #tpu.memory_space<hbm>> -> memref<32x128xf32, #tpu.memory_space<hbm>>
      tpu.wait_dma2 semaphore(%arg13 : memref<!tpu.dma_semaphore, #tpu.memory_space<semaphore_mem>>) src(%dma_wait3A_1078 : memref<32x128xf32, #tpu.memory_space<hbm>>) dst(%dma_wait3A_1076 : memref<32x128xf32, #tpu.memory_space<vmem>>)
      %dma_wait3A_1079 = arith.constant 3 : i32
      %dma_wait3A_1080 = arith.constant 0 : i32
      %dma_wait3A_1081 = arith.constant 0 : i32
      %dma_wait3A_1082 = tpu.memref_slice %arg8[%dma_wait3A_1079, %dma_wait3A_1080, %dma_wait3A_1081] : memref<8x32x128xf32, #tpu.memory_space<vmem>> -> memref<1x32x128xf32, #tpu.memory_space<vmem>>
      %dma_wait3A_1083 = tpu.memref_squeeze %dma_wait3A_1082 : memref<1x32x128xf32, #tpu.memory_space<vmem>> -> memref<32x128xf32, #tpu.memory_space<vmem>>
      %dma_wait3A_1084 = arith.constant 0 : i32
      %dma_wait3A_1085 = tpu.memref_slice %arg3[%dma_wait3A_1084, %multiple_of3A_602] : memref<32x1000000xf32, #tpu.memory_space<hbm>> -> memref<32x128xf32, #tpu.memory_space<hbm>>
      %dma_wait3A_1086 = arith.constant 0 : i32
      %dma_wait3A_1087 = arith.constant 0 : i32
      %dma_wait3A_1088 = tpu.memref_slice %arg8[%dma_wait3A_1079, %dma_wait3A_1086, %dma_wait3A_1087] : memref<8x32x128xf32, #tpu.memory_space<vmem>> -> memref<1x32x128xf32, #tpu.memory_space<vmem>>
      %dma_wait3A_1089 = tpu.memref_squeeze %dma_wait3A_1088 : memref<1x32x128xf32, #tpu.memory_space<vmem>> -> memref<32x128xf32, #tpu.memory_space<vmem>>
      %dma_wait3A_1090 = arith.constant 0 : i32
      %dma_wait3A_1091 = tpu.memref_slice %arg3[%dma_wait3A_1090, %multiple_of3A_602] : memref<32x1000000xf32, #tpu.memory_space<hbm>> -> memref<32x128xf32, #tpu.memory_space<hbm>>
      tpu.wait_dma2 semaphore(%arg12 : memref<!tpu.dma_semaphore, #tpu.memory_space<semaphore_mem>>) src(%dma_wait3A_1091 : memref<32x128xf32, #tpu.memory_space<hbm>>) dst(%dma_wait3A_1089 : memref<32x128xf32, #tpu.memory_space<vmem>>)
      %dma_wait3A_1092 = arith.constant 3 : i32
      %dma_wait3A_1093 = arith.constant 0 : i32
      %dma_wait3A_1094 = arith.constant 0 : i32
      %dma_wait3A_1095 = tpu.memref_slice %arg9[%dma_wait3A_1092, %dma_wait3A_1093, %dma_wait3A_1094] : memref<8x32x128xf32, #tpu.memory_space<vmem>> -> memref<1x32x128xf32, #tpu.memory_space<vmem>>
      %dma_wait3A_1096 = tpu.memref_squeeze %dma_wait3A_1095 : memref<1x32x128xf32, #tpu.memory_space<vmem>> -> memref<32x128xf32, #tpu.memory_space<vmem>>
      %dma_wait3A_1097 = arith.constant 0 : i32
      %dma_wait3A_1098 = tpu.memref_slice %arg4[%dma_wait3A_1097, %multiple_of3A_602] : memref<32x1000000xf32, #tpu.memory_space<hbm>> -> memref<32x128xf32, #tpu.memory_space<hbm>>
      %dma_wait3A_1099 = arith.constant 0 : i32
      %dma_wait3A_1100 = arith.constant 0 : i32
      %dma_wait3A_1101 = tpu.memref_slice %arg9[%dma_wait3A_1092, %dma_wait3A_1099, %dma_wait3A_1100] : memref<8x32x128xf32, #tpu.memory_space<vmem>> -> memref<1x32x128xf32, #tpu.memory_space<vmem>>
      %dma_wait3A_1102 = tpu.memref_squeeze %dma_wait3A_1101 : memref<1x32x128xf32, #tpu.memory_space<vmem>> -> memref<32x128xf32, #tpu.memory_space<vmem>>
      %dma_wait3A_1103 = arith.constant 0 : i32
      %dma_wait3A_1104 = tpu.memref_slice %arg4[%dma_wait3A_1103, %multiple_of3A_602] : memref<32x1000000xf32, #tpu.memory_space<hbm>> -> memref<32x128xf32, #tpu.memory_space<hbm>>
      tpu.wait_dma2 semaphore(%arg13 : memref<!tpu.dma_semaphore, #tpu.memory_space<semaphore_mem>>) src(%dma_wait3A_1104 : memref<32x128xf32, #tpu.memory_space<hbm>>) dst(%dma_wait3A_1102 : memref<32x128xf32, #tpu.memory_space<vmem>>)
      %slice3A_1105 = vector.extract_strided_slice %get3A_16 {offsets = [8], sizes = [1], strides = [1]} : vector<16xi32> to vector<1xi32>
      %squeeze3A_1106 = vector.extract %slice3A_1105[0] : i32 from vector<1xi32>
      %and3A_1107 = arith.constant 127 : i32
      %and3A_1108 = arith.andi %squeeze3A_1106, %and3A_1107 : i32
      %broadcast_in_dim3A_1109 = vector.broadcast %and3A_1108 : i32 to vector<16xi32>
      %mul3A_1110 = arith.constant 16 : i32
      %mul3A_1111 = arith.muli %scan3A_12, %mul3A_1110 : i32
      %add3A_1112 = arith.constant 8 : i32
      %add3A_1113 = arith.addi %mul3A_1111, %add3A_1112 : i32
      %add3A_1114 = arith.constant 0 : i32
      %add3A_1115 = arith.addi %add3A_1113, %add3A_1114 : i32
      %broadcast_in_dim3A_1116 = vector.broadcast %add3A_1115 : i32 to vector<16xi32>
      %gather3A_1117 = arith.constant 0 : i32
      %gather3A_1118 = arith.constant 0 : i32
      %gather3A_1119 = arith.constant 0 : i32
      %gather3A_1120 = tpu.memref_slice %arg8[%gather3A_1117, %gather3A_1118, %gather3A_1119] : memref<8x32x128xf32, #tpu.memory_space<vmem>> -> memref<1x32x128xf32, #tpu.memory_space<vmem>>
      %gather3A_1121 = tpu.memref_squeeze %gather3A_1120 : memref<1x32x128xf32, #tpu.memory_space<vmem>> -> memref<32x128xf32, #tpu.memory_space<vmem>>
      %gather3A_1122 = tpu.vector_load_idx %gather3A_1121[%iota3A, %broadcast_in_dim3A_1109] : memref<32x128xf32, #tpu.memory_space<vmem>>[vector<16xi32>, vector<16xi32>], vector<16xf32>,
      %gather3A_1123 = arith.constant 0 : i32
      %gather3A_1124 = arith.constant 0 : i32
      %gather3A_1125 = arith.constant 0 : i32
      %gather3A_1126 = tpu.memref_slice %arg8[%gather3A_1123, %gather3A_1124, %gather3A_1125] : memref<8x32x128xf32, #tpu.memory_space<vmem>> -> memref<1x32x128xf32, #tpu.memory_space<vmem>>
      %gather3A_1127 = tpu.memref_squeeze %gather3A_1126 : memref<1x32x128xf32, #tpu.memory_space<vmem>> -> memref<32x128xf32, #tpu.memory_space<vmem>>
      %gather3A_1128 = tpu.vector_load_idx %gather3A_1127[%add3A_5, %broadcast_in_dim3A_1109] : memref<32x128xf32, #tpu.memory_space<vmem>>[vector<16xi32>, vector<16xi32>], vector<16xf32>,
      tpu.vector_store_idx %arg10[%iota3A, %broadcast_in_dim3A_1116], %gather3A_1122 : memref<32x512xf32, #tpu.memory_space<vmem>>[vector<16xi32>, vector<16xi32>], vector<16xf32>,
      tpu.vector_store_idx %arg10[%add3A_5, %broadcast_in_dim3A_1116], %gather3A_1128 : memref<32x512xf32, #tpu.memory_space<vmem>>[vector<16xi32>, vector<16xi32>], vector<16xf32>,
      %gather3A_1129 = arith.constant 0 : i32
      %gather3A_1130 = arith.constant 0 : i32
      %gather3A_1131 = arith.constant 0 : i32
      %gather3A_1132 = tpu.memref_slice %arg9[%gather3A_1129, %gather3A_1130, %gather3A_1131] : memref<8x32x128xf32, #tpu.memory_space<vmem>> -> memref<1x32x128xf32, #tpu.memory_space<vmem>>
      %gather3A_1133 = tpu.memref_squeeze %gather3A_1132 : memref<1x32x128xf32, #tpu.memory_space<vmem>> -> memref<32x128xf32, #tpu.memory_space<vmem>>
      %gather3A_1134 = tpu.vector_load_idx %gather3A_1133[%iota3A, %broadcast_in_dim3A_1109] : memref<32x128xf32, #tpu.memory_space<vmem>>[vector<16xi32>, vector<16xi32>], vector<16xf32>,
      %gather3A_1135 = arith.constant 0 : i32
      %gather3A_1136 = arith.constant 0 : i32
      %gather3A_1137 = arith.constant 0 : i32
      %gather3A_1138 = tpu.memref_slice %arg9[%gather3A_1135, %gather3A_1136, %gather3A_1137] : memref<8x32x128xf32, #tpu.memory_space<vmem>> -> memref<1x32x128xf32, #tpu.memory_space<vmem>>
      %gather3A_1139 = tpu.memref_squeeze %gather3A_1138 : memref<1x32x128xf32, #tpu.memory_space<vmem>> -> memref<32x128xf32, #tpu.memory_space<vmem>>
      %gather3A_1140 = tpu.vector_load_idx %gather3A_1139[%add3A_5, %broadcast_in_dim3A_1109] : memref<32x128xf32, #tpu.memory_space<vmem>>[vector<16xi32>, vector<16xi32>], vector<16xf32>,
      tpu.vector_store_idx %arg11[%iota3A, %broadcast_in_dim3A_1116], %gather3A_1134 : memref<32x512xf32, #tpu.memory_space<vmem>>[vector<16xi32>, vector<16xi32>], vector<16xf32>,
      tpu.vector_store_idx %arg11[%add3A_5, %broadcast_in_dim3A_1116], %gather3A_1140 : memref<32x512xf32, #tpu.memory_space<vmem>>[vector<16xi32>, vector<16xi32>], vector<16xf32>,
      %slice3A_1141 = vector.extract_strided_slice %get3A_16 {offsets = [9], sizes = [1], strides = [1]} : vector<16xi32> to vector<1xi32>
      %squeeze3A_1142 = vector.extract %slice3A_1141[0] : i32 from vector<1xi32>
      %and3A_1143 = arith.constant 127 : i32
      %and3A_1144 = arith.andi %squeeze3A_1142, %and3A_1143 : i32
      %broadcast_in_dim3A_1145 = vector.broadcast %and3A_1144 : i32 to vector<16xi32>
      %mul3A_1146 = arith.constant 16 : i32
      %mul3A_1147 = arith.muli %scan3A_12, %mul3A_1146 : i32
      %add3A_1148 = arith.constant 8 : i32
      %add3A_1149 = arith.addi %mul3A_1147, %add3A_1148 : i32
      %add3A_1150 = arith.constant 1 : i32
      %add3A_1151 = arith.addi %add3A_1149, %add3A_1150 : i32
      %broadcast_in_dim3A_1152 = vector.broadcast %add3A_1151 : i32 to vector<16xi32>
      %gather3A_1153 = arith.constant 1 : i32
      %gather3A_1154 = arith.constant 0 : i32
      %gather3A_1155 = arith.constant 0 : i32
      %gather3A_1156 = tpu.memref_slice %arg8[%gather3A_1153, %gather3A_1154, %gather3A_1155] : memref<8x32x128xf32, #tpu.memory_space<vmem>> -> memref<1x32x128xf32, #tpu.memory_space<vmem>>
      %gather3A_1157 = tpu.memref_squeeze %gather3A_1156 : memref<1x32x128xf32, #tpu.memory_space<vmem>> -> memref<32x128xf32, #tpu.memory_space<vmem>>
      %gather3A_1158 = tpu.vector_load_idx %gather3A_1157[%iota3A, %broadcast_in_dim3A_1145] : memref<32x128xf32, #tpu.memory_space<vmem>>[vector<16xi32>, vector<16xi32>], vector<16xf32>,
      %gather3A_1159 = arith.constant 1 : i32
      %gather3A_1160 = arith.constant 0 : i32
      %gather3A_1161 = arith.constant 0 : i32
      %gather3A_1162 = tpu.memref_slice %arg8[%gather3A_1159, %gather3A_1160, %gather3A_1161] : memref<8x32x128xf32, #tpu.memory_space<vmem>> -> memref<1x32x128xf32, #tpu.memory_space<vmem>>
      %gather3A_1163 = tpu.memref_squeeze %gather3A_1162 : memref<1x32x128xf32, #tpu.memory_space<vmem>> -> memref<32x128xf32, #tpu.memory_space<vmem>>
      %gather3A_1164 = tpu.vector_load_idx %gather3A_1163[%add3A_5, %broadcast_in_dim3A_1145] : memref<32x128xf32, #tpu.memory_space<vmem>>[vector<16xi32>, vector<16xi32>], vector<16xf32>,
      tpu.vector_store_idx %arg10[%iota3A, %broadcast_in_dim3A_1152], %gather3A_1158 : memref<32x512xf32, #tpu.memory_space<vmem>>[vector<16xi32>, vector<16xi32>], vector<16xf32>,
      tpu.vector_store_idx %arg10[%add3A_5, %broadcast_in_dim3A_1152], %gather3A_1164 : memref<32x512xf32, #tpu.memory_space<vmem>>[vector<16xi32>, vector<16xi32>], vector<16xf32>,
      %gather3A_1165 = arith.constant 1 : i32
      %gather3A_1166 = arith.constant 0 : i32
      %gather3A_1167 = arith.constant 0 : i32
      %gather3A_1168 = tpu.memref_slice %arg9[%gather3A_1165, %gather3A_1166, %gather3A_1167] : memref<8x32x128xf32, #tpu.memory_space<vmem>> -> memref<1x32x128xf32, #tpu.memory_space<vmem>>
      %gather3A_1169 = tpu.memref_squeeze %gather3A_1168 : memref<1x32x128xf32, #tpu.memory_space<vmem>> -> memref<32x128xf32, #tpu.memory_space<vmem>>
      %gather3A_1170 = tpu.vector_load_idx %gather3A_1169[%iota3A, %broadcast_in_dim3A_1145] : memref<32x128xf32, #tpu.memory_space<vmem>>[vector<16xi32>, vector<16xi32>], vector<16xf32>,
      %gather3A_1171 = arith.constant 1 : i32
      %gather3A_1172 = arith.constant 0 : i32
      %gather3A_1173 = arith.constant 0 : i32
      %gather3A_1174 = tpu.memref_slice %arg9[%gather3A_1171, %gather3A_1172, %gather3A_1173] : memref<8x32x128xf32, #tpu.memory_space<vmem>> -> memref<1x32x128xf32, #tpu.memory_space<vmem>>
      %gather3A_1175 = tpu.memref_squeeze %gather3A_1174 : memref<1x32x128xf32, #tpu.memory_space<vmem>> -> memref<32x128xf32, #tpu.memory_space<vmem>>
      %gather3A_1176 = tpu.vector_load_idx %gather3A_1175[%add3A_5, %broadcast_in_dim3A_1145] : memref<32x128xf32, #tpu.memory_space<vmem>>[vector<16xi32>, vector<16xi32>], vector<16xf32>,
      tpu.vector_store_idx %arg11[%iota3A, %broadcast_in_dim3A_1152], %gather3A_1170 : memref<32x512xf32, #tpu.memory_space<vmem>>[vector<16xi32>, vector<16xi32>], vector<16xf32>,
      tpu.vector_store_idx %arg11[%add3A_5, %broadcast_in_dim3A_1152], %gather3A_1176 : memref<32x512xf32, #tpu.memory_space<vmem>>[vector<16xi32>, vector<16xi32>], vector<16xf32>,
      %slice3A_1177 = vector.extract_strided_slice %get3A_16 {offsets = [10], sizes = [1], strides = [1]} : vector<16xi32> to vector<1xi32>
      %squeeze3A_1178 = vector.extract %slice3A_1177[0] : i32 from vector<1xi32>
      %and3A_1179 = arith.constant 127 : i32
      %and3A_1180 = arith.andi %squeeze3A_1178, %and3A_1179 : i32
      %broadcast_in_dim3A_1181 = vector.broadcast %and3A_1180 : i32 to vector<16xi32>
      %mul3A_1182 = arith.constant 16 : i32
      %mul3A_1183 = arith.muli %scan3A_12, %mul3A_1182 : i32
      %add3A_1184 = arith.constant 8 : i32
      %add3A_1185 = arith.addi %mul3A_1183, %add3A_1184 : i32
      %add3A_1186 = arith.constant 2 : i32
      %add3A_1187 = arith.addi %add3A_1185, %add3A_1186 : i32
      %broadcast_in_dim3A_1188 = vector.broadcast %add3A_1187 : i32 to vector<16xi32>
      %gather3A_1189 = arith.constant 2 : i32
      %gather3A_1190 = arith.constant 0 : i32
      %gather3A_1191 = arith.constant 0 : i32
      %gather3A_1192 = tpu.memref_slice %arg8[%gather3A_1189, %gather3A_1190, %gather3A_1191] : memref<8x32x128xf32, #tpu.memory_space<vmem>> -> memref<1x32x128xf32, #tpu.memory_space<vmem>>
      %gather3A_1193 = tpu.memref_squeeze %gather3A_1192 : memref<1x32x128xf32, #tpu.memory_space<vmem>> -> memref<32x128xf32, #tpu.memory_space<vmem>>
      %gather3A_1194 = tpu.vector_load_idx %gather3A_1193[%iota3A, %broadcast_in_dim3A_1181] : memref<32x128xf32, #tpu.memory_space<vmem>>[vector<16xi32>, vector<16xi32>], vector<16xf32>,
      %gather3A_1195 = arith.constant 2 : i32
      %gather3A_1196 = arith.constant 0 : i32
      %gather3A_1197 = arith.constant 0 : i32
      %gather3A_1198 = tpu.memref_slice %arg8[%gather3A_1195, %gather3A_1196, %gather3A_1197] : memref<8x32x128xf32, #tpu.memory_space<vmem>> -> memref<1x32x128xf32, #tpu.memory_space<vmem>>
      %gather3A_1199 = tpu.memref_squeeze %gather3A_1198 : memref<1x32x128xf32, #tpu.memory_space<vmem>> -> memref<32x128xf32, #tpu.memory_space<vmem>>
      %gather3A_1200 = tpu.vector_load_idx %gather3A_1199[%add3A_5, %broadcast_in_dim3A_1181] : memref<32x128xf32, #tpu.memory_space<vmem>>[vector<16xi32>, vector<16xi32>], vector<16xf32>,
      tpu.vector_store_idx %arg10[%iota3A, %broadcast_in_dim3A_1188], %gather3A_1194 : memref<32x512xf32, #tpu.memory_space<vmem>>[vector<16xi32>, vector<16xi32>], vector<16xf32>,
      tpu.vector_store_idx %arg10[%add3A_5, %broadcast_in_dim3A_1188], %gather3A_1200 : memref<32x512xf32, #tpu.memory_space<vmem>>[vector<16xi32>, vector<16xi32>], vector<16xf32>,
      %gather3A_1201 = arith.constant 2 : i32
      %gather3A_1202 = arith.constant 0 : i32
      %gather3A_1203 = arith.constant 0 : i32
      %gather3A_1204 = tpu.memref_slice %arg9[%gather3A_1201, %gather3A_1202, %gather3A_1203] : memref<8x32x128xf32, #tpu.memory_space<vmem>> -> memref<1x32x128xf32, #tpu.memory_space<vmem>>
      %gather3A_1205 = tpu.memref_squeeze %gather3A_1204 : memref<1x32x128xf32, #tpu.memory_space<vmem>> -> memref<32x128xf32, #tpu.memory_space<vmem>>
      %gather3A_1206 = tpu.vector_load_idx %gather3A_1205[%iota3A, %broadcast_in_dim3A_1181] : memref<32x128xf32, #tpu.memory_space<vmem>>[vector<16xi32>, vector<16xi32>], vector<16xf32>,
      %gather3A_1207 = arith.constant 2 : i32
      %gather3A_1208 = arith.constant 0 : i32
      %gather3A_1209 = arith.constant 0 : i32
      %gather3A_1210 = tpu.memref_slice %arg9[%gather3A_1207, %gather3A_1208, %gather3A_1209] : memref<8x32x128xf32, #tpu.memory_space<vmem>> -> memref<1x32x128xf32, #tpu.memory_space<vmem>>
      %gather3A_1211 = tpu.memref_squeeze %gather3A_1210 : memref<1x32x128xf32, #tpu.memory_space<vmem>> -> memref<32x128xf32, #tpu.memory_space<vmem>>
      %gather3A_1212 = tpu.vector_load_idx %gather3A_1211[%add3A_5, %broadcast_in_dim3A_1181] : memref<32x128xf32, #tpu.memory_space<vmem>>[vector<16xi32>, vector<16xi32>], vector<16xf32>,
      tpu.vector_store_idx %arg11[%iota3A, %broadcast_in_dim3A_1188], %gather3A_1206 : memref<32x512xf32, #tpu.memory_space<vmem>>[vector<16xi32>, vector<16xi32>], vector<16xf32>,
      tpu.vector_store_idx %arg11[%add3A_5, %broadcast_in_dim3A_1188], %gather3A_1212 : memref<32x512xf32, #tpu.memory_space<vmem>>[vector<16xi32>, vector<16xi32>], vector<16xf32>,
      %slice3A_1213 = vector.extract_strided_slice %get3A_16 {offsets = [11], sizes = [1], strides = [1]} : vector<16xi32> to vector<1xi32>
      %squeeze3A_1214 = vector.extract %slice3A_1213[0] : i32 from vector<1xi32>
      %and3A_1215 = arith.constant 127 : i32
      %and3A_1216 = arith.andi %squeeze3A_1214, %and3A_1215 : i32
      %broadcast_in_dim3A_1217 = vector.broadcast %and3A_1216 : i32 to vector<16xi32>
      %mul3A_1218 = arith.constant 16 : i32
      %mul3A_1219 = arith.muli %scan3A_12, %mul3A_1218 : i32
      %add3A_1220 = arith.constant 8 : i32
      %add3A_1221 = arith.addi %mul3A_1219, %add3A_1220 : i32
      %add3A_1222 = arith.constant 3 : i32
      %add3A_1223 = arith.addi %add3A_1221, %add3A_1222 : i32
      %broadcast_in_dim3A_1224 = vector.broadcast %add3A_1223 : i32 to vector<16xi32>
      %gather3A_1225 = arith.constant 3 : i32
      %gather3A_1226 = arith.constant 0 : i32
      %gather3A_1227 = arith.constant 0 : i32
      %gather3A_1228 = tpu.memref_slice %arg8[%gather3A_1225, %gather3A_1226, %gather3A_1227] : memref<8x32x128xf32, #tpu.memory_space<vmem>> -> memref<1x32x128xf32, #tpu.memory_space<vmem>>
      %gather3A_1229 = tpu.memref_squeeze %gather3A_1228 : memref<1x32x128xf32, #tpu.memory_space<vmem>> -> memref<32x128xf32, #tpu.memory_space<vmem>>
      %gather3A_1230 = tpu.vector_load_idx %gather3A_1229[%iota3A, %broadcast_in_dim3A_1217] : memref<32x128xf32, #tpu.memory_space<vmem>>[vector<16xi32>, vector<16xi32>], vector<16xf32>,
      %gather3A_1231 = arith.constant 3 : i32
      %gather3A_1232 = arith.constant 0 : i32
      %gather3A_1233 = arith.constant 0 : i32
      %gather3A_1234 = tpu.memref_slice %arg8[%gather3A_1231, %gather3A_1232, %gather3A_1233] : memref<8x32x128xf32, #tpu.memory_space<vmem>> -> memref<1x32x128xf32, #tpu.memory_space<vmem>>
      %gather3A_1235 = tpu.memref_squeeze %gather3A_1234 : memref<1x32x128xf32, #tpu.memory_space<vmem>> -> memref<32x128xf32, #tpu.memory_space<vmem>>
      %gather3A_1236 = tpu.vector_load_idx %gather3A_1235[%add3A_5, %broadcast_in_dim3A_1217] : memref<32x128xf32, #tpu.memory_space<vmem>>[vector<16xi32>, vector<16xi32>], vector<16xf32>,
      tpu.vector_store_idx %arg10[%iota3A, %broadcast_in_dim3A_1224], %gather3A_1230 : memref<32x512xf32, #tpu.memory_space<vmem>>[vector<16xi32>, vector<16xi32>], vector<16xf32>,
      tpu.vector_store_idx %arg10[%add3A_5, %broadcast_in_dim3A_1224], %gather3A_1236 : memref<32x512xf32, #tpu.memory_space<vmem>>[vector<16xi32>, vector<16xi32>], vector<16xf32>,
      %gather3A_1237 = arith.constant 3 : i32
      %gather3A_1238 = arith.constant 0 : i32
      %gather3A_1239 = arith.constant 0 : i32
      %gather3A_1240 = tpu.memref_slice %arg9[%gather3A_1237, %gather3A_1238, %gather3A_1239] : memref<8x32x128xf32, #tpu.memory_space<vmem>> -> memref<1x32x128xf32, #tpu.memory_space<vmem>>
      %gather3A_1241 = tpu.memref_squeeze %gather3A_1240 : memref<1x32x128xf32, #tpu.memory_space<vmem>> -> memref<32x128xf32, #tpu.memory_space<vmem>>
      %gather3A_1242 = tpu.vector_load_idx %gather3A_1241[%iota3A, %broadcast_in_dim3A_1217] : memref<32x128xf32, #tpu.memory_space<vmem>>[vector<16xi32>, vector<16xi32>], vector<16xf32>,
      %gather3A_1243 = arith.constant 3 : i32
      %gather3A_1244 = arith.constant 0 : i32
      %gather3A_1245 = arith.constant 0 : i32
      %gather3A_1246 = tpu.memref_slice %arg9[%gather3A_1243, %gather3A_1244, %gather3A_1245] : memref<8x32x128xf32, #tpu.memory_space<vmem>> -> memref<1x32x128xf32, #tpu.memory_space<vmem>>
      %gather3A_1247 = tpu.memref_squeeze %gather3A_1246 : memref<1x32x128xf32, #tpu.memory_space<vmem>> -> memref<32x128xf32, #tpu.memory_space<vmem>>
      %gather3A_1248 = tpu.vector_load_idx %gather3A_1247[%add3A_5, %broadcast_in_dim3A_1217] : memref<32x128xf32, #tpu.memory_space<vmem>>[vector<16xi32>, vector<16xi32>], vector<16xf32>,
      tpu.vector_store_idx %arg11[%iota3A, %broadcast_in_dim3A_1224], %gather3A_1242 : memref<32x512xf32, #tpu.memory_space<vmem>>[vector<16xi32>, vector<16xi32>], vector<16xf32>,
      tpu.vector_store_idx %arg11[%add3A_5, %broadcast_in_dim3A_1224], %gather3A_1248 : memref<32x512xf32, #tpu.memory_space<vmem>>[vector<16xi32>, vector<16xi32>], vector<16xf32>,
      %dma_wait3A_1249 = arith.constant 4 : i32
      %dma_wait3A_1250 = arith.constant 0 : i32
      %dma_wait3A_1251 = arith.constant 0 : i32
      %dma_wait3A_1252 = tpu.memref_slice %arg8[%dma_wait3A_1249, %dma_wait3A_1250, %dma_wait3A_1251] : memref<8x32x128xf32, #tpu.memory_space<vmem>> -> memref<1x32x128xf32, #tpu.memory_space<vmem>>
      %dma_wait3A_1253 = tpu.memref_squeeze %dma_wait3A_1252 : memref<1x32x128xf32, #tpu.memory_space<vmem>> -> memref<32x128xf32, #tpu.memory_space<vmem>>
      %dma_wait3A_1254 = arith.constant 0 : i32
      %dma_wait3A_1255 = tpu.memref_slice %arg3[%dma_wait3A_1254, %multiple_of3A_881] : memref<32x1000000xf32, #tpu.memory_space<hbm>> -> memref<32x128xf32, #tpu.memory_space<hbm>>
      %dma_wait3A_1256 = arith.constant 0 : i32
      %dma_wait3A_1257 = arith.constant 0 : i32
      %dma_wait3A_1258 = tpu.memref_slice %arg8[%dma_wait3A_1249, %dma_wait3A_1256, %dma_wait3A_1257] : memref<8x32x128xf32, #tpu.memory_space<vmem>> -> memref<1x32x128xf32, #tpu.memory_space<vmem>>
      %dma_wait3A_1259 = tpu.memref_squeeze %dma_wait3A_1258 : memref<1x32x128xf32, #tpu.memory_space<vmem>> -> memref<32x128xf32, #tpu.memory_space<vmem>>
      %dma_wait3A_1260 = arith.constant 0 : i32
      %dma_wait3A_1261 = tpu.memref_slice %arg3[%dma_wait3A_1260, %multiple_of3A_881] : memref<32x1000000xf32, #tpu.memory_space<hbm>> -> memref<32x128xf32, #tpu.memory_space<hbm>>
      tpu.wait_dma2 semaphore(%arg12 : memref<!tpu.dma_semaphore, #tpu.memory_space<semaphore_mem>>) src(%dma_wait3A_1261 : memref<32x128xf32, #tpu.memory_space<hbm>>) dst(%dma_wait3A_1259 : memref<32x128xf32, #tpu.memory_space<vmem>>)
      %dma_wait3A_1262 = arith.constant 4 : i32
      %dma_wait3A_1263 = arith.constant 0 : i32
      %dma_wait3A_1264 = arith.constant 0 : i32
      %dma_wait3A_1265 = tpu.memref_slice %arg9[%dma_wait3A_1262, %dma_wait3A_1263, %dma_wait3A_1264] : memref<8x32x128xf32, #tpu.memory_space<vmem>> -> memref<1x32x128xf32, #tpu.memory_space<vmem>>
      %dma_wait3A_1266 = tpu.memref_squeeze %dma_wait3A_1265 : memref<1x32x128xf32, #tpu.memory_space<vmem>> -> memref<32x128xf32, #tpu.memory_space<vmem>>
      %dma_wait3A_1267 = arith.constant 0 : i32
      %dma_wait3A_1268 = tpu.memref_slice %arg4[%dma_wait3A_1267, %multiple_of3A_881] : memref<32x1000000xf32, #tpu.memory_space<hbm>> -> memref<32x128xf32, #tpu.memory_space<hbm>>
      %dma_wait3A_1269 = arith.constant 0 : i32
      %dma_wait3A_1270 = arith.constant 0 : i32
      %dma_wait3A_1271 = tpu.memref_slice %arg9[%dma_wait3A_1262, %dma_wait3A_1269, %dma_wait3A_1270] : memref<8x32x128xf32, #tpu.memory_space<vmem>> -> memref<1x32x128xf32, #tpu.memory_space<vmem>>
      %dma_wait3A_1272 = tpu.memref_squeeze %dma_wait3A_1271 : memref<1x32x128xf32, #tpu.memory_space<vmem>> -> memref<32x128xf32, #tpu.memory_space<vmem>>
      %dma_wait3A_1273 = arith.constant 0 : i32
      %dma_wait3A_1274 = tpu.memref_slice %arg4[%dma_wait3A_1273, %multiple_of3A_881] : memref<32x1000000xf32, #tpu.memory_space<hbm>> -> memref<32x128xf32, #tpu.memory_space<hbm>>
      tpu.wait_dma2 semaphore(%arg13 : memref<!tpu.dma_semaphore, #tpu.memory_space<semaphore_mem>>) src(%dma_wait3A_1274 : memref<32x128xf32, #tpu.memory_space<hbm>>) dst(%dma_wait3A_1272 : memref<32x128xf32, #tpu.memory_space<vmem>>)
      %dma_wait3A_1275 = arith.constant 5 : i32
      %dma_wait3A_1276 = arith.constant 0 : i32
      %dma_wait3A_1277 = arith.constant 0 : i32
      %dma_wait3A_1278 = tpu.memref_slice %arg8[%dma_wait3A_1275, %dma_wait3A_1276, %dma_wait3A_1277] : memref<8x32x128xf32, #tpu.memory_space<vmem>> -> memref<1x32x128xf32, #tpu.memory_space<vmem>>
      %dma_wait3A_1279 = tpu.memref_squeeze %dma_wait3A_1278 : memref<1x32x128xf32, #tpu.memory_space<vmem>> -> memref<32x128xf32, #tpu.memory_space<vmem>>
      %dma_wait3A_1280 = arith.constant 0 : i32
      %dma_wait3A_1281 = tpu.memref_slice %arg3[%dma_wait3A_1280, %multiple_of3A_912] : memref<32x1000000xf32, #tpu.memory_space<hbm>> -> memref<32x128xf32, #tpu.memory_space<hbm>>
      %dma_wait3A_1282 = arith.constant 0 : i32
      %dma_wait3A_1283 = arith.constant 0 : i32
      %dma_wait3A_1284 = tpu.memref_slice %arg8[%dma_wait3A_1275, %dma_wait3A_1282, %dma_wait3A_1283] : memref<8x32x128xf32, #tpu.memory_space<vmem>> -> memref<1x32x128xf32, #tpu.memory_space<vmem>>
      %dma_wait3A_1285 = tpu.memref_squeeze %dma_wait3A_1284 : memref<1x32x128xf32, #tpu.memory_space<vmem>> -> memref<32x128xf32, #tpu.memory_space<vmem>>
      %dma_wait3A_1286 = arith.constant 0 : i32
      %dma_wait3A_1287 = tpu.memref_slice %arg3[%dma_wait3A_1286, %multiple_of3A_912] : memref<32x1000000xf32, #tpu.memory_space<hbm>> -> memref<32x128xf32, #tpu.memory_space<hbm>>
      tpu.wait_dma2 semaphore(%arg12 : memref<!tpu.dma_semaphore, #tpu.memory_space<semaphore_mem>>) src(%dma_wait3A_1287 : memref<32x128xf32, #tpu.memory_space<hbm>>) dst(%dma_wait3A_1285 : memref<32x128xf32, #tpu.memory_space<vmem>>)
      %dma_wait3A_1288 = arith.constant 5 : i32
      %dma_wait3A_1289 = arith.constant 0 : i32
      %dma_wait3A_1290 = arith.constant 0 : i32
      %dma_wait3A_1291 = tpu.memref_slice %arg9[%dma_wait3A_1288, %dma_wait3A_1289, %dma_wait3A_1290] : memref<8x32x128xf32, #tpu.memory_space<vmem>> -> memref<1x32x128xf32, #tpu.memory_space<vmem>>
      %dma_wait3A_1292 = tpu.memref_squeeze %dma_wait3A_1291 : memref<1x32x128xf32, #tpu.memory_space<vmem>> -> memref<32x128xf32, #tpu.memory_space<vmem>>
      %dma_wait3A_1293 = arith.constant 0 : i32
      %dma_wait3A_1294 = tpu.memref_slice %arg4[%dma_wait3A_1293, %multiple_of3A_912] : memref<32x1000000xf32, #tpu.memory_space<hbm>> -> memref<32x128xf32, #tpu.memory_space<hbm>>
      %dma_wait3A_1295 = arith.constant 0 : i32
      %dma_wait3A_1296 = arith.constant 0 : i32
      %dma_wait3A_1297 = tpu.memref_slice %arg9[%dma_wait3A_1288, %dma_wait3A_1295, %dma_wait3A_1296] : memref<8x32x128xf32, #tpu.memory_space<vmem>> -> memref<1x32x128xf32, #tpu.memory_space<vmem>>
      %dma_wait3A_1298 = tpu.memref_squeeze %dma_wait3A_1297 : memref<1x32x128xf32, #tpu.memory_space<vmem>> -> memref<32x128xf32, #tpu.memory_space<vmem>>
      %dma_wait3A_1299 = arith.constant 0 : i32
      %dma_wait3A_1300 = tpu.memref_slice %arg4[%dma_wait3A_1299, %multiple_of3A_912] : memref<32x1000000xf32, #tpu.memory_space<hbm>> -> memref<32x128xf32, #tpu.memory_space<hbm>>
      tpu.wait_dma2 semaphore(%arg13 : memref<!tpu.dma_semaphore, #tpu.memory_space<semaphore_mem>>) src(%dma_wait3A_1300 : memref<32x128xf32, #tpu.memory_space<hbm>>) dst(%dma_wait3A_1298 : memref<32x128xf32, #tpu.memory_space<vmem>>)
      %dma_wait3A_1301 = arith.constant 6 : i32
      %dma_wait3A_1302 = arith.constant 0 : i32
      %dma_wait3A_1303 = arith.constant 0 : i32
      %dma_wait3A_1304 = tpu.memref_slice %arg8[%dma_wait3A_1301, %dma_wait3A_1302, %dma_wait3A_1303] : memref<8x32x128xf32, #tpu.memory_space<vmem>> -> memref<1x32x128xf32, #tpu.memory_space<vmem>>
      %dma_wait3A_1305 = tpu.memref_squeeze %dma_wait3A_1304 : memref<1x32x128xf32, #tpu.memory_space<vmem>> -> memref<32x128xf32, #tpu.memory_space<vmem>>
      %dma_wait3A_1306 = arith.constant 0 : i32
      %dma_wait3A_1307 = tpu.memref_slice %arg3[%dma_wait3A_1306, %multiple_of3A_943] : memref<32x1000000xf32, #tpu.memory_space<hbm>> -> memref<32x128xf32, #tpu.memory_space<hbm>>
      %dma_wait3A_1308 = arith.constant 0 : i32
      %dma_wait3A_1309 = arith.constant 0 : i32
      %dma_wait3A_1310 = tpu.memref_slice %arg8[%dma_wait3A_1301, %dma_wait3A_1308, %dma_wait3A_1309] : memref<8x32x128xf32, #tpu.memory_space<vmem>> -> memref<1x32x128xf32, #tpu.memory_space<vmem>>
      %dma_wait3A_1311 = tpu.memref_squeeze %dma_wait3A_1310 : memref<1x32x128xf32, #tpu.memory_space<vmem>> -> memref<32x128xf32, #tpu.memory_space<vmem>>
      %dma_wait3A_1312 = arith.constant 0 : i32
      %dma_wait3A_1313 = tpu.memref_slice %arg3[%dma_wait3A_1312, %multiple_of3A_943] : memref<32x1000000xf32, #tpu.memory_space<hbm>> -> memref<32x128xf32, #tpu.memory_space<hbm>>
      tpu.wait_dma2 semaphore(%arg12 : memref<!tpu.dma_semaphore, #tpu.memory_space<semaphore_mem>>) src(%dma_wait3A_1313 : memref<32x128xf32, #tpu.memory_space<hbm>>) dst(%dma_wait3A_1311 : memref<32x128xf32, #tpu.memory_space<vmem>>)
      %dma_wait3A_1314 = arith.constant 6 : i32
      %dma_wait3A_1315 = arith.constant 0 : i32
      %dma_wait3A_1316 = arith.constant 0 : i32
      %dma_wait3A_1317 = tpu.memref_slice %arg9[%dma_wait3A_1314, %dma_wait3A_1315, %dma_wait3A_1316] : memref<8x32x128xf32, #tpu.memory_space<vmem>> -> memref<1x32x128xf32, #tpu.memory_space<vmem>>
      %dma_wait3A_1318 = tpu.memref_squeeze %dma_wait3A_1317 : memref<1x32x128xf32, #tpu.memory_space<vmem>> -> memref<32x128xf32, #tpu.memory_space<vmem>>
      %dma_wait3A_1319 = arith.constant 0 : i32
      %dma_wait3A_1320 = tpu.memref_slice %arg4[%dma_wait3A_1319, %multiple_of3A_943] : memref<32x1000000xf32, #tpu.memory_space<hbm>> -> memref<32x128xf32, #tpu.memory_space<hbm>>
      %dma_wait3A_1321 = arith.constant 0 : i32
      %dma_wait3A_1322 = arith.constant 0 : i32
      %dma_wait3A_1323 = tpu.memref_slice %arg9[%dma_wait3A_1314, %dma_wait3A_1321, %dma_wait3A_1322] : memref<8x32x128xf32, #tpu.memory_space<vmem>> -> memref<1x32x128xf32, #tpu.memory_space<vmem>>
      %dma_wait3A_1324 = tpu.memref_squeeze %dma_wait3A_1323 : memref<1x32x128xf32, #tpu.memory_space<vmem>> -> memref<32x128xf32, #tpu.memory_space<vmem>>
      %dma_wait3A_1325 = arith.constant 0 : i32
      %dma_wait3A_1326 = tpu.memref_slice %arg4[%dma_wait3A_1325, %multiple_of3A_943] : memref<32x1000000xf32, #tpu.memory_space<hbm>> -> memref<32x128xf32, #tpu.memory_space<hbm>>
      tpu.wait_dma2 semaphore(%arg13 : memref<!tpu.dma_semaphore, #tpu.memory_space<semaphore_mem>>) src(%dma_wait3A_1326 : memref<32x128xf32, #tpu.memory_space<hbm>>) dst(%dma_wait3A_1324 : memref<32x128xf32, #tpu.memory_space<vmem>>)
      %dma_wait3A_1327 = arith.constant 7 : i32
      %dma_wait3A_1328 = arith.constant 0 : i32
      %dma_wait3A_1329 = arith.constant 0 : i32
      %dma_wait3A_1330 = tpu.memref_slice %arg8[%dma_wait3A_1327, %dma_wait3A_1328, %dma_wait3A_1329] : memref<8x32x128xf32, #tpu.memory_space<vmem>> -> memref<1x32x128xf32, #tpu.memory_space<vmem>>
      %dma_wait3A_1331 = tpu.memref_squeeze %dma_wait3A_1330 : memref<1x32x128xf32, #tpu.memory_space<vmem>> -> memref<32x128xf32, #tpu.memory_space<vmem>>
      %dma_wait3A_1332 = arith.constant 0 : i32
      %dma_wait3A_1333 = tpu.memref_slice %arg3[%dma_wait3A_1332, %multiple_of3A_974] : memref<32x1000000xf32, #tpu.memory_space<hbm>> -> memref<32x128xf32, #tpu.memory_space<hbm>>
      %dma_wait3A_1334 = arith.constant 0 : i32
      %dma_wait3A_1335 = arith.constant 0 : i32
      %dma_wait3A_1336 = tpu.memref_slice %arg8[%dma_wait3A_1327, %dma_wait3A_1334, %dma_wait3A_1335] : memref<8x32x128xf32, #tpu.memory_space<vmem>> -> memref<1x32x128xf32, #tpu.memory_space<vmem>>
      %dma_wait3A_1337 = tpu.memref_squeeze %dma_wait3A_1336 : memref<1x32x128xf32, #tpu.memory_space<vmem>> -> memref<32x128xf32, #tpu.memory_space<vmem>>
      %dma_wait3A_1338 = arith.constant 0 : i32
      %dma_wait3A_1339 = tpu.memref_slice %arg3[%dma_wait3A_1338, %multiple_of3A_974] : memref<32x1000000xf32, #tpu.memory_space<hbm>> -> memref<32x128xf32, #tpu.memory_space<hbm>>
      tpu.wait_dma2 semaphore(%arg12 : memref<!tpu.dma_semaphore, #tpu.memory_space<semaphore_mem>>) src(%dma_wait3A_1339 : memref<32x128xf32, #tpu.memory_space<hbm>>) dst(%dma_wait3A_1337 : memref<32x128xf32, #tpu.memory_space<vmem>>)
      %dma_wait3A_1340 = arith.constant 7 : i32
      %dma_wait3A_1341 = arith.constant 0 : i32
      %dma_wait3A_1342 = arith.constant 0 : i32
      %dma_wait3A_1343 = tpu.memref_slice %arg9[%dma_wait3A_1340, %dma_wait3A_1341, %dma_wait3A_1342] : memref<8x32x128xf32, #tpu.memory_space<vmem>> -> memref<1x32x128xf32, #tpu.memory_space<vmem>>
      %dma_wait3A_1344 = tpu.memref_squeeze %dma_wait3A_1343 : memref<1x32x128xf32, #tpu.memory_space<vmem>> -> memref<32x128xf32, #tpu.memory_space<vmem>>
      %dma_wait3A_1345 = arith.constant 0 : i32
      %dma_wait3A_1346 = tpu.memref_slice %arg4[%dma_wait3A_1345, %multiple_of3A_974] : memref<32x1000000xf32, #tpu.memory_space<hbm>> -> memref<32x128xf32, #tpu.memory_space<hbm>>
      %dma_wait3A_1347 = arith.constant 0 : i32
      %dma_wait3A_1348 = arith.constant 0 : i32
      %dma_wait3A_1349 = tpu.memref_slice %arg9[%dma_wait3A_1340, %dma_wait3A_1347, %dma_wait3A_1348] : memref<8x32x128xf32, #tpu.memory_space<vmem>> -> memref<1x32x128xf32, #tpu.memory_space<vmem>>
      %dma_wait3A_1350 = tpu.memref_squeeze %dma_wait3A_1349 : memref<1x32x128xf32, #tpu.memory_space<vmem>> -> memref<32x128xf32, #tpu.memory_space<vmem>>
      %dma_wait3A_1351 = arith.constant 0 : i32
      %dma_wait3A_1352 = tpu.memref_slice %arg4[%dma_wait3A_1351, %multiple_of3A_974] : memref<32x1000000xf32, #tpu.memory_space<hbm>> -> memref<32x128xf32, #tpu.memory_space<hbm>>
      tpu.wait_dma2 semaphore(%arg13 : memref<!tpu.dma_semaphore, #tpu.memory_space<semaphore_mem>>) src(%dma_wait3A_1352 : memref<32x128xf32, #tpu.memory_space<hbm>>) dst(%dma_wait3A_1350 : memref<32x128xf32, #tpu.memory_space<vmem>>)
      %slice3A_1353 = vector.extract_strided_slice %get3A_16 {offsets = [12], sizes = [1], strides = [1]} : vector<16xi32> to vector<1xi32>
      %squeeze3A_1354 = vector.extract %slice3A_1353[0] : i32 from vector<1xi32>
      %and3A_1355 = arith.constant 127 : i32
      %and3A_1356 = arith.andi %squeeze3A_1354, %and3A_1355 : i32
      %broadcast_in_dim3A_1357 = vector.broadcast %and3A_1356 : i32 to vector<16xi32>
      %mul3A_1358 = arith.constant 16 : i32
      %mul3A_1359 = arith.muli %scan3A_12, %mul3A_1358 : i32
      %add3A_1360 = arith.constant 12 : i32
      %add3A_1361 = arith.addi %mul3A_1359, %add3A_1360 : i32
      %add3A_1362 = arith.constant 0 : i32
      %add3A_1363 = arith.addi %add3A_1361, %add3A_1362 : i32
      %broadcast_in_dim3A_1364 = vector.broadcast %add3A_1363 : i32 to vector<16xi32>
      %gather3A_1365 = arith.constant 4 : i32
      %gather3A_1366 = arith.constant 0 : i32
      %gather3A_1367 = arith.constant 0 : i32
      %gather3A_1368 = tpu.memref_slice %arg8[%gather3A_1365, %gather3A_1366, %gather3A_1367] : memref<8x32x128xf32, #tpu.memory_space<vmem>> -> memref<1x32x128xf32, #tpu.memory_space<vmem>>
      %gather3A_1369 = tpu.memref_squeeze %gather3A_1368 : memref<1x32x128xf32, #tpu.memory_space<vmem>> -> memref<32x128xf32, #tpu.memory_space<vmem>>
      %gather3A_1370 = tpu.vector_load_idx %gather3A_1369[%iota3A, %broadcast_in_dim3A_1357] : memref<32x128xf32, #tpu.memory_space<vmem>>[vector<16xi32>, vector<16xi32>], vector<16xf32>,
      %gather3A_1371 = arith.constant 4 : i32
      %gather3A_1372 = arith.constant 0 : i32
      %gather3A_1373 = arith.constant 0 : i32
      %gather3A_1374 = tpu.memref_slice %arg8[%gather3A_1371, %gather3A_1372, %gather3A_1373] : memref<8x32x128xf32, #tpu.memory_space<vmem>> -> memref<1x32x128xf32, #tpu.memory_space<vmem>>
      %gather3A_1375 = tpu.memref_squeeze %gather3A_1374 : memref<1x32x128xf32, #tpu.memory_space<vmem>> -> memref<32x128xf32, #tpu.memory_space<vmem>>
      %gather3A_1376 = tpu.vector_load_idx %gather3A_1375[%add3A_5, %broadcast_in_dim3A_1357] : memref<32x128xf32, #tpu.memory_space<vmem>>[vector<16xi32>, vector<16xi32>], vector<16xf32>,
      tpu.vector_store_idx %arg10[%iota3A, %broadcast_in_dim3A_1364], %gather3A_1370 : memref<32x512xf32, #tpu.memory_space<vmem>>[vector<16xi32>, vector<16xi32>], vector<16xf32>,
      tpu.vector_store_idx %arg10[%add3A_5, %broadcast_in_dim3A_1364], %gather3A_1376 : memref<32x512xf32, #tpu.memory_space<vmem>>[vector<16xi32>, vector<16xi32>], vector<16xf32>,
      %gather3A_1377 = arith.constant 4 : i32
      %gather3A_1378 = arith.constant 0 : i32
      %gather3A_1379 = arith.constant 0 : i32
      %gather3A_1380 = tpu.memref_slice %arg9[%gather3A_1377, %gather3A_1378, %gather3A_1379] : memref<8x32x128xf32, #tpu.memory_space<vmem>> -> memref<1x32x128xf32, #tpu.memory_space<vmem>>
      %gather3A_1381 = tpu.memref_squeeze %gather3A_1380 : memref<1x32x128xf32, #tpu.memory_space<vmem>> -> memref<32x128xf32, #tpu.memory_space<vmem>>
      %gather3A_1382 = tpu.vector_load_idx %gather3A_1381[%iota3A, %broadcast_in_dim3A_1357] : memref<32x128xf32, #tpu.memory_space<vmem>>[vector<16xi32>, vector<16xi32>], vector<16xf32>,
      %gather3A_1383 = arith.constant 4 : i32
      %gather3A_1384 = arith.constant 0 : i32
      %gather3A_1385 = arith.constant 0 : i32
      %gather3A_1386 = tpu.memref_slice %arg9[%gather3A_1383, %gather3A_1384, %gather3A_1385] : memref<8x32x128xf32, #tpu.memory_space<vmem>> -> memref<1x32x128xf32, #tpu.memory_space<vmem>>
      %gather3A_1387 = tpu.memref_squeeze %gather3A_1386 : memref<1x32x128xf32, #tpu.memory_space<vmem>> -> memref<32x128xf32, #tpu.memory_space<vmem>>
      %gather3A_1388 = tpu.vector_load_idx %gather3A_1387[%add3A_5, %broadcast_in_dim3A_1357] : memref<32x128xf32, #tpu.memory_space<vmem>>[vector<16xi32>, vector<16xi32>], vector<16xf32>,
      tpu.vector_store_idx %arg11[%iota3A, %broadcast_in_dim3A_1364], %gather3A_1382 : memref<32x512xf32, #tpu.memory_space<vmem>>[vector<16xi32>, vector<16xi32>], vector<16xf32>,
      tpu.vector_store_idx %arg11[%add3A_5, %broadcast_in_dim3A_1364], %gather3A_1388 : memref<32x512xf32, #tpu.memory_space<vmem>>[vector<16xi32>, vector<16xi32>], vector<16xf32>,
      %slice3A_1389 = vector.extract_strided_slice %get3A_16 {offsets = [13], sizes = [1], strides = [1]} : vector<16xi32> to vector<1xi32>
      %squeeze3A_1390 = vector.extract %slice3A_1389[0] : i32 from vector<1xi32>
      %and3A_1391 = arith.constant 127 : i32
      %and3A_1392 = arith.andi %squeeze3A_1390, %and3A_1391 : i32
      %broadcast_in_dim3A_1393 = vector.broadcast %and3A_1392 : i32 to vector<16xi32>
      %mul3A_1394 = arith.constant 16 : i32
      %mul3A_1395 = arith.muli %scan3A_12, %mul3A_1394 : i32
      %add3A_1396 = arith.constant 12 : i32
      %add3A_1397 = arith.addi %mul3A_1395, %add3A_1396 : i32
      %add3A_1398 = arith.constant 1 : i32
      %add3A_1399 = arith.addi %add3A_1397, %add3A_1398 : i32
      %broadcast_in_dim3A_1400 = vector.broadcast %add3A_1399 : i32 to vector<16xi32>
      %gather3A_1401 = arith.constant 5 : i32
      %gather3A_1402 = arith.constant 0 : i32
      %gather3A_1403 = arith.constant 0 : i32
      %gather3A_1404 = tpu.memref_slice %arg8[%gather3A_1401, %gather3A_1402, %gather3A_1403] : memref<8x32x128xf32, #tpu.memory_space<vmem>> -> memref<1x32x128xf32, #tpu.memory_space<vmem>>
      %gather3A_1405 = tpu.memref_squeeze %gather3A_1404 : memref<1x32x128xf32, #tpu.memory_space<vmem>> -> memref<32x128xf32, #tpu.memory_space<vmem>>
      %gather3A_1406 = tpu.vector_load_idx %gather3A_1405[%iota3A, %broadcast_in_dim3A_1393] : memref<32x128xf32, #tpu.memory_space<vmem>>[vector<16xi32>, vector<16xi32>], vector<16xf32>,
      %gather3A_1407 = arith.constant 5 : i32
      %gather3A_1408 = arith.constant 0 : i32
      %gather3A_1409 = arith.constant 0 : i32
      %gather3A_1410 = tpu.memref_slice %arg8[%gather3A_1407, %gather3A_1408, %gather3A_1409] : memref<8x32x128xf32, #tpu.memory_space<vmem>> -> memref<1x32x128xf32, #tpu.memory_space<vmem>>
      %gather3A_1411 = tpu.memref_squeeze %gather3A_1410 : memref<1x32x128xf32, #tpu.memory_space<vmem>> -> memref<32x128xf32, #tpu.memory_space<vmem>>
      %gather3A_1412 = tpu.vector_load_idx %gather3A_1411[%add3A_5, %broadcast_in_dim3A_1393] : memref<32x128xf32, #tpu.memory_space<vmem>>[vector<16xi32>, vector<16xi32>], vector<16xf32>,
      tpu.vector_store_idx %arg10[%iota3A, %broadcast_in_dim3A_1400], %gather3A_1406 : memref<32x512xf32, #tpu.memory_space<vmem>>[vector<16xi32>, vector<16xi32>], vector<16xf32>,
      tpu.vector_store_idx %arg10[%add3A_5, %broadcast_in_dim3A_1400], %gather3A_1412 : memref<32x512xf32, #tpu.memory_space<vmem>>[vector<16xi32>, vector<16xi32>], vector<16xf32>,
      %gather3A_1413 = arith.constant 5 : i32
      %gather3A_1414 = arith.constant 0 : i32
      %gather3A_1415 = arith.constant 0 : i32
      %gather3A_1416 = tpu.memref_slice %arg9[%gather3A_1413, %gather3A_1414, %gather3A_1415] : memref<8x32x128xf32, #tpu.memory_space<vmem>> -> memref<1x32x128xf32, #tpu.memory_space<vmem>>
      %gather3A_1417 = tpu.memref_squeeze %gather3A_1416 : memref<1x32x128xf32, #tpu.memory_space<vmem>> -> memref<32x128xf32, #tpu.memory_space<vmem>>
      %gather3A_1418 = tpu.vector_load_idx %gather3A_1417[%iota3A, %broadcast_in_dim3A_1393] : memref<32x128xf32, #tpu.memory_space<vmem>>[vector<16xi32>, vector<16xi32>], vector<16xf32>,
      %gather3A_1419 = arith.constant 5 : i32
      %gather3A_1420 = arith.constant 0 : i32
      %gather3A_1421 = arith.constant 0 : i32
      %gather3A_1422 = tpu.memref_slice %arg9[%gather3A_1419, %gather3A_1420, %gather3A_1421] : memref<8x32x128xf32, #tpu.memory_space<vmem>> -> memref<1x32x128xf32, #tpu.memory_space<vmem>>
      %gather3A_1423 = tpu.memref_squeeze %gather3A_1422 : memref<1x32x128xf32, #tpu.memory_space<vmem>> -> memref<32x128xf32, #tpu.memory_space<vmem>>
      %gather3A_1424 = tpu.vector_load_idx %gather3A_1423[%add3A_5, %broadcast_in_dim3A_1393] : memref<32x128xf32, #tpu.memory_space<vmem>>[vector<16xi32>, vector<16xi32>], vector<16xf32>,
      tpu.vector_store_idx %arg11[%iota3A, %broadcast_in_dim3A_1400], %gather3A_1418 : memref<32x512xf32, #tpu.memory_space<vmem>>[vector<16xi32>, vector<16xi32>], vector<16xf32>,
      tpu.vector_store_idx %arg11[%add3A_5, %broadcast_in_dim3A_1400], %gather3A_1424 : memref<32x512xf32, #tpu.memory_space<vmem>>[vector<16xi32>, vector<16xi32>], vector<16xf32>,
      %slice3A_1425 = vector.extract_strided_slice %get3A_16 {offsets = [14], sizes = [1], strides = [1]} : vector<16xi32> to vector<1xi32>
      %squeeze3A_1426 = vector.extract %slice3A_1425[0] : i32 from vector<1xi32>
      %and3A_1427 = arith.constant 127 : i32
      %and3A_1428 = arith.andi %squeeze3A_1426, %and3A_1427 : i32
      %broadcast_in_dim3A_1429 = vector.broadcast %and3A_1428 : i32 to vector<16xi32>
      %mul3A_1430 = arith.constant 16 : i32
      %mul3A_1431 = arith.muli %scan3A_12, %mul3A_1430 : i32
      %add3A_1432 = arith.constant 12 : i32
      %add3A_1433 = arith.addi %mul3A_1431, %add3A_1432 : i32
      %add3A_1434 = arith.constant 2 : i32
      %add3A_1435 = arith.addi %add3A_1433, %add3A_1434 : i32
      %broadcast_in_dim3A_1436 = vector.broadcast %add3A_1435 : i32 to vector<16xi32>
      %gather3A_1437 = arith.constant 6 : i32
      %gather3A_1438 = arith.constant 0 : i32
      %gather3A_1439 = arith.constant 0 : i32
      %gather3A_1440 = tpu.memref_slice %arg8[%gather3A_1437, %gather3A_1438, %gather3A_1439] : memref<8x32x128xf32, #tpu.memory_space<vmem>> -> memref<1x32x128xf32, #tpu.memory_space<vmem>>
      %gather3A_1441 = tpu.memref_squeeze %gather3A_1440 : memref<1x32x128xf32, #tpu.memory_space<vmem>> -> memref<32x128xf32, #tpu.memory_space<vmem>>
      %gather3A_1442 = tpu.vector_load_idx %gather3A_1441[%iota3A, %broadcast_in_dim3A_1429] : memref<32x128xf32, #tpu.memory_space<vmem>>[vector<16xi32>, vector<16xi32>], vector<16xf32>,
      %gather3A_1443 = arith.constant 6 : i32
      %gather3A_1444 = arith.constant 0 : i32
      %gather3A_1445 = arith.constant 0 : i32
      %gather3A_1446 = tpu.memref_slice %arg8[%gather3A_1443, %gather3A_1444, %gather3A_1445] : memref<8x32x128xf32, #tpu.memory_space<vmem>> -> memref<1x32x128xf32, #tpu.memory_space<vmem>>
      %gather3A_1447 = tpu.memref_squeeze %gather3A_1446 : memref<1x32x128xf32, #tpu.memory_space<vmem>> -> memref<32x128xf32, #tpu.memory_space<vmem>>
      %gather3A_1448 = tpu.vector_load_idx %gather3A_1447[%add3A_5, %broadcast_in_dim3A_1429] : memref<32x128xf32, #tpu.memory_space<vmem>>[vector<16xi32>, vector<16xi32>], vector<16xf32>,
      tpu.vector_store_idx %arg10[%iota3A, %broadcast_in_dim3A_1436], %gather3A_1442 : memref<32x512xf32, #tpu.memory_space<vmem>>[vector<16xi32>, vector<16xi32>], vector<16xf32>,
      tpu.vector_store_idx %arg10[%add3A_5, %broadcast_in_dim3A_1436], %gather3A_1448 : memref<32x512xf32, #tpu.memory_space<vmem>>[vector<16xi32>, vector<16xi32>], vector<16xf32>,
      %gather3A_1449 = arith.constant 6 : i32
      %gather3A_1450 = arith.constant 0 : i32
      %gather3A_1451 = arith.constant 0 : i32
      %gather3A_1452 = tpu.memref_slice %arg9[%gather3A_1449, %gather3A_1450, %gather3A_1451] : memref<8x32x128xf32, #tpu.memory_space<vmem>> -> memref<1x32x128xf32, #tpu.memory_space<vmem>>
      %gather3A_1453 = tpu.memref_squeeze %gather3A_1452 : memref<1x32x128xf32, #tpu.memory_space<vmem>> -> memref<32x128xf32, #tpu.memory_space<vmem>>
      %gather3A_1454 = tpu.vector_load_idx %gather3A_1453[%iota3A, %broadcast_in_dim3A_1429] : memref<32x128xf32, #tpu.memory_space<vmem>>[vector<16xi32>, vector<16xi32>], vector<16xf32>,
      %gather3A_1455 = arith.constant 6 : i32
      %gather3A_1456 = arith.constant 0 : i32
      %gather3A_1457 = arith.constant 0 : i32
      %gather3A_1458 = tpu.memref_slice %arg9[%gather3A_1455, %gather3A_1456, %gather3A_1457] : memref<8x32x128xf32, #tpu.memory_space<vmem>> -> memref<1x32x128xf32, #tpu.memory_space<vmem>>
      %gather3A_1459 = tpu.memref_squeeze %gather3A_1458 : memref<1x32x128xf32, #tpu.memory_space<vmem>> -> memref<32x128xf32, #tpu.memory_space<vmem>>
      %gather3A_1460 = tpu.vector_load_idx %gather3A_1459[%add3A_5, %broadcast_in_dim3A_1429] : memref<32x128xf32, #tpu.memory_space<vmem>>[vector<16xi32>, vector<16xi32>], vector<16xf32>,
      tpu.vector_store_idx %arg11[%iota3A, %broadcast_in_dim3A_1436], %gather3A_1454 : memref<32x512xf32, #tpu.memory_space<vmem>>[vector<16xi32>, vector<16xi32>], vector<16xf32>,
      tpu.vector_store_idx %arg11[%add3A_5, %broadcast_in_dim3A_1436], %gather3A_1460 : memref<32x512xf32, #tpu.memory_space<vmem>>[vector<16xi32>, vector<16xi32>], vector<16xf32>,
      %slice3A_1461 = vector.extract_strided_slice %get3A_16 {offsets = [15], sizes = [1], strides = [1]} : vector<16xi32> to vector<1xi32>
      %squeeze3A_1462 = vector.extract %slice3A_1461[0] : i32 from vector<1xi32>
      %and3A_1463 = arith.constant 127 : i32
      %and3A_1464 = arith.andi %squeeze3A_1462, %and3A_1463 : i32
      %broadcast_in_dim3A_1465 = vector.broadcast %and3A_1464 : i32 to vector<16xi32>
      %mul3A_1466 = arith.constant 16 : i32
      %mul3A_1467 = arith.muli %scan3A_12, %mul3A_1466 : i32
      %add3A_1468 = arith.constant 12 : i32
      %add3A_1469 = arith.addi %mul3A_1467, %add3A_1468 : i32
      %add3A_1470 = arith.constant 3 : i32
      %add3A_1471 = arith.addi %add3A_1469, %add3A_1470 : i32
      %broadcast_in_dim3A_1472 = vector.broadcast %add3A_1471 : i32 to vector<16xi32>
      %gather3A_1473 = arith.constant 7 : i32
      %gather3A_1474 = arith.constant 0 : i32
      %gather3A_1475 = arith.constant 0 : i32
      %gather3A_1476 = tpu.memref_slice %arg8[%gather3A_1473, %gather3A_1474, %gather3A_1475] : memref<8x32x128xf32, #tpu.memory_space<vmem>> -> memref<1x32x128xf32, #tpu.memory_space<vmem>>
      %gather3A_1477 = tpu.memref_squeeze %gather3A_1476 : memref<1x32x128xf32, #tpu.memory_space<vmem>> -> memref<32x128xf32, #tpu.memory_space<vmem>>
      %gather3A_1478 = tpu.vector_load_idx %gather3A_1477[%iota3A, %broadcast_in_dim3A_1465] : memref<32x128xf32, #tpu.memory_space<vmem>>[vector<16xi32>, vector<16xi32>], vector<16xf32>,
      %gather3A_1479 = arith.constant 7 : i32
      %gather3A_1480 = arith.constant 0 : i32
      %gather3A_1481 = arith.constant 0 : i32
      %gather3A_1482 = tpu.memref_slice %arg8[%gather3A_1479, %gather3A_1480, %gather3A_1481] : memref<8x32x128xf32, #tpu.memory_space<vmem>> -> memref<1x32x128xf32, #tpu.memory_space<vmem>>
      %gather3A_1483 = tpu.memref_squeeze %gather3A_1482 : memref<1x32x128xf32, #tpu.memory_space<vmem>> -> memref<32x128xf32, #tpu.memory_space<vmem>>
      %gather3A_1484 = tpu.vector_load_idx %gather3A_1483[%add3A_5, %broadcast_in_dim3A_1465] : memref<32x128xf32, #tpu.memory_space<vmem>>[vector<16xi32>, vector<16xi32>], vector<16xf32>,
      tpu.vector_store_idx %arg10[%iota3A, %broadcast_in_dim3A_1472], %gather3A_1478 : memref<32x512xf32, #tpu.memory_space<vmem>>[vector<16xi32>, vector<16xi32>], vector<16xf32>,
      tpu.vector_store_idx %arg10[%add3A_5, %broadcast_in_dim3A_1472], %gather3A_1484 : memref<32x512xf32, #tpu.memory_space<vmem>>[vector<16xi32>, vector<16xi32>], vector<16xf32>,
      %gather3A_1485 = arith.constant 7 : i32
      %gather3A_1486 = arith.constant 0 : i32
      %gather3A_1487 = arith.constant 0 : i32
      %gather3A_1488 = tpu.memref_slice %arg9[%gather3A_1485, %gather3A_1486, %gather3A_1487] : memref<8x32x128xf32, #tpu.memory_space<vmem>> -> memref<1x32x128xf32, #tpu.memory_space<vmem>>
      %gather3A_1489 = tpu.memref_squeeze %gather3A_1488 : memref<1x32x128xf32, #tpu.memory_space<vmem>> -> memref<32x128xf32, #tpu.memory_space<vmem>>
      %gather3A_1490 = tpu.vector_load_idx %gather3A_1489[%iota3A, %broadcast_in_dim3A_1465] : memref<32x128xf32, #tpu.memory_space<vmem>>[vector<16xi32>, vector<16xi32>], vector<16xf32>,
      %gather3A_1491 = arith.constant 7 : i32
      %gather3A_1492 = arith.constant 0 : i32
      %gather3A_1493 = arith.constant 0 : i32
      %gather3A_1494 = tpu.memref_slice %arg9[%gather3A_1491, %gather3A_1492, %gather3A_1493] : memref<8x32x128xf32, #tpu.memory_space<vmem>> -> memref<1x32x128xf32, #tpu.memory_space<vmem>>
      %gather3A_1495 = tpu.memref_squeeze %gather3A_1494 : memref<1x32x128xf32, #tpu.memory_space<vmem>> -> memref<32x128xf32, #tpu.memory_space<vmem>>
      %gather3A_1496 = tpu.vector_load_idx %gather3A_1495[%add3A_5, %broadcast_in_dim3A_1465] : memref<32x128xf32, #tpu.memory_space<vmem>>[vector<16xi32>, vector<16xi32>], vector<16xf32>,
      tpu.vector_store_idx %arg11[%iota3A, %broadcast_in_dim3A_1472], %gather3A_1490 : memref<32x512xf32, #tpu.memory_space<vmem>>[vector<16xi32>, vector<16xi32>], vector<16xf32>,
      tpu.vector_store_idx %arg11[%add3A_5, %broadcast_in_dim3A_1472], %gather3A_1496 : memref<32x512xf32, #tpu.memory_space<vmem>>[vector<16xi32>, vector<16xi32>], vector<16xf32>,
      %scan3A_1497 = arith.constant 0 : i32
      scf.yield %scan3A_1497 : i32
    }
    %scan3A_11 = arith.constant 32 : i32
    "tpu.region"() ({
      %run_scoped3A = tpu.sem_alloc : memref<!tpu.dma_semaphore, #tpu.memory_space<semaphore_mem>>
      %dma_start3A = arith.constant 0 : i32
      %dma_start3A_12 = tpu.memref_slice %arg5[%dma_start3A, %mul3A_2] : memref<32x16384xf32, #tpu.memory_space<hbm>> -> memref<32x512xf32, #tpu.memory_space<hbm>>
      %dma_start3A_13 = arith.constant 0 : i32
      %dma_start3A_14 = tpu.memref_slice %arg5[%dma_start3A_13, %mul3A_2] : memref<32x16384xf32, #tpu.memory_space<hbm>> -> memref<32x512xf32, #tpu.memory_space<hbm>>
      tpu.enqueue_dma source(%arg10 : memref<32x512xf32, #tpu.memory_space<vmem>>) target(%dma_start3A_14 : memref<32x512xf32, #tpu.memory_space<hbm>>) target_semaphore(%run_scoped3A : memref<!tpu.dma_semaphore, #tpu.memory_space<semaphore_mem>>)
      %dma_wait3A = arith.constant 0 : i32
      %dma_wait3A_15 = tpu.memref_slice %arg5[%dma_wait3A, %mul3A_2] : memref<32x16384xf32, #tpu.memory_space<hbm>> -> memref<32x512xf32, #tpu.memory_space<hbm>>
      %dma_wait3A_16 = arith.constant 0 : i32
      %dma_wait3A_17 = tpu.memref_slice %arg5[%dma_wait3A_16, %mul3A_2] : memref<32x16384xf32, #tpu.memory_space<hbm>> -> memref<32x512xf32, #tpu.memory_space<hbm>>
      tpu.wait_dma2 semaphore(%run_scoped3A : memref<!tpu.dma_semaphore, #tpu.memory_space<semaphore_mem>>) src(%arg10 : memref<32x512xf32, #tpu.memory_space<vmem>>) dst(%dma_wait3A_17 : memref<32x512xf32, #tpu.memory_space<hbm>>)
      tpu.yield
    }) : () -> ()
    "tpu.region"() ({
      %run_scoped3A = tpu.sem_alloc : memref<!tpu.dma_semaphore, #tpu.memory_space<semaphore_mem>>
      %dma_start3A = arith.constant 0 : i32
      %dma_start3A_12 = tpu.memref_slice %arg6[%dma_start3A, %mul3A_2] : memref<32x16384xf32, #tpu.memory_space<hbm>> -> memref<32x512xf32, #tpu.memory_space<hbm>>
      %dma_start3A_13 = arith.constant 0 : i32
      %dma_start3A_14 = tpu.memref_slice %arg6[%dma_start3A_13, %mul3A_2] : memref<32x16384xf32, #tpu.memory_space<hbm>> -> memref<32x512xf32, #tpu.memory_space<hbm>>
      tpu.enqueue_dma source(%arg11 : memref<32x512xf32, #tpu.memory_space<vmem>>) target(%dma_start3A_14 : memref<32x512xf32, #tpu.memory_space<hbm>>) target_semaphore(%run_scoped3A : memref<!tpu.dma_semaphore, #tpu.memory_space<semaphore_mem>>)
      %dma_wait3A = arith.constant 0 : i32
      %dma_wait3A_15 = tpu.memref_slice %arg6[%dma_wait3A, %mul3A_2] : memref<32x16384xf32, #tpu.memory_space<hbm>> -> memref<32x512xf32, #tpu.memory_space<hbm>>
      %dma_wait3A_16 = arith.constant 0 : i32
      %dma_wait3A_17 = tpu.memref_slice %arg6[%dma_wait3A_16, %mul3A_2] : memref<32x16384xf32, #tpu.memory_space<hbm>> -> memref<32x512xf32, #tpu.memory_space<hbm>>
      tpu.wait_dma2 semaphore(%run_scoped3A : memref<!tpu.dma_semaphore, #tpu.memory_space<semaphore_mem>>) src(%arg11 : memref<32x512xf32, #tpu.memory_space<vmem>>) dst(%dma_wait3A_17 : memref<32x512xf32, #tpu.memory_space<hbm>>)
      tpu.yield
    }) : () -> ()
    return
  }
}

</mosaic_0001>

<sc_bundles>
// kernel: kernel.3.cloned.1.call-start
scs
__scs_entry_jumppad:
0x0: {  	(pc) =	sbr.rel $0x88, $3  }
0x1: {  	(tag) =	ssettag $0x0;
	lr =	simm.s32 $0x1  }
0x2: {  	[smem:$0x3F9E] =	sst lr;
	_ =	strace $0xD0000000  }
0x3: {  	_ = 	snop  }
0x4: {  	_ = 	snop  }
0x5: {  	_ = 	snop  }
0x6: {  	_ = 	snop  }
0x7: {  	_ = 	snop  }
__scs_overlays_trampoline_lowered:
0x8: {  	[smem:$0x3FAD] =	sst s0  }
0x9: {  	[smem:$0x3FAE] =	sst s1  }
0xa: {  	[smem:$0x3FAF] =	sst s2  }
0xb: {  	[smem:$0x3FB0] =	sst s3  }
0xc: {  	[smem:$0x3FB1] =	sst s4  }
0xd: {  	[smem:$0x3FB2] =	sst s5  }
0xe: {  	[smem:$0x3FB3] =	sst s6  }
0xf: {  	[smem:$0x3FB4] =	sst s7  }
0x10: {  	[smem:$0x3FB5] =	sst s8  }
0x11: {  	[smem:$0x3FB6] =	sst s9;
	s0 =	simm.s32 @!p0 $0x0  }
0x12: {  	s1 =	sld [smem:$0x3F9C];
	s0 =	simm.s32 @p0 $0x1  }
0x13: {  	[smem:$0x3FB7] =	sst s0;
	s0 =	simm.s32 @!p1 $0x0  }
0x14: {  	s2 =	sld [smem:$0x3F9B];
	s0 =	simm.s32 @p1 $0x1  }
0x15: {  	[smem:$0x3FB8] =	sst s0;
	s0 =	simm.s32 @!p2 $0x0  }
0x16: {  	s3 =	sld [smem:$0x3FDB];
	s0 =	simm.s32 @p2 $0x1  }
0x17: {  	s4 =	simm.s32 $0x1BF5;
	[smem:$0x3FBA] =	sst s0  }
0x18: {  	s0 =	sld [smem:$0x3F9D];
	_ =	swait.ge [sflag:s4], $0x0  }
0x19: {  	s7 =	sld [smem:$0x3F9E]  }
0x1a: {  	s8 =	sadd.s32 $0xFFFFE003, lr  }
0x1b: {  	s9 =	sadd.s32 $0xFFFFFEF7, lr;
	s5 =	simm.s32 $0xFFFFFFFF;
	p2 =	slt.u32 s8, $0xFFFFF086  }
0x1c: {  	p1 =	slt.u32 s9, $0xF7A;
	s5 =	simm.s32 @!p2 $0x0  }
0x1d: {  	s5 =	simm.s32 @p1 $0x1;
	p0 =	seq.s32 s7, s2  }
0x1e: {  	s7 =	smul.u32 @!p0 $0xF7A, s2;
	p2 =	seq.s32 @!p0 s5, $0x0  }
0x1f: {  	s9 =	smul.u32 $0xF7A, s1;
	s8 =	simm.s32 @!p0 $0x1BF5;
	p2 =	por !p2, p0  }
0x20: {  	[sflag:s8] =	ssyncset.s32 @!p0 $0xFFFFF086;
	s6 =	sadd.s32 @!p0 s3, s7;
	s7 =	simm.s32 @!p0 $0x108  }
0x21: {  	s3 =	sadd.s32 s3, s9;
	s6 =	sadd.s32 @!p0 $0x88, s6;
	s7 =	simm.s32 @p2 $0x1082  }
0x22: {  	[simem:s7], [sflag:s8] =	dma.local @!p0 [hbm:s6], $0xF7A  }
0x23: {  	s9 =	sor.u32 $0xD0000000, s2;
	s6 =	simm.s32 $0x108;
	_ =	swait.ge @!p0 [sflag:s8], $0x0  }
0x24: {  	s3 =	sadd.s32 $0x88, s3;
	s6 =	simm.s32 @!p1 $0x1082;
	[sflag:s4] =	ssyncset.s32 $0xFFFFF086  }
0x25: {  	[simem:s6], [sflag:s4] =	dma.local [hbm:s3], $0xF7A  }
0x26: {  	[smem:$0x3F9E] =	sst s1;
	(tag) =	ssettag s2;
	_ =	strace s9  }
0x27: {  	s1 =	sld [smem:$0x3FAE]  }
0x28: {  	s2 =	sld [smem:$0x3FAF]  }
0x29: {  	s4 =	sld [smem:$0x3FB1]  }
0x2a: {  	p0 =	seq.s32 s5, $0x0;
	s5 =	sld [smem:$0x3FB2]  }
0x2b: {  	s6 =	sld [smem:$0x3FB3]  }
0x2c: {  	s7 =	sld [smem:$0x3FB4]  }
0x2d: {  	s3 =	simm.s32 $0x108;
	s8 =	sld [smem:$0x3FB5]  }
0x2e: {  	s3 =	simm.s32 @!p0 $0x1082;
	s9 =	sld [smem:$0x3FB6]  }
0x2f: {  	lr =	sadd.s32 s0, s3;
	s0 =	sld [smem:$0x3FAD]  }
0x30: {  	s3 =	sld [smem:$0x3FB0]  }
0x31: {  	[smem:$0x3FB9] =	sst s10  }
0x32: {  	s10 =	sld [smem:$0x3FB7];
	_ =	sdelay $0x3  }
0x33: {  	p0 =	seq.s32 s10, $0x1;
	s10 =	sld [smem:$0x3FB9];
	_ =	sdelay $0x3  }
0x34: {  	[smem:$0x3FB9] =	sst s10  }
0x35: {  	s10 =	sld [smem:$0x3FB8];
	_ =	sdelay $0x3  }
0x36: {  	p1 =	seq.s32 s10, $0x1;
	s10 =	sld [smem:$0x3FB9];
	_ =	sdelay $0x3  }
0x37: {  	[smem:$0x3FB9] =	sst s10  }
0x38: {  	s10 =	sld [smem:$0x3FBA]  }
0x39: {  	_ = 	snop;
	(pc) =	sbr.ind lr, $3  }
0x3a: {  	_ = 	snop  }
0x3b: {  	_ = 	snop  }
0x3c: {  	p2 =	seq.s32 s10, $0x1;
	s10 =	sld [smem:$0x3FB9]  }
0x3d: {  	_ =	shalt  }
0x3e: {  	_ =	shalt  }
0x3f: {  	_ =	shalt  }
0x40: {  	_ =	shalt  }
0x41: {  	_ =	shalt  }
0x42: {  	_ =	shalt  }
0x43: {  	_ =	shalt  }
0x44: {  	_ =	shalt  }
0x45: {  	_ =	shalt  }
0x46: {  	_ =	shalt  }
0x47: {  	_ =	shalt  }
0x48: {  	_ =	shalt  }
0x49: {  	_ =	shalt  }
0x4a: {  	_ =	shalt  }
0x4b: {  	_ =	shalt  }
0x4c: {  	_ =	shalt  }
0x4d: {  	_ =	shalt  }
0x4e: {  	_ =	shalt  }
0x4f: {  	_ =	shalt  }
0x50: {  	_ =	shalt  }
0x51: {  	_ =	shalt  }
0x52: {  	_ =	shalt  }
0x53: {  	_ =	shalt  }
0x54: {  	_ =	shalt  }
0x55: {  	_ =	shalt  }
0x56: {  	_ =	shalt  }
0x57: {  	_ =	shalt  }
0x58: {  	_ =	shalt  }
0x59: {  	_ =	shalt  }
0x5a: {  	_ =	shalt  }
0x5b: {  	_ =	shalt  }
0x5c: {  	_ =	shalt  }
0x5d: {  	_ =	shalt  }
0x5e: {  	_ =	shalt  }
0x5f: {  	_ =	shalt  }
0x60: {  	_ =	shalt  }
0x61: {  	_ =	shalt  }
0x62: {  	_ =	shalt  }
0x63: {  	_ =	shalt  }
0x64: {  	_ =	shalt  }
0x65: {  	_ =	shalt  }
0x66: {  	_ =	shalt  }
0x67: {  	_ =	shalt  }
0x68: {  	_ =	shalt  }
0x69: {  	_ =	shalt  }
0x6a: {  	_ =	shalt  }
0x6b: {  	_ =	shalt  }
0x6c: {  	_ =	shalt  }
0x6d: {  	_ =	shalt  }
0x6e: {  	_ =	shalt  }
0x6f: {  	_ =	shalt  }
0x70: {  	_ =	shalt  }
0x71: {  	_ =	shalt  }
0x72: {  	_ =	shalt  }
0x73: {  	_ =	shalt  }
0x74: {  	_ =	shalt  }
0x75: {  	_ =	shalt  }
0x76: {  	_ =	shalt  }
0x77: {  	_ =	shalt  }
0x78: {  	_ =	shalt  }
0x79: {  	_ =	shalt  }
0x7a: {  	_ =	shalt  }
0x7b: {  	_ =	shalt  }
0x7c: {  	_ =	shalt  }
0x7d: {  	_ =	shalt  }
0x7e: {  	_ =	shalt  }
0x7f: {  	_ =	shalt  }
0x80: {  	_ =	shalt  }
0x81: {  	_ =	shalt  }
0x82: {  	_ =	shalt  }
0x83: {  	_ =	shalt  }
0x84: {  	_ =	shalt  }
0x85: {  	_ =	shalt  }
0x86: {  	_ =	shalt  }
0x87: {  	_ =	shalt  }
.Lfunc_end0:
.L_simem_size_0:
called_computation_lowered:
.L_overlay_start_0:
0x88: {  	s2 =	sld [smem:$0x3FD9]  }
0x89: {  	s3 =	sld [smem:$0x3FFE];
	_ =	sdelay $0x1  }
0x8a: {  	s1 =	srdreg.scid  }
0x8b: {  	s0 =	sand.u32 $0x1, s1  }
0x8c: {  	s15 =	sshll.u32 s0, $0xA;
	s2 =	sadd.s32 s3, s2  }
0x8d: {  	s2 =	sadd.s32 s2, s15  }
0x8e: {  	[smem:$0x3FC5] =	sst s2  }
0x8f: {  	_ = 	snop  }
0x90: {  	s2 =	sld [smem:$0x3FD0]  }
0x91: {  	s16 =	sld [smem:$0x3FC9]  }
0x92: {  	s4 =	sld [smem:$0x3FC8]  }
0x93: {  	s6 =	simm.s32 $0xA;
	s7 =	simm.s32 $0x10;
	s5 =	sld [smem:$0x3FC7]  }
0x94: {  	[smem:s7], [sflag:s6] =	dma.local [hbm:s2], $0x1  }
0x95: {  	_ =	swait.eq [sflag:s6], $0x1  }
0x96: {  	[sflag:s6] =	ssyncset.done $0x0  }
0x97: {  	s17 =	sld [smem:$0x10];
	[sflag:s6] =	ssyncadd.s32 $0xFFFFFFFF  }
0x98: {  	s18 =	sld [smem:$0x11];
	(tm) =	ssettm $0x1  }
0x99: {  	s19 =	sld [smem:$0x3FFB];
	_ =	sdelay $0x3  }
0x9a: {  	_ =	strace s19  }
0x9b: {  	s7 =	sld [smem:$0x3FFC];
	_ =	sdelay $0x3  }
0x9c: {  	_ =	strace s7  }
0x9d: {  	s7 =	sld [smem:$0x3FFD];
	_ =	sdelay $0x3  }
0x9e: {  	_ =	strace s7  }
0x9f: {  	_ =	strace $0x8FFFFFFF  }
0xa0: {  	s20 =	sld [smem:$0x3FDB];
	_ =	sdelay $0x1  }
0xa1: {  	s8 =	simm.s32 $_scs_section_size  }
0xa2: {  	s9 =	simm.s32 $_size__tile_overlayer_lowered;
	s10 =	simm.s32 $_tile_overlayer_lowered  }
0xa3: {  	s23 =	simm.s32 $0x1BFF;
	s22 =	sshll.u32 s10, $0x1;
	s7 =	sadd.s32 s8, s20  }
0xa4: {  	s11 =	simm.s32 $0x0;
	s21 =	sshll.u32 s9, $0x1;
	s9 =	sadd.s32 s22, s7  }
0xa5: {  	[timem:s11], [sflag:s23] =	dma.local [hbm:s9], s21  }
0xa6: {  	_ =	swait.ge [sflag:s23], s21  }
0xa7: {  	s8 =	ssub.s32 $0x0, s21;
	[sflag:s23] =	ssyncset.done $0x0  }
0xa8: {  	[sflag:s23] =	ssyncadd.s32 s8;
	_ =	sdelay $0x1  }
0xa9: {  	s24 =	simm.s32 $0x1B8B  }
0xaa: {  	_ =	swait.ge [sflag:s24], $0x1  }
0xab: {  	[sflag:s24] =	ssyncset.done $0x0  }
0xac: {  	s25 =	simm.s32 $0x1B8E;
	[sflag:s24] =	ssyncadd.s32 $0xFFFFFFFF  }
0xad: {  	s26 =	simm.s32 $execute0_lowered;
	[smem:$0x3FD2] =	sst s25  }
0xae: {  	s8 =	sshll.u32 s26, $0x1;
	_ =	strace $0x80000046;
	[dreg:$0x1] =	wrdreg $0xFFFFFFFF  }
0xaf: {  	s28 =	simm.s32 $_size_execute0_lowered;
	s7 =	sadd.s32 s7, s8;
	[dreg:$0x0] =	wrdreg $0x0  }
0xb0: {  	s8 =	sshll.u32 s28, $0x1;
	[dreg:$0x2] =	wrdreg s7  }
0xb1: {  	[dreg:$0x3] =	wrdreg s8  }
0xb2: {  	[dreg:$0x4] =	wrdreg $0xC0  }
0xb3: {  	_ =	task [dreg:s11], $0x5FFFF  }
0xb4: {  	[dreg:$0x1] =	wrdreg $0xFFFFFFFF  }
0xb5: {  	[dreg:$0x0] =	wrdreg $0x60  }
0xb6: {  	[dreg:$0x2] =	wrdreg s16  }
0xb7: {  	[dreg:$0x3] =	wrdreg s4  }
0xb8: {  	[dreg:$0x4] =	wrdreg s5  }
0xb9: {  	[dreg:$0x5] =	wrdreg s17  }
0xba: {  	[dreg:$0x6] =	wrdreg s18  }
0xbb: {  	[dreg:$0x7] =	wrdreg $0x9  }
0xbc: {  	_ =	task.clear_ibuf [dreg:s11], $0x8FFFF;
	_ =	strace $0x90000046  }
0xbd: {  	s29 =	simm.s32 $0x9;
	_ =	strace $0x80000048  }
0xbe: {  	_ =	swait.ge [sflag:s29], $0x1  }
0xbf: {  	[sflag:s29] =	ssyncadd.s32 $0xFFFFFFFF  }
0xc0: {  	_ =	strace $0x90000048  }
0xc1: {  	_ =	sfence  }
0xc2: {  	s30 =	sld [smem:$0x0];
	_ =	sdelay $0x2  }
0xc3: {  	s31 =	sshll.u32 s1, $0xD;
	s1 =	sshrl.u32 s1, $0x2  }
0xc4: {  	s3 =	sand.u32 $0x4000, s31;
	s1 =	sadd.s32 s1, s30  }
0xc5: {  	s0 =	sor.u32 s3, s0;
	s1 =	sshll.u32 s1, $0x11  }
0xc6: {  	s0 =	sor.u32 s1, s0  }
0xc7: {  	s0 =	sadd.s32 $0x8F2B, s0  }
0xc8: {  	[sflag:s0] =	ssyncadd.remote.s32 $0x1  }
0xc9: {  	_ =	sfence.sel $0xFFFF  }
0xca: {  	[dreg:$0x0] =	wrdreg $0xFFFFFFFF;
	(pc) =	sbr.abs _section_cstart, $3  }
0xcb: {  	[dreg:$0x1] =	wrdreg $0xFFFFFFFF  }
0xcc: {  	_ =	task.clear_ibuf [dreg:s11], $0x2FFFF;
	_ =	strace $0x9FFFFFFF  }
0xcd: {  	(tm) =	ssettm $0x7FFFFFFF  }
tec
execute0_lowered:
.L_overlay_start_1:
0x0: {  	(tag) =	ssettag $0x1  }
0x1: {  	s2 =	rddreg [dreg:$0x0]  }
0x2: {  	s0 =	rddreg [dreg:$0x1]  }
0x3: {  	s1 =	rddreg [dreg:$0x2];
	v1 =	vimm.s32 $0x1380;
	vm0 =	vcmask $0x300  }
0x4: {  	s3 =	rddreg [dreg:$0x3];
	v2 =	vimm.s32 $0x3380;
	vm1 =	vcmask $0x704;
	vm15 =	vcmask $0xB08  }
0x5: {  	s4 =	rddreg [dreg:$0x4];
	vm4 =	vcmask $0xF0C;
	v1 =	vsel vm0, $0x0, v1;
	v2 =	vsel vm0, $0x2000, v2  }
0x6: {  	s5 =	srdreg.scid;
	s8 =	simm.s32 $0x0;
	s7 =	stileid.u32;
	vm5 =	vcmask $0x1310;
	v1 =	vsel vm1, $0x80, v1;
	v2 =	vsel vm1, $0x2080, v2  }
0x7: {  	v0 =	vlaneseq.u32;
	s10 =	simm.s32 $0x7A1400;
	s11 =	simm.s32 $0x400;
	s15 =	simm.s32 $0x200;
	v1 =	vsel vm15, $0x100, v1;
	v2 =	vsel vm15, $0x2100, v2  }
0x8: {  	vm6 =	vcmask $0x1714;
	s16 =	simm.s32 $0x8200;
	s17 =	simm.s32 $0x1200;
	s18 =	simm.s32 $0x9200;
	v1 =	vsel vm4, $0x180, v1;
	v2 =	vsel vm4, $0x2180, v2  }
0x9: {  	vm7 =	vcmask $0x1B18;
	s19 =	simm.s32 $0x2200;
	s20 =	simm.s32 $0xA200;
	s21 =	simm.s32 $0xB200;
	v1 =	vsel vm5, $0x200, v1;
	v2 =	vsel vm5, $0x2200, v2  }
0xa: {  	vm8 =	vcmask $0x1F1C;
	s22 =	simm.s32 $0x4200;
	s29 =	simm.s32 $0x1;
	s30 =	simm.s32 $0x2;
	v1 =	vsel vm6, $0x280, v1;
	v2 =	vsel vm6, $0x2280, v2  }
0xb: {  	vm9 =	vcmask $0x2320;
	s31 =	simm.s32 $0x10200;
	s28 =	simm.s32 $0xE200;
	s5 =	sand.u32 $0x1, s5;
	v1 =	vsel vm7, $0x300, v1;
	v2 =	vsel vm7, $0x2300, v2  }
0xc: {  	vm10 =	vcmask $0x2724;
	s7 =	sshll.u32 s7, $0xA;
	[smem:$0x7FF] =	sst s8;
	s6 =	ssub.s32 $0x2, s5;
	v1 =	vsel vm8, $0x380, v1;
	v2 =	vsel vm8, $0x2380, v2  }
0xd: {  	vm11 =	vcmask $0x2B28;
	s8 =	simm.s32 $0x3200;
	s5 =	sshll.u32 s5, $0x9;
	s23 =	sshrl.u32 s6, $0x1;
	v1 =	vsel vm9, $0x1000, v1;
	v2 =	vsel vm9, $0x3000, v2  }
0xe: {  	vm12 =	vcmask $0x2F2C;
	_ =	strace $0x80000047;
	s5 =	sor.u32 s5, s7;
	s6 =	ssub.s32 s6, s23;
	v1 =	vsel vm10, $0x1080, v1;
	v2 =	vsel vm10, $0x3080, v2  }
0xf: {  	vm13 =	vcmask $0x3330;
	s7 =	sshrl.u32 s5, $0x3;
	s24 =	sadd.s32 s3, s5;
	s25 =	sadd.s32 s4, s5;
	v1 =	vsel vm11, $0x1100, v1;
	v2 =	vsel vm11, $0x3100, v2  }
0x10: {  	vm14 =	vcmask $0x3734;
	s5 =	simm.s32 $0x3;
	s4 =	simm.s32 $0x0;
	[dreg:$0x7] =	wrdreg s24;
	v1 =	vsel vm12, $0x1180, v1;
	v2 =	vsel vm12, $0x3180, v2  }
0x11: {  	v0 =	vmul.u32 $0x80, v0;
	s2 =	sadd.s32 s2, s7;
	[dreg:$0x8] =	wrdreg s25;
	s26 =	smax.u32 s6, $0x1;
	v1 =	vsel vm13, $0x1200, v1;
	v2 =	vsel vm13, $0x3200, v2  }
0x12: {  	vm15 =	vcmask $0x3B38;
	s24 =	simm.s32 $0x5200;
	s25 =	simm.s32 $0xD200;
	[dreg:$0x6] =	wrdreg s2;
	v3 =	vsel vm14, $0x1280, v1;
	v4 =	vsel vm14, $0x3280, v2  }
0x13: {  	[dreg:$0x9] =	wrdreg s26;
	s2 =	simm.s32 $0x14200;
	s26 =	simm.s32 $0x6200;
	v1 =	vor.u32 $0x800, v0;
	v2 =	vsel vm15, $0x1300, v3;
	v3 =	vsel vm15, $0x3300, v4  }
.LBB2_1:
0x14: {  	[dreg:$0xa] =	wrdreg s4  }
0x15: {  	s3 =	simm.s32 $0x0;
	s23 =	rddreg [dreg:$0x6]  }
0x16: {  	[tilespmem:s3], [sflag:$0x3] =	stream.linear.gather [hbm4b:s23+s3], $0x200, $0x38;
	[tilespmem:$0x18200] =	vst v63  }
0x17: {  	_ =	swait.ge [sflag:s5], $0x200  }
0x18: {  	[sflag:s5] =	ssyncset.done $0x0  }
0x19: {  	s6 =	simm.s32 $0xF;
	s7 =	simm.s32 $0x0;
	[sflag:s5] =	ssyncadd.s32 $0xFFFFFE00  }
.LBB2_2:
0x1a: {  	v4 =	vld [tilespmem:s7+$0x0];
	_ =	sdelay $0x4  }
0x1b: {  	(v2sf) =	vpush v4, $0x0;
	_ =	sdelay $0x2  }
0x1c: {  	(v2sf) =	vpush v4, $0x1;
	_ =	sdelay $0x3  }
0x1d: {  	(v2sf) =	vpush v4, $0x2;
	_ =	sdelay $0x7  }
0x1e: {  	s13 =	spop (v2sf);
	(v2sf) =	vpush v4, $0x3;
	_ =	sdelay $0x1  }
0x1f: {  	s3 =	sand.u32 $0xFFFFF80, s13  }
0x20: {  	s12 =	spop (v2sf);
	(v2sf) =	vpush v4, $0x4;
	s4 =	sadd.s32 s0, s3  }
0x21: {  	[tilespmem:s15], [sflag:$0x1] =	stream.strided.gather [hbm4b:s4+s11], $0x1000, s10, s11, $0x38;
	[tilespmem:$0x18200] =	vst v63  }
0x22: {  	s3 =	sadd.s32 s1, s3;
	s15 =	sand.u32 $0xFFFFF80, s12  }
0x23: {  	[tilespmem:s16], [sflag:$0x2] =	stream.strided.gather [hbm4b:s3+s11], $0x1000, s10, s11, $0x38;
	[tilespmem:$0x18200] =	vst v63  }
0x24: {  	s9 =	spop (v2sf);
	(v2sf) =	vpush v4, $0x5;
	s16 =	sadd.s32 s0, s15  }
0x25: {  	[tilespmem:s17], [sflag:$0x1] =	stream.strided.gather [hbm4b:s16+s11], $0x1000, s10, s11, $0x38;
	[tilespmem:$0x18200] =	vst v63  }
0x26: {  	s3 =	sadd.s32 s1, s15;
	s17 =	sand.u32 $0xFFFFF80, s9  }
0x27: {  	[tilespmem:s18], [sflag:$0x2] =	stream.strided.gather [hbm4b:s3+s11], $0x1000, s10, s11, $0x38;
	[tilespmem:$0x18200] =	vst v63  }
0x28: {  	s18 =	sadd.s32 s0, s17  }
0x29: {  	[tilespmem:s19], [sflag:$0x1] =	stream.strided.gather [hbm4b:s18+s11], $0x1000, s10, s11, $0x38;
	[tilespmem:$0x18200] =	vst v63  }
0x2a: {  	s3 =	sadd.s32 s1, s17  }
0x2b: {  	[tilespmem:s20], [sflag:$0x2] =	stream.strided.gather [hbm4b:s3+s11], $0x1000, s10, s11, $0x38;
	[tilespmem:$0x18200] =	vst v63  }
0x2c: {  	s3 =	spop (v2sf);
	(v2sf) =	vpush v4, $0x6;
	_ =	sdelay $0x1  }
0x2d: {  	s20 =	sand.u32 $0xFFFFF80, s3  }
0x2e: {  	s14 =	spop (v2sf);
	s5 =	sadd.s32 s0, s20  }
0x2f: {  	[tilespmem:s8], [sflag:$0x1] =	stream.strided.gather [hbm4b:s5+s11], $0x1000, s10, s11, $0x38;
	[tilespmem:$0x18200] =	vst v63  }
0x30: {  	s4 =	sadd.s32 s1, s20;
	s8 =	sand.u32 $0xFFFFF80, s14  }
0x31: {  	(v2sf) =	vpush v4, $0x7;
	[tilespmem:s21], [sflag:$0x2] =	stream.strided.gather [hbm4b:s4+s11], $0x1000, s10, s11, $0x38;
	[tilespmem:$0x18200] =	vst v63  }
0x32: {  	s5 =	spop (v2sf);
	s15 =	sadd.s32 s0, s8  }
0x33: {  	[tilespmem:s22], [sflag:$0x1] =	stream.strided.gather [hbm4b:s15+s11], $0x1000, s10, s11, $0x38;
	[tilespmem:$0x18200] =	vst v63  }
0x34: {  	s23 =	simm.s32 $0xC200;
	s16 =	sand.u32 $0xFFFFF80, s5;
	s4 =	sadd.s32 s1, s8  }
0x35: {  	[tilespmem:s23], [sflag:$0x2] =	stream.strided.gather [hbm4b:s4+s11], $0x1000, s10, s11, $0x38;
	[tilespmem:$0x18200] =	vst v63  }
0x36: {  	s17 =	sadd.s32 s0, s16  }
0x37: {  	[tilespmem:s24], [sflag:$0x1] =	stream.strided.gather [hbm4b:s17+s11], $0x1000, s10, s11, $0x38;
	[tilespmem:$0x18200] =	vst v63  }
0x38: {  	s4 =	sadd.s32 s1, s16  }
0x39: {  	[tilespmem:s25], [sflag:$0x2] =	stream.strided.gather [hbm4b:s4+s11], $0x1000, s10, s11, $0x38;
	[tilespmem:$0x18200] =	vst v63  }
0x3a: {  	s4 =	spop (v2sf)  }
0x3b: {  	s18 =	sand.u32 $0xFFFFF80, s4  }
0x3c: {  	s20 =	sadd.s32 s0, s18  }
0x3d: {  	[tilespmem:s26], [sflag:$0x1] =	stream.strided.gather [hbm4b:s20+s11], $0x1000, s10, s11, $0x38;
	[tilespmem:$0x18200] =	vst v63  }
0x3e: {  	s8 =	sadd.s32 s1, s18  }
0x3f: {  	[tilespmem:s28], [sflag:$0x2] =	stream.strided.gather [hbm4b:s8+s11], $0x1000, s10, s11, $0x38;
	[tilespmem:$0x18200] =	vst v63  }
0x40: {  	s8 =	spop (v2sf)  }
0x41: {  	s15 =	sand.u32 $0xFFFFF80, s8  }
0x42: {  	s21 =	simm.s32 $0x7200;
	s16 =	sadd.s32 s0, s15  }
0x43: {  	[tilespmem:s21], [sflag:$0x1] =	stream.strided.gather [hbm4b:s16+s11], $0x1000, s10, s11, $0x38;
	[tilespmem:$0x18200] =	vst v63  }
0x44: {  	s15 =	sadd.s32 s1, s15;
	s21 =	simm.s32 $0xF200  }
0x45: {  	[tilespmem:s21], [sflag:$0x2] =	stream.strided.gather [hbm4b:s15+s11], $0x1000, s10, s11, $0x38;
	[tilespmem:$0x18200] =	vst v63  }
0x46: {  	_ =	swait.ge [sflag:s29], $0x1000  }
0x47: {  	[sflag:s29] =	ssyncset.done $0x0  }
0x48: {  	[sflag:s29] =	ssyncadd.s32 $0xFFFFF000  }
0x49: {  	_ =	swait.ge [sflag:s30], $0x1000  }
0x4a: {  	[sflag:s30] =	ssyncset.done $0x0  }
0x4b: {  	[sflag:s30] =	ssyncadd.s32 $0xFFFFF000  }
0x4c: {  	_ =	swait.ge [sflag:s29], $0x1000  }
0x4d: {  	[sflag:s29] =	ssyncset.done $0x0  }
0x4e: {  	[sflag:s29] =	ssyncadd.s32 $0xFFFFF000  }
0x4f: {  	_ =	swait.ge [sflag:s30], $0x1000  }
0x50: {  	[sflag:s30] =	ssyncset.done $0x0  }
0x51: {  	[sflag:s30] =	ssyncadd.s32 $0xFFFFF000  }
0x52: {  	_ =	swait.ge [sflag:s29], $0x1000  }
0x53: {  	[sflag:s29] =	ssyncset.done $0x0  }
0x54: {  	[sflag:s29] =	ssyncadd.s32 $0xFFFFF000  }
0x55: {  	_ =	swait.ge [sflag:s30], $0x1000  }
0x56: {  	[sflag:s30] =	ssyncset.done $0x0  }
0x57: {  	[sflag:s30] =	ssyncadd.s32 $0xFFFFF000  }
0x58: {  	s13 =	sand.u32 $0x7F, s13;
	_ =	swait.ge [sflag:s29], $0x1000  }
0x59: {  	v5 =	vor.u32 s13, v0;
	s21 =	sadd.s32 $0xFFFFFFF1, s6;
	[sflag:s29] =	ssyncset.done $0x0  }
0x5a: {  	v7 =	vor.u32 s13, v1;
	v6 =	vmov s21;
	[sflag:s29] =	ssyncadd.s32 $0xFFFFF000  }
0x5b: {  	v8 =	vshll.u32 v6, $0x3;
	_ =	swait.ge [sflag:s30], $0x1000  }
0x5c: {  	v6 =	vand.u32 $0x70, v6;
	v8 =	vand.u32 $0xC00, v8;
	[sflag:s30] =	ssyncset.done $0x0  }
0x5d: {  	s17 =	simm.s32 $0x200;
	v6 =	vor.u32 v6, v8;
	[sflag:s30] =	ssyncadd.s32 $0xFFFFF000  }
0x5e: {  	v9 =	vor.u32 v2, v6;
	v18 =	vld.idx.msk [tilespmem:v5+s17+$0x0], $0xffff  }
0x5f: {  	v6 =	vor.u32 v3, v6;
	v10 =	vld.idx.msk [tilespmem:v7+s17+$0x0], $0xffff;
	_ =	sdelay $0x3  }
0x60: {  	[tilespmem:v9+s31+$0x0] =	vst.idx.msk $0xffff, v18  }
0x61: {  	s18 =	simm.s32 $0x8200;
	[tilespmem:v6+s31+$0x0] =	vst.idx.msk $0xffff, v10  }
0x62: {  	v5 =	vld.idx.msk [tilespmem:v5+s18+$0x0], $0xffff  }
0x63: {  	s12 =	sand.u32 $0x7F, s12;
	v7 =	vld.idx.msk [tilespmem:v7+s18+$0x0], $0xffff  }
0x64: {  	v19 =	vor.u32 s12, v0;
	s15 =	sadd.s32 $0xFFFFFFF2, s6  }
0x65: {  	v11 =	vor.u32 s12, v1;
	v20 =	vmov s15  }
0x66: {  	v12 =	vshll.u32 v20, $0x3  }
0x67: {  	v21 =	vand.u32 $0xC00, v12;
	[tilespmem:v9+s2+$0x0] =	vst.idx.msk $0xffff, v5;
	v5 =	vand.u32 $0x71, v20  }
0x68: {  	s19 =	simm.s32 $0x1200;
	[tilespmem:v6+s2+$0x0] =	vst.idx.msk $0xffff, v7;
	v5 =	vor.u32 v5, v21  }
0x69: {  	v6 =	vld.idx.msk [tilespmem:v19+s19+$0x0], $0xffff;
	v22 =	vor.u32 v2, v5  }
0x6a: {  	v23 =	vld.idx.msk [tilespmem:v11+s19+$0x0], $0xffff;
	v5 =	vor.u32 v3, v5;
	_ =	sdelay $0x3  }
0x6b: {  	[tilespmem:v22+s31+$0x0] =	vst.idx.msk $0xffff, v6  }
0x6c: {  	s20 =	simm.s32 $0x9200;
	[tilespmem:v5+s31+$0x0] =	vst.idx.msk $0xffff, v23  }
0x6d: {  	v6 =	vld.idx.msk [tilespmem:v19+s20+$0x0], $0xffff  }
0x6e: {  	s9 =	sand.u32 $0x7F, s9;
	v24 =	vld.idx.msk [tilespmem:v11+s20+$0x0], $0xffff  }
0x6f: {  	v25 =	vor.u32 s9, v0;
	s16 =	sadd.s32 $0xFFFFFFF3, s6  }
0x70: {  	v27 =	vor.u32 s9, v1;
	v26 =	vmov s16  }
0x71: {  	v28 =	vshll.u32 v26, $0x3  }
0x72: {  	v29 =	vand.u32 $0x72, v26;
	v30 =	vand.u32 $0xC00, v28;
	[tilespmem:v22+s2+$0x0] =	vst.idx.msk $0xffff, v6  }
0x73: {  	s19 =	simm.s32 $0x2200;
	[tilespmem:v5+s2+$0x0] =	vst.idx.msk $0xffff, v24;
	v5 =	vor.u32 v29, v30  }
0x74: {  	v31 =	vld.idx.msk [tilespmem:v25+s19+$0x0], $0xffff;
	v7 =	vor.u32 v2, v5  }
0x75: {  	v8 =	vld.idx.msk [tilespmem:v27+s19+$0x0], $0xffff;
	v5 =	vor.u32 v3, v5;
	_ =	sdelay $0x3  }
0x76: {  	[tilespmem:v7+s31+$0x0] =	vst.idx.msk $0xffff, v31  }
0x77: {  	s20 =	simm.s32 $0xA200;
	[tilespmem:v5+s31+$0x0] =	vst.idx.msk $0xffff, v8  }
0x78: {  	v6 =	vld.idx.msk [tilespmem:v25+s20+$0x0], $0xffff  }
0x79: {  	s3 =	sand.u32 $0x7F, s3;
	v8 =	vld.idx.msk [tilespmem:v27+s20+$0x0], $0xffff  }
0x7a: {  	v32 =	vor.u32 s3, v0;
	s21 =	sadd.s32 $0xFFFFFFF4, s6;
	(v2sf) =	vpush v4, $0x8  }
0x7b: {  	v34 =	vor.u32 s3, v1;
	v33 =	vmov s21  }
0x7c: {  	v35 =	vshll.u32 v33, $0x3  }
0x7d: {  	v36 =	vand.u32 $0x73, v33;
	v37 =	vand.u32 $0xC00, v35;
	(v2sf) =	vpush v4, $0x9;
	[tilespmem:v7+s2+$0x0] =	vst.idx.msk $0xffff, v6  }
0x7e: {  	s12 =	simm.s32 $0x3200;
	[tilespmem:v5+s2+$0x0] =	vst.idx.msk $0xffff, v8;
	v5 =	vor.u32 v36, v37  }
0x7f: {  	s13 =	simm.s32 $0x3200;
	v38 =	vld.idx.msk [tilespmem:v32+s12+$0x0], $0xffff;
	v7 =	vor.u32 v2, v5  }
0x80: {  	v8 =	vld.idx.msk [tilespmem:v34+s13+$0x0], $0xffff;
	v5 =	vor.u32 v3, v5  }
0x81: {  	(v2sf) =	vpush v4, $0xA;
	_ =	sdelay $0x2  }
0x82: {  	[tilespmem:v7+s31+$0x0] =	vst.idx.msk $0xffff, v38  }
0x83: {  	s22 =	simm.s32 $0xB200;
	[tilespmem:v5+s31+$0x0] =	vst.idx.msk $0xffff, v8  }
0x84: {  	v6 =	vld.idx.msk [tilespmem:v32+s22+$0x0], $0xffff  }
0x85: {  	v8 =	vld.idx.msk [tilespmem:v34+s22+$0x0], $0xffff;
	_ =	sdelay $0x1  }
0x86: {  	s13 =	spop (v2sf);
	(v2sf) =	vpush v4, $0xB;
	_ =	sdelay $0x1  }
0x87: {  	s15 =	sand.u32 $0xFFFFF80, s13;
	[tilespmem:v7+s2+$0x0] =	vst.idx.msk $0xffff, v6  }
0x88: {  	s12 =	spop (v2sf);
	s16 =	sadd.s32 s0, s15;
	[tilespmem:v5+s2+$0x0] =	vst.idx.msk $0xffff, v8  }
0x89: {  	[tilespmem:s17], [sflag:$0x1] =	stream.strided.gather [hbm4b:s16+s11], $0x1000, s10, s11, $0x38;
	[tilespmem:$0x18200] =	vst v63  }
0x8a: {  	s3 =	sadd.s32 s1, s15;
	s21 =	sand.u32 $0xFFFFF80, s12  }
0x8b: {  	[tilespmem:s18], [sflag:$0x2] =	stream.strided.gather [hbm4b:s3+s11], $0x1000, s10, s11, $0x38;
	[tilespmem:$0x18200] =	vst v63  }
0x8c: {  	s9 =	spop (v2sf);
	s15 =	sadd.s32 s0, s21;
	s17 =	simm.s32 $0x1200  }
0x8d: {  	[tilespmem:s17], [sflag:$0x1] =	stream.strided.gather [hbm4b:s15+s11], $0x1000, s10, s11, $0x38;
	[tilespmem:$0x18200] =	vst v63  }
0x8e: {  	s16 =	sand.u32 $0xFFFFF80, s9;
	s18 =	simm.s32 $0x9200;
	s3 =	sadd.s32 s1, s21  }
0x8f: {  	[tilespmem:s18], [sflag:$0x2] =	stream.strided.gather [hbm4b:s3+s11], $0x1000, s10, s11, $0x38;
	[tilespmem:$0x18200] =	vst v63  }
0x90: {  	s21 =	sadd.s32 s0, s16  }
0x91: {  	[tilespmem:s19], [sflag:$0x1] =	stream.strided.gather [hbm4b:s21+s11], $0x1000, s10, s11, $0x38;
	[tilespmem:$0x18200] =	vst v63  }
0x92: {  	s3 =	sadd.s32 s1, s16  }
0x93: {  	[tilespmem:s20], [sflag:$0x2] =	stream.strided.gather [hbm4b:s3+s11], $0x1000, s10, s11, $0x38;
	[tilespmem:$0x18200] =	vst v63  }
0x94: {  	s3 =	spop (v2sf)  }
0x95: {  	s15 =	sand.u32 $0xFFFFF80, s3  }
0x96: {  	s21 =	simm.s32 $0x3200;
	s16 =	sadd.s32 s0, s15  }
0x97: {  	[tilespmem:s21], [sflag:$0x1] =	stream.strided.gather [hbm4b:s16+s11], $0x1000, s10, s11, $0x38;
	[tilespmem:$0x18200] =	vst v63  }
0x98: {  	s15 =	sadd.s32 s1, s15  }
0x99: {  	[tilespmem:s22], [sflag:$0x2] =	stream.strided.gather [hbm4b:s15+s11], $0x1000, s10, s11, $0x38;
	[tilespmem:$0x18200] =	vst v63  }
0x9a: {  	_ =	swait.ge [sflag:s29], $0x1000  }
0x9b: {  	[sflag:s29] =	ssyncset.done $0x0  }
0x9c: {  	[sflag:s29] =	ssyncadd.s32 $0xFFFFF000  }
0x9d: {  	_ =	swait.ge [sflag:s30], $0x1000  }
0x9e: {  	[sflag:s30] =	ssyncset.done $0x0  }
0x9f: {  	[sflag:s30] =	ssyncadd.s32 $0xFFFFF000  }
0xa0: {  	_ =	swait.ge [sflag:s29], $0x1000  }
0xa1: {  	[sflag:s29] =	ssyncset.done $0x0  }
0xa2: {  	[sflag:s29] =	ssyncadd.s32 $0xFFFFF000  }
0xa3: {  	_ =	swait.ge [sflag:s30], $0x1000  }
0xa4: {  	[sflag:s30] =	ssyncset.done $0x0  }
0xa5: {  	[sflag:s30] =	ssyncadd.s32 $0xFFFFF000  }
0xa6: {  	_ =	swait.ge [sflag:s29], $0x1000  }
0xa7: {  	[sflag:s29] =	ssyncset.done $0x0  }
0xa8: {  	[sflag:s29] =	ssyncadd.s32 $0xFFFFF000  }
0xa9: {  	_ =	swait.ge [sflag:s30], $0x1000  }
0xaa: {  	[sflag:s30] =	ssyncset.done $0x0  }
0xab: {  	[sflag:s30] =	ssyncadd.s32 $0xFFFFF000  }
0xac: {  	s14 =	sand.u32 $0x7F, s14;
	_ =	swait.ge [sflag:s29], $0x1000  }
0xad: {  	v5 =	vor.u32 s14, v0;
	s16 =	sadd.s32 $0xFFFFFFF5, s6;
	[sflag:s29] =	ssyncset.done $0x0  }
0xae: {  	v40 =	vor.u32 s14, v1;
	v39 =	vmov s16;
	[sflag:s29] =	ssyncadd.s32 $0xFFFFF000  }
0xaf: {  	v41 =	vshll.u32 v39, $0x3;
	_ =	swait.ge [sflag:s30], $0x1000  }
0xb0: {  	v6 =	vand.u32 $0x74, v39;
	v8 =	vand.u32 $0xC00, v41;
	[sflag:s30] =	ssyncset.done $0x0  }
0xb1: {  	s22 =	simm.s32 $0x4200;
	v6 =	vor.u32 v6, v8;
	[sflag:s30] =	ssyncadd.s32 $0xFFFFF000  }
0xb2: {  	v43 =	vor.u32 v2, v6;
	v42 =	vld.idx.msk [tilespmem:v5+s22+$0x0], $0xffff  }
0xb3: {  	v6 =	vor.u32 v3, v6;
	v44 =	vld.idx.msk [tilespmem:v40+s22+$0x0], $0xffff;
	_ =	sdelay $0x3  }
0xb4: {  	[tilespmem:v43+s31+$0x0] =	vst.idx.msk $0xffff, v42  }
0xb5: {  	[tilespmem:v6+s31+$0x0] =	vst.idx.msk $0xffff, v44  }
0xb6: {  	v5 =	vld.idx.msk [tilespmem:v5+s23+$0x0], $0xffff  }
0xb7: {  	s5 =	sand.u32 $0x7F, s5;
	v7 =	vld.idx.msk [tilespmem:v40+s23+$0x0], $0xffff  }
0xb8: {  	v45 =	vor.u32 s5, v0;
	s21 =	sadd.s32 $0xFFFFFFF6, s6  }
0xb9: {  	v47 =	vor.u32 s5, v1;
	v46 =	vmov s21  }
0xba: {  	v48 =	vshll.u32 v46, $0x3  }
0xbb: {  	v49 =	vand.u32 $0xC00, v48;
	[tilespmem:v43+s2+$0x0] =	vst.idx.msk $0xffff, v5;
	v5 =	vand.u32 $0x75, v46  }
0xbc: {  	[tilespmem:v6+s2+$0x0] =	vst.idx.msk $0xffff, v7;
	v5 =	vor.u32 v5, v49  }
0xbd: {  	v6 =	vld.idx.msk [tilespmem:v45+s24+$0x0], $0xffff;
	v50 =	vor.u32 v2, v5  }
0xbe: {  	v51 =	vld.idx.msk [tilespmem:v47+s24+$0x0], $0xffff;
	v5 =	vor.u32 v3, v5;
	_ =	sdelay $0x3  }
0xbf: {  	[tilespmem:v50+s31+$0x0] =	vst.idx.msk $0xffff, v6  }
0xc0: {  	[tilespmem:v5+s31+$0x0] =	vst.idx.msk $0xffff, v51  }
0xc1: {  	v6 =	vld.idx.msk [tilespmem:v45+s25+$0x0], $0xffff  }
0xc2: {  	s4 =	sand.u32 $0x7F, s4;
	v52 =	vld.idx.msk [tilespmem:v47+s25+$0x0], $0xffff  }
0xc3: {  	v53 =	vor.u32 s4, v0;
	s15 =	sadd.s32 $0xFFFFFFF7, s6  }
0xc4: {  	v55 =	vor.u32 s4, v1;
	v54 =	vmov s15  }
0xc5: {  	v56 =	vshll.u32 v54, $0x3  }
0xc6: {  	v57 =	vand.u32 $0x76, v54;
	v58 =	vand.u32 $0xC00, v56;
	[tilespmem:v50+s2+$0x0] =	vst.idx.msk $0xffff, v6  }
0xc7: {  	[tilespmem:v5+s2+$0x0] =	vst.idx.msk $0xffff, v52;
	v5 =	vor.u32 v57, v58  }
0xc8: {  	v59 =	vld.idx.msk [tilespmem:v53+s26+$0x0], $0xffff;
	v7 =	vor.u32 v2, v5  }
0xc9: {  	v8 =	vld.idx.msk [tilespmem:v55+s26+$0x0], $0xffff;
	v5 =	vor.u32 v3, v5;
	_ =	sdelay $0x3  }
0xca: {  	[tilespmem:v7+s31+$0x0] =	vst.idx.msk $0xffff, v59  }
0xcb: {  	[tilespmem:v5+s31+$0x0] =	vst.idx.msk $0xffff, v8  }
0xcc: {  	v6 =	vld.idx.msk [tilespmem:v53+s28+$0x0], $0xffff  }
0xcd: {  	s16 =	sand.u32 $0x7F, s8;
	v8 =	vld.idx.msk [tilespmem:v55+s28+$0x0], $0xffff  }
0xce: {  	s21 =	sadd.s32 $0xFFFFFFF8, s6;
	v60 =	vor.u32 s16, v0  }
0xcf: {  	v61 =	vmov s21;
	v62 =	vor.u32 s16, v1;
	(v2sf) =	vpush v4, $0xC  }
0xd0: {  	v63 =	vshll.u32 v61, $0x3  }
0xd1: {  	v15 =	vand.u32 $0x77, v61;
	v16 =	vand.u32 $0xC00, v63;
	[tilespmem:v7+s2+$0x0] =	vst.idx.msk $0xffff, v6  }
0xd2: {  	s5 =	simm.s32 $0x7200;
	[tilespmem:v5+s2+$0x0] =	vst.idx.msk $0xffff, v8;
	v5 =	vor.u32 v15, v16  }
0xd3: {  	s8 =	simm.s32 $0x7200;
	(v2sf) =	vpush v4, $0xD;
	v17 =	vld.idx.msk [tilespmem:v60+s5+$0x0], $0xffff;
	v7 =	vor.u32 v2, v5  }
0xd4: {  	v8 =	vld.idx.msk [tilespmem:v62+s8+$0x0], $0xffff;
	v5 =	vor.u32 v3, v5;
	_ =	sdelay $0x1  }
0xd5: {  	(v2sf) =	vpush v4, $0xE;
	_ =	sdelay $0x1  }
0xd6: {  	[tilespmem:v7+s31+$0x0] =	vst.idx.msk $0xffff, v17  }
0xd7: {  	s14 =	simm.s32 $0xF200;
	[tilespmem:v5+s31+$0x0] =	vst.idx.msk $0xffff, v8  }
0xd8: {  	s15 =	simm.s32 $0xF200;
	v6 =	vld.idx.msk [tilespmem:v60+s14+$0x0], $0xffff  }
0xd9: {  	v8 =	vld.idx.msk [tilespmem:v62+s15+$0x0], $0xffff;
	_ =	sdelay $0x2  }
0xda: {  	s14 =	spop (v2sf);
	(v2sf) =	vpush v4, $0xF  }
0xdb: {  	s16 =	sand.u32 $0xFFFFF80, s14;
	[tilespmem:v7+s2+$0x0] =	vst.idx.msk $0xffff, v6  }
0xdc: {  	s21 =	sadd.s32 s0, s16;
	[tilespmem:v5+s2+$0x0] =	vst.idx.msk $0xffff, v8  }
0xdd: {  	[tilespmem:s22], [sflag:$0x1] =	stream.strided.gather [hbm4b:s21+s11], $0x1000, s10, s11, $0x38;
	[tilespmem:$0x18200] =	vst v63  }
0xde: {  	s8 =	spop (v2sf);
	s4 =	sadd.s32 s1, s16  }
0xdf: {  	[tilespmem:s23], [sflag:$0x2] =	stream.strided.gather [hbm4b:s4+s11], $0x1000, s10, s11, $0x38;
	[tilespmem:$0x18200] =	vst v63  }
0xe0: {  	s23 =	sand.u32 $0xFFFFF80, s8  }
0xe1: {  	s5 =	spop (v2sf);
	s15 =	sadd.s32 s0, s23  }
0xe2: {  	[tilespmem:s24], [sflag:$0x1] =	stream.strided.gather [hbm4b:s15+s11], $0x1000, s10, s11, $0x38;
	[tilespmem:$0x18200] =	vst v63  }
0xe3: {  	s16 =	sand.u32 $0xFFFFF80, s5;
	s4 =	sadd.s32 s1, s23  }
0xe4: {  	[tilespmem:s25], [sflag:$0x2] =	stream.strided.gather [hbm4b:s4+s11], $0x1000, s10, s11, $0x38;
	[tilespmem:$0x18200] =	vst v63  }
0xe5: {  	s21 =	sadd.s32 s0, s16  }
0xe6: {  	[tilespmem:s26], [sflag:$0x1] =	stream.strided.gather [hbm4b:s21+s11], $0x1000, s10, s11, $0x38;
	[tilespmem:$0x18200] =	vst v63  }
0xe7: {  	s4 =	sadd.s32 s1, s16  }
0xe8: {  	[tilespmem:s28], [sflag:$0x2] =	stream.strided.gather [hbm4b:s4+s11], $0x1000, s10, s11, $0x38;
	[tilespmem:$0x18200] =	vst v63  }
0xe9: {  	s4 =	spop (v2sf)  }
0xea: {  	s15 =	sand.u32 $0xFFFFF80, s4  }
0xeb: {  	s21 =	simm.s32 $0x7200;
	s23 =	sadd.s32 s0, s15  }
0xec: {  	[tilespmem:s21], [sflag:$0x1] =	stream.strided.gather [hbm4b:s23+s11], $0x1000, s10, s11, $0x38;
	[tilespmem:$0x18200] =	vst v63  }
0xed: {  	s15 =	sadd.s32 s1, s15;
	s23 =	simm.s32 $0xF200  }
0xee: {  	[tilespmem:s23], [sflag:$0x2] =	stream.strided.gather [hbm4b:s15+s11], $0x1000, s10, s11, $0x38;
	[tilespmem:$0x18200] =	vst v63  }
0xef: {  	_ =	swait.ge [sflag:s29], $0x1000  }
0xf0: {  	[sflag:s29] =	ssyncset.done $0x0  }
0xf1: {  	[sflag:s29] =	ssyncadd.s32 $0xFFFFF000  }
0xf2: {  	_ =	swait.ge [sflag:s30], $0x1000  }
0xf3: {  	[sflag:s30] =	ssyncset.done $0x0  }
0xf4: {  	[sflag:s30] =	ssyncadd.s32 $0xFFFFF000  }
0xf5: {  	_ =	swait.ge [sflag:s29], $0x1000  }
0xf6: {  	[sflag:s29] =	ssyncset.done $0x0  }
0xf7: {  	[sflag:s29] =	ssyncadd.s32 $0xFFFFF000  }
0xf8: {  	_ =	swait.ge [sflag:s30], $0x1000  }
0xf9: {  	[sflag:s30] =	ssyncset.done $0x0  }
0xfa: {  	[sflag:s30] =	ssyncadd.s32 $0xFFFFF000  }
0xfb: {  	_ =	swait.ge [sflag:s29], $0x1000  }
0xfc: {  	[sflag:s29] =	ssyncset.done $0x0  }
0xfd: {  	[sflag:s29] =	ssyncadd.s32 $0xFFFFF000  }
0xfe: {  	_ =	swait.ge [sflag:s30], $0x1000  }
0xff: {  	[sflag:s30] =	ssyncset.done $0x0  }
0x100: {  	[sflag:s30] =	ssyncadd.s32 $0xFFFFF000  }
0x101: {  	s13 =	sand.u32 $0x7F, s13;
	_ =	swait.ge [sflag:s29], $0x1000  }
0x102: {  	v4 =	vor.u32 s13, v0;
	s21 =	sadd.s32 $0xFFFFFFF9, s6;
	[sflag:s29] =	ssyncset.done $0x0  }
0x103: {  	v18 =	vor.u32 s13, v1;
	v5 =	vmov s21;
	[sflag:s29] =	ssyncadd.s32 $0xFFFFF000  }
0x104: {  	v19 =	vshll.u32 v5, $0x3;
	_ =	swait.ge [sflag:s30], $0x1000  }
0x105: {  	v5 =	vand.u32 $0x78, v5;
	v7 =	vand.u32 $0xC00, v19;
	[sflag:s30] =	ssyncset.done $0x0  }
0x106: {  	s15 =	simm.s32 $0x200;
	v5 =	vor.u32 v5, v7;
	[sflag:s30] =	ssyncadd.s32 $0xFFFFF000  }
0x107: {  	v21 =	vor.u32 v2, v5;
	v20 =	vld.idx.msk [tilespmem:v4+s15+$0x0], $0xffff  }
0x108: {  	v5 =	vor.u32 v3, v5;
	v22 =	vld.idx.msk [tilespmem:v18+s15+$0x0], $0xffff;
	_ =	sdelay $0x3  }
0x109: {  	[tilespmem:v21+s31+$0x0] =	vst.idx.msk $0xffff, v20  }
0x10a: {  	s16 =	simm.s32 $0x8200;
	[tilespmem:v5+s31+$0x0] =	vst.idx.msk $0xffff, v22  }
0x10b: {  	v4 =	vld.idx.msk [tilespmem:v4+s16+$0x0], $0xffff  }
0x10c: {  	s12 =	sand.u32 $0x7F, s12;
	v6 =	vld.idx.msk [tilespmem:v18+s16+$0x0], $0xffff  }
0x10d: {  	v23 =	vor.u32 s12, v0;
	s23 =	sadd.s32 $0xFFFFFFFA, s6  }
0x10e: {  	v25 =	vor.u32 s12, v1;
	v24 =	vmov s23  }
0x10f: {  	v26 =	vshll.u32 v24, $0x3  }
0x110: {  	v27 =	vand.u32 $0xC00, v26;
	[tilespmem:v21+s2+$0x0] =	vst.idx.msk $0xffff, v4;
	v4 =	vand.u32 $0x79, v24  }
0x111: {  	[tilespmem:v5+s2+$0x0] =	vst.idx.msk $0xffff, v6;
	v4 =	vor.u32 v4, v27  }
0x112: {  	v5 =	vld.idx.msk [tilespmem:v23+s17+$0x0], $0xffff;
	v28 =	vor.u32 v2, v4  }
0x113: {  	v29 =	vld.idx.msk [tilespmem:v25+s17+$0x0], $0xffff;
	v4 =	vor.u32 v3, v4;
	_ =	sdelay $0x3  }
0x114: {  	[tilespmem:v28+s31+$0x0] =	vst.idx.msk $0xffff, v5  }
0x115: {  	[tilespmem:v4+s31+$0x0] =	vst.idx.msk $0xffff, v29  }
0x116: {  	v5 =	vld.idx.msk [tilespmem:v23+s18+$0x0], $0xffff  }
0x117: {  	s9 =	sand.u32 $0x7F, s9;
	v30 =	vld.idx.msk [tilespmem:v25+s18+$0x0], $0xffff  }
0x118: {  	v31 =	vor.u32 s9, v0;
	s21 =	sadd.s32 $0xFFFFFFFB, s6  }
0x119: {  	v33 =	vor.u32 s9, v1;
	v32 =	vmov s21  }
0x11a: {  	v34 =	vshll.u32 v32, $0x3  }
0x11b: {  	v35 =	vand.u32 $0xC00, v34;
	[tilespmem:v28+s2+$0x0] =	vst.idx.msk $0xffff, v5;
	v5 =	vand.u32 $0x7A, v32  }
0x11c: {  	[tilespmem:v4+s2+$0x0] =	vst.idx.msk $0xffff, v30;
	v4 =	vor.u32 v5, v35  }
0x11d: {  	v5 =	vld.idx.msk [tilespmem:v31+s19+$0x0], $0xffff;
	v6 =	vor.u32 v2, v4  }
0x11e: {  	v7 =	vld.idx.msk [tilespmem:v33+s19+$0x0], $0xffff;
	v4 =	vor.u32 v3, v4;
	_ =	sdelay $0x3  }
0x11f: {  	[tilespmem:v6+s31+$0x0] =	vst.idx.msk $0xffff, v5  }
0x120: {  	[tilespmem:v4+s31+$0x0] =	vst.idx.msk $0xffff, v7  }
0x121: {  	v5 =	vld.idx.msk [tilespmem:v31+s20+$0x0], $0xffff  }
0x122: {  	s3 =	sand.u32 $0x7F, s3;
	v7 =	vld.idx.msk [tilespmem:v33+s20+$0x0], $0xffff  }
0x123: {  	v36 =	vor.u32 s3, v0;
	s23 =	sadd.s32 $0xFFFFFFFC, s6  }
0x124: {  	v38 =	vor.u32 s3, v1;
	v37 =	vmov s23  }
0x125: {  	v39 =	vshll.u32 v37, $0x3  }
0x126: {  	v40 =	vand.u32 $0xC00, v39;
	[tilespmem:v6+s2+$0x0] =	vst.idx.msk $0xffff, v5;
	v5 =	vand.u32 $0x7B, v37  }
0x127: {  	s12 =	simm.s32 $0x3200;
	[tilespmem:v4+s2+$0x0] =	vst.idx.msk $0xffff, v7;
	v4 =	vor.u32 v5, v40  }
0x128: {  	s13 =	simm.s32 $0x3200;
	v5 =	vld.idx.msk [tilespmem:v36+s12+$0x0], $0xffff;
	v6 =	vor.u32 v2, v4  }
0x129: {  	v7 =	vld.idx.msk [tilespmem:v38+s13+$0x0], $0xffff;
	v4 =	vor.u32 v3, v4;
	_ =	sdelay $0x3  }
0x12a: {  	[tilespmem:v6+s31+$0x0] =	vst.idx.msk $0xffff, v5  }
0x12b: {  	s21 =	simm.s32 $0xB200;
	[tilespmem:v4+s31+$0x0] =	vst.idx.msk $0xffff, v7  }
0x12c: {  	v5 =	vld.idx.msk [tilespmem:v36+s21+$0x0], $0xffff  }
0x12d: {  	v7 =	vld.idx.msk [tilespmem:v38+s21+$0x0], $0xffff;
	_ =	sdelay $0x3  }
0x12e: {  	[tilespmem:v6+s2+$0x0] =	vst.idx.msk $0xffff, v5  }
0x12f: {  	[tilespmem:v4+s2+$0x0] =	vst.idx.msk $0xffff, v7  }
0x130: {  	_ =	swait.ge [sflag:s29], $0x1000  }
0x131: {  	[sflag:s29] =	ssyncset.done $0x0  }
0x132: {  	[sflag:s29] =	ssyncadd.s32 $0xFFFFF000  }
0x133: {  	_ =	swait.ge [sflag:s30], $0x1000  }
0x134: {  	[sflag:s30] =	ssyncset.done $0x0  }
0x135: {  	[sflag:s30] =	ssyncadd.s32 $0xFFFFF000  }
0x136: {  	_ =	swait.ge [sflag:s29], $0x1000  }
0x137: {  	[sflag:s29] =	ssyncset.done $0x0  }
0x138: {  	[sflag:s29] =	ssyncadd.s32 $0xFFFFF000  }
0x139: {  	_ =	swait.ge [sflag:s30], $0x1000  }
0x13a: {  	[sflag:s30] =	ssyncset.done $0x0  }
0x13b: {  	[sflag:s30] =	ssyncadd.s32 $0xFFFFF000  }
0x13c: {  	_ =	swait.ge [sflag:s29], $0x1000  }
0x13d: {  	[sflag:s29] =	ssyncset.done $0x0  }
0x13e: {  	[sflag:s29] =	ssyncadd.s32 $0xFFFFF000  }
0x13f: {  	_ =	swait.ge [sflag:s30], $0x1000  }
0x140: {  	[sflag:s30] =	ssyncset.done $0x0  }
0x141: {  	[sflag:s30] =	ssyncadd.s32 $0xFFFFF000  }
0x142: {  	s14 =	sand.u32 $0x7F, s14;
	_ =	swait.ge [sflag:s29], $0x1000  }
0x143: {  	s23 =	sadd.s32 $0xFFFFFFFD, s6;
	v4 =	vor.u32 s14, v0;
	[sflag:s29] =	ssyncset.done $0x0  }
0x144: {  	v41 =	vor.u32 s14, v1;
	v5 =	vmov s23;
	[sflag:s29] =	ssyncadd.s32 $0xFFFFF000  }
0x145: {  	v42 =	vshll.u32 v5, $0x3;
	_ =	swait.ge [sflag:s30], $0x1000  }
0x146: {  	v5 =	vand.u32 $0x7C, v5;
	v7 =	vand.u32 $0xC00, v42;
	[sflag:s30] =	ssyncset.done $0x0  }
0x147: {  	v5 =	vor.u32 v5, v7;
	[sflag:s30] =	ssyncadd.s32 $0xFFFFF000  }
0x148: {  	v44 =	vor.u32 v2, v5;
	v43 =	vld.idx.msk [tilespmem:v4+s22+$0x0], $0xffff  }
0x149: {  	v5 =	vor.u32 v3, v5;
	v45 =	vld.idx.msk [tilespmem:v41+s22+$0x0], $0xffff;
	_ =	sdelay $0x3  }
0x14a: {  	[tilespmem:v44+s31+$0x0] =	vst.idx.msk $0xffff, v43  }
0x14b: {  	s12 =	simm.s32 $0xC200;
	[tilespmem:v5+s31+$0x0] =	vst.idx.msk $0xffff, v45  }
0x14c: {  	v4 =	vld.idx.msk [tilespmem:v4+s12+$0x0], $0xffff  }
0x14d: {  	s14 =	sand.u32 $0x7F, s8;
	v6 =	vld.idx.msk [tilespmem:v41+s12+$0x0], $0xffff  }
0x14e: {  	s23 =	sadd.s32 $0xFFFFFFFE, s6;
	v46 =	vor.u32 s14, v0  }
0x14f: {  	v47 =	vmov s23;
	v48 =	vor.u32 s14, v1  }
0x150: {  	v49 =	vshll.u32 v47, $0x3  }
0x151: {  	v50 =	vand.u32 $0xC00, v49;
	[tilespmem:v44+s2+$0x0] =	vst.idx.msk $0xffff, v4;
	v4 =	vand.u32 $0x7D, v47  }
0x152: {  	s13 =	simm.s32 $0x5200;
	[tilespmem:v5+s2+$0x0] =	vst.idx.msk $0xffff, v6;
	v4 =	vor.u32 v4, v50  }
0x153: {  	v5 =	vld.idx.msk [tilespmem:v46+s13+$0x0], $0xffff;
	v51 =	vor.u32 v2, v4  }
0x154: {  	v52 =	vld.idx.msk [tilespmem:v48+s13+$0x0], $0xffff;
	v4 =	vor.u32 v3, v4;
	_ =	sdelay $0x3  }
0x155: {  	[tilespmem:v51+s31+$0x0] =	vst.idx.msk $0xffff, v5  }
0x156: {  	s13 =	simm.s32 $0xD200;
	[tilespmem:v4+s31+$0x0] =	vst.idx.msk $0xffff, v52  }
0x157: {  	v5 =	vld.idx.msk [tilespmem:v46+s13+$0x0], $0xffff  }
0x158: {  	s14 =	sand.u32 $0x7F, s5;
	v53 =	vld.idx.msk [tilespmem:v48+s13+$0x0], $0xffff  }
0x159: {  	s23 =	sadd.s32 $0xFFFFFFFF, s6;
	v54 =	vor.u32 s14, v0  }
0x15a: {  	v55 =	vmov s23;
	v56 =	vor.u32 s14, v1  }
0x15b: {  	v57 =	vshll.u32 v55, $0x3  }
0x15c: {  	v58 =	vand.u32 $0xC00, v57;
	[tilespmem:v51+s2+$0x0] =	vst.idx.msk $0xffff, v5;
	v5 =	vand.u32 $0x7E, v55  }
0x15d: {  	s12 =	simm.s32 $0x6200;
	[tilespmem:v4+s2+$0x0] =	vst.idx.msk $0xffff, v53;
	v4 =	vor.u32 v5, v58  }
0x15e: {  	v5 =	vld.idx.msk [tilespmem:v54+s12+$0x0], $0xffff;
	v6 =	vor.u32 v2, v4  }
0x15f: {  	v7 =	vld.idx.msk [tilespmem:v56+s12+$0x0], $0xffff;
	v4 =	vor.u32 v3, v4;
	_ =	sdelay $0x3  }
0x160: {  	[tilespmem:v6+s31+$0x0] =	vst.idx.msk $0xffff, v5  }
0x161: {  	s14 =	simm.s32 $0xE200;
	[tilespmem:v4+s31+$0x0] =	vst.idx.msk $0xffff, v7  }
0x162: {  	v5 =	vld.idx.msk [tilespmem:v54+s14+$0x0], $0xffff  }
0x163: {  	s23 =	sand.u32 $0x7F, s4;
	v7 =	vld.idx.msk [tilespmem:v56+s14+$0x0], $0xffff  }
0x164: {  	v59 =	vor.u32 s23, v0  }
0x165: {  	v61 =	vmov s6;
	v60 =	vor.u32 s23, v1  }
0x166: {  	v62 =	vshll.u32 v61, $0x3  }
0x167: {  	v63 =	vand.u32 $0xC00, v62;
	[tilespmem:v6+s2+$0x0] =	vst.idx.msk $0xffff, v5;
	v5 =	vand.u32 $0x7F, v61  }
0x168: {  	s13 =	simm.s32 $0x7200;
	[tilespmem:v4+s2+$0x0] =	vst.idx.msk $0xffff, v7;
	v4 =	vor.u32 v5, v63  }
0x169: {  	v5 =	vld.idx.msk [tilespmem:v59+s13+$0x0], $0xffff;
	v6 =	vor.u32 v2, v4  }
0x16a: {  	v7 =	vld.idx.msk [tilespmem:v60+s13+$0x0], $0xffff;
	v4 =	vor.u32 v3, v4;
	_ =	sdelay $0x3  }
0x16b: {  	[tilespmem:v6+s31+$0x0] =	vst.idx.msk $0xffff, v5  }
0x16c: {  	s12 =	simm.s32 $0xF200;
	[tilespmem:v4+s31+$0x0] =	vst.idx.msk $0xffff, v7  }
0x16d: {  	v5 =	vld.idx.msk [tilespmem:v59+s12+$0x0], $0xffff  }
0x16e: {  	p0 =	sne.s32 s6, $0x1FF;
	v7 =	vld.idx.msk [tilespmem:v60+s12+$0x0], $0xffff  }
.Ltmp0:
0x16f: {  	_ = 	snop;
	(pc) =	sbr.rel @p0 .LBB2_2-.Ltmp0, $3  }
0x170: {  	_ =	sdelay $0x1  }
0x171: {  	[tilespmem:v6+s2+$0x0] =	vst.idx.msk $0xffff, v5  }
0x172: {  	s7 =	sadd.s32 $0x10, s7;
	s8 =	simm.s32 $0x3200;
	s6 =	sadd.s32 $0x10, s6;
	[tilespmem:v4+s2+$0x0] =	vst.idx.msk $0xffff, v7  }
0x173: {  	s3 =	rddreg [dreg:$0x7]  }
0x174: {  	s4 =	simm.s32 $0x1000;
	s6 =	simm.s32 $0x20000;
	s5 =	simm.s32 $0x3  }
0x175: {  	[hbm4b:s3+s4] =	stream.strided.scatter [tilespmem:s31], [sflag:$0x3], $0x4000, s6, s4, $0x38;
	[tilespmem:$0x18200] =	vst v63  }
0x176: {  	_ =	swait.ge [sflag:s5], $0x4000  }
0x177: {  	[sflag:s5] =	ssyncset.done $0x0  }
0x178: {  	s13 =	rddreg [dreg:$0x8];
	[sflag:s5] =	ssyncadd.s32 $0xFFFFC000  }
0x179: {  	[hbm4b:s13+s4] =	stream.strided.scatter [tilespmem:s2], [sflag:$0x3], $0x4000, s6, s4, $0x38;
	[tilespmem:$0x18200] =	vst v63  }
0x17a: {  	_ =	swait.ge [sflag:s5], $0x4000  }
0x17b: {  	s14 =	rddreg [dreg:$0xa]  }
0x17c: {  	s23 =	rddreg [dreg:$0x9];
	s4 =	sadd.s32 $0x1, s14  }
0x17d: {  	p0 =	sne.s32 s4, s23  }
.Ltmp1:
0x17e: {  	_ = 	snop;
	(pc) =	sbr.rel @p0 .LBB2_1-.Ltmp1, $3  }
0x17f: {  	_ =	sdelay $0x1  }
0x180: {  	[sflag:s5] =	ssyncset.done $0x0  }
0x181: {  	[sflag:s5] =	ssyncadd.s32 $0xFFFFC000  }
0x182: {  	_ =	sfence.sel $0x180000  }
0x183: {  	[bflag:$0x0] =	sbarrier.arrive $0xFFFF  }
0x184: {  	_ =	strace $0x90000047  }
0x185: {  	s0 =	stileid.u32;
	[bflag:$0x2] =	sbarrier.arrive $0xFFFF  }
0x186: {  	p0 =	sne.s32 s0, $0x0;
	s0 =	rddreg [dreg:$0x5]  }
0x187: {  	s0 =	sadd.s32 @!p0 $0x100000, s0  }
0x188: {  	[sflag:s0] =	ssyncadd.tile.s32 @!p0 $0x1;
	_ =	shalt  }
.Lfunc_end2:
_tile_overlayer_lowered:
.L_overlay_start_2:
0x189: {  	(tag) =	ssettag $0x2  }
0x18a: {  	s0 =	rddreg [dreg:$0x0];
	s2 =	stileid.u32  }
0x18b: {  	s1 =	rddreg [dreg:$0x1];
	p0 =	sne.s32 s2, $0x0  }
0x18c: {  	s3 =	rddreg [dreg:$0x2];
	[bflag:$0x3] =	sbarrier.arrive $0xFFFF;
	s2 =	simm.s32 @!p0 $0x1C03  }
0x18d: {  	[timem:s3], [sflag:s2] =	dma.local @!p0 [hbm:s0], s1  }
0x18e: {  	s0 =	simm.s32 @!p0 $0x3  }
0x18f: {  	_ =	swait.ge @!p0 [sflag:s0], s1  }
0x190: {  	s1 =	ssub.s32 @!p0 $0x0, s1;
	[sflag:s0] =	ssyncset.done @!p0 $0x0  }
0x191: {  	[sflag:s0] =	ssyncadd.s32 @!p0 s1  }
0x192: {  	[bflag:$0x3] =	sbarrier.arrive $0xFFFF  }
0x193: {  	_ =	shalt  }

</sc_bundles>
